<compile_context>
chip_gen: v7x
topology: tpu7x:2x2x1
jax: 0.10.2.dev20260603
libtpu: 0.0.44.dev20260713+nightly
codegen_flags: <defaults>
</compile_context>

<pallas_src>
import functools

import jax
import jax.numpy as jnp
from jax import lax
from jax.experimental import pallas as pl
from jax.experimental.pallas import tpu as pltpu
from jax.experimental.pallas import tpu_sc as plsc

N = 10000
E = 320000
NUM_GRAPHS = 64
D_IN = 3
H = 128
DENSE = 256

NC = 2
NS = 16
NW = NC * NS
NPAD = 10112
CHUNK = 128
CH0 = 106
CH1 = 52
CHM = max(CH0, CH1)
EP0 = NS * CH0 * CHUNK
EP1 = NS * CH1 * CHUNK
EP = EP0 + EP1
RPT = NPAD // NS

_HIGH = jax.lax.Precision.HIGHEST


def _mesh():
    return plsc.VectorSubcoreMesh(core_axis_name="c", subcore_axis_name="s")



def _core_stage(c, s, a0_hbm, a1_hbm, buf, sem):
    @pl.when(c == 0)
    def _():
        pltpu.async_copy(a0_hbm.at[s], buf.at[pl.ds(0, CH0)], sem)

    @pl.when(c != 0)
    def _():
        pltpu.async_copy(a1_hbm.at[s], buf.at[pl.ds(0, CH1)], sem)


def _core_stage_wait(c, s, a0_hbm, a1_hbm, buf, sem):
    @pl.when(c == 0)
    def _():
        pltpu.make_async_copy(a0_hbm.at[s], buf.at[pl.ds(0, CH0)], sem).wait()

    @pl.when(c != 0)
    def _():
        pltpu.make_async_copy(a1_hbm.at[s], buf.at[pl.ds(0, CH1)], sem).wait()


def _deg_kernel(ones_hbm, zeros_hbm, d0_hbm, d1_hbm, out_hbm,
                dst_v, ones_v, acc, sem_a, sem_b):
    c = lax.axis_index("c")
    s = lax.axis_index("s")
    _core_stage(c, s, d0_hbm, d1_hbm, dst_v, sem_a)
    cp_o = pltpu.async_copy(ones_hbm.at[pl.ds(0, CHUNK)], ones_v, sem_b)

    @pl.when(c == 0)
    def _():
        pltpu.sync_copy(ones_hbm.at[pl.ds(s * RPT, RPT)],
                        acc.at[pl.ds(s * RPT, RPT)])

    @pl.when(c != 0)
    def _():
        pltpu.sync_copy(zeros_hbm.at[pl.ds(s * RPT, RPT)],
                        acc.at[pl.ds(s * RPT, RPT)])

    _core_stage_wait(c, s, d0_hbm, d1_hbm, dst_v, sem_a)
    cp_o.wait()
    plsc.subcore_barrier()

    trip = jnp.where(c == 0, CH0, CH1)

    def body(j, carry):
        pltpu.sync_copy(ones_v, acc.at[dst_v.at[j]], add=True)
        return carry

    lax.fori_loop(0, trip, body, 0)
    plsc.subcore_barrier()
    pltpu.sync_copy(acc.at[pl.ds(s * RPT, RPT)],
                    out_hbm.at[c, pl.ds(s * RPT, RPT)])


def _deg(ones16, zeros16, d0, d1):
    k = functools.partial(
        pl.kernel,
        mesh=_mesh(),
        out_type=jax.ShapeDtypeStruct((NC, NPAD, 16), jnp.float32),
        scratch_types=[
            pltpu.VMEM((CHM, CHUNK), jnp.int32),
            pltpu.VMEM((CHUNK, 16), jnp.float32),
            pltpu.VMEM_SHARED((NPAD, 16), jnp.float32),
            pltpu.SemaphoreType.DMA,
            pltpu.SemaphoreType.DMA,
        ],
    )(_deg_kernel)
    return k(ones16, zeros16, d0, d1)


def _prop_kernel(D, g_hbm, zeros_hbm, s0_hbm, d0_hbm, s1_hbm, d1_hbm, out_hbm,
                 src_v, dst_v, rows_v, acc, sem_a, sem_b, sem_g):
    c = lax.axis_index("c")
    s = lax.axis_index("s")
    _core_stage(c, s, s0_hbm, s1_hbm, src_v, sem_a)
    _core_stage(c, s, d0_hbm, d1_hbm, dst_v, sem_b)

    @pl.when(c == 0)
    def _():
        pltpu.sync_copy(g_hbm.at[pl.ds(s * RPT, RPT)],
                        acc.at[pl.ds(s * RPT, RPT)])

    @pl.when(c != 0)
    def _():
        pltpu.sync_copy(zeros_hbm.at[pl.ds(s * RPT, RPT)],
                        acc.at[pl.ds(s * RPT, RPT)])

    _core_stage_wait(c, s, s0_hbm, s1_hbm, src_v, sem_a)
    _core_stage_wait(c, s, d0_hbm, d1_hbm, dst_v, sem_b)
    plsc.subcore_barrier()

    trip = jnp.where(c == 0, CH0, CH1)

    def body(j, carry):
        pltpu.async_copy(g_hbm.at[src_v.at[j]], rows_v, sem_g).wait()
        pltpu.sync_copy(rows_v, acc.at[dst_v.at[j]], add=True)
        return carry

    lax.fori_loop(0, trip, body, 0)
    plsc.subcore_barrier()
    pltpu.sync_copy(acc.at[pl.ds(s * RPT, RPT)],
                    out_hbm.at[c, pl.ds(s * RPT, RPT)])


def _prop(D, g, zerosD, s0, d0, s1, d1):
    k = functools.partial(
        pl.kernel,
        mesh=_mesh(),
        out_type=jax.ShapeDtypeStruct((NC, NPAD, D), jnp.float32),
        scratch_types=[
            pltpu.VMEM((CHM, CHUNK), jnp.int32),
            pltpu.VMEM((CHM, CHUNK), jnp.int32),
            pltpu.VMEM((CHUNK, D), jnp.float32),
            pltpu.VMEM_SHARED((NPAD, D), jnp.float32),
            pltpu.SemaphoreType.DMA,
            pltpu.SemaphoreType.DMA,
            pltpu.SemaphoreType.DMA,
        ],
    )(functools.partial(_prop_kernel, D))
    return k(g, zerosD, s0, d0, s1, d1)



def _k1_kernel(degp_ref, x_ref, dinv_ref, xs_ref):
    deg = degp_ref[0, :, 0:1] + degp_ref[1, :, 0:1]
    dinv = jax.lax.rsqrt(deg)
    dinv_ref[...] = dinv
    xs_ref[...] = dinv * x_ref[...]


def _k1(degp, x128):
    return pl.pallas_call(
        _k1_kernel,
        out_shape=(
            jax.ShapeDtypeStruct((NPAD, 1), jnp.float32),
            jax.ShapeDtypeStruct((NPAD, H), jnp.float32),
        ),
    )(degp, x128)


def _mm_kernel(s0_ref, s1_ref, dinv_ref, b_ref, Wa_ref, Wb_ref, out_ref):
    dinv = dinv_ref[...]
    y = dinv * (s0_ref[0] + s1_ref[0])
    if Wa_ref is not None:
        y = jnp.maximum(
            lax.dot(y, Wa_ref[...], precision=_HIGH,
                    preferred_element_type=jnp.float32) + b_ref[...], 0.0)
    else:
        y = jnp.maximum(y + b_ref[...], 0.0)
    out_ref[...] = dinv * lax.dot(y, Wb_ref[...], precision=_HIGH,
                                  preferred_element_type=jnp.float32)


def _mm2(sp, dinv, b0, W0p, W1):
    blk = 2528
    grid = (NPAD // blk,)
    return pl.pallas_call(
        _mm_kernel,
        grid=grid,
        in_specs=[
            pl.BlockSpec((1, blk, H), lambda i: (0, i, 0)),
            pl.BlockSpec((1, blk, H), lambda i: (1, i, 0)),
            pl.BlockSpec((blk, 1), lambda i: (i, 0)),
            pl.BlockSpec((H,), lambda i: (0,)),
            pl.BlockSpec((H, H), lambda i: (0, 0)),
            pl.BlockSpec((H, H), lambda i: (0, 0)),
        ],
        out_specs=pl.BlockSpec((blk, H), lambda i: (i, 0)),
        out_shape=jax.ShapeDtypeStruct((NPAD, H), jnp.float32),
    )(sp, sp, dinv, b0, W0p, W1)


def _mm128_kernel(s0_ref, s1_ref, dinv_ref, b_ref, Wb_ref, out_ref):
    _mm_kernel(s0_ref, s1_ref, dinv_ref, b_ref, None, Wb_ref, out_ref)


def _mm128(sp, dinv, b, W):
    blk = 2528
    grid = (NPAD // blk,)
    return pl.pallas_call(
        _mm128_kernel,
        grid=grid,
        in_specs=[
            pl.BlockSpec((1, blk, H), lambda i: (0, i, 0)),
            pl.BlockSpec((1, blk, H), lambda i: (1, i, 0)),
            pl.BlockSpec((blk, 1), lambda i: (i, 0)),
            pl.BlockSpec((H,), lambda i: (0,)),
            pl.BlockSpec((H, H), lambda i: (0, 0)),
        ],
        out_specs=pl.BlockSpec((blk, H), lambda i: (i, 0)),
        out_shape=jax.ShapeDtypeStruct((NPAD, H), jnp.float32),
    )(sp, sp, dinv, b, W)


def _head_kernel(s0_ref, s1_ref, dinv_ref, b2_ref, batch_ref,
                 fc1w_ref, fc1b_ref, fc2w_ref, fc2b_ref,
                 out_ref, sums_ref, counts_ref):
    i = pl.program_id(0)
    nblk = pl.num_programs(0)

    @pl.when(i == 0)
    def _init():
        sums_ref[...] = jnp.zeros_like(sums_ref)
        counts_ref[...] = jnp.zeros_like(counts_ref)

    h = jnp.maximum(dinv_ref[...] * (s0_ref[0] + s1_ref[0]) + b2_ref[...],
                    0.0)
    b = batch_ref[...]
    gid = jax.lax.broadcasted_iota(jnp.int32, (b.shape[0], NUM_GRAPHS), 1)
    m = (gid == b).astype(jnp.float32)
    dn = (((0,), (0,)), ((), ()))
    sums_ref[...] += lax.dot_general(m, h, dn, precision=_HIGH,
                                     preferred_element_type=jnp.float32)
    counts_ref[...] += lax.dot_general(
        m, jnp.ones((b.shape[0], 1), jnp.float32), dn, precision=_HIGH,
        preferred_element_type=jnp.float32)

    @pl.when(i == nblk - 1)
    def _fini():
        pooled = sums_ref[...] / jnp.maximum(counts_ref[...], 1.0)
        z = jnp.maximum(
            lax.dot(pooled, fc1w_ref[...], precision=_HIGH,
                    preferred_element_type=jnp.float32) + fc1b_ref[...], 0.0)
        out_ref[...] = (lax.dot(z, fc2w_ref[...], precision=_HIGH,
                                preferred_element_type=jnp.float32)
                        + fc2b_ref[...])


def _head(sp, dinv, b2, batch2, fc1_w, fc1_b, fc2_w, fc2_b):
    blk = 2528
    grid = (NPAD // blk,)
    return pl.pallas_call(
        _head_kernel,
        grid=grid,
        in_specs=[
            pl.BlockSpec((1, blk, H), lambda i: (0, i, 0)),
            pl.BlockSpec((1, blk, H), lambda i: (1, i, 0)),
            pl.BlockSpec((blk, 1), lambda i: (i, 0)),
            pl.BlockSpec((H,), lambda i: (0,)),
            pl.BlockSpec((blk, 1), lambda i: (i, 0)),
            pl.BlockSpec((H, DENSE), lambda i: (0, 0)),
            pl.BlockSpec((DENSE,), lambda i: (0,)),
            pl.BlockSpec((DENSE, 1), lambda i: (0, 0)),
            pl.BlockSpec((1,), lambda i: (0,)),
        ],
        out_specs=pl.BlockSpec((NUM_GRAPHS, 1), lambda i: (0, 0)),
        out_shape=jax.ShapeDtypeStruct((NUM_GRAPHS, 1), jnp.float32),
        scratch_shapes=[
            pltpu.VMEM((NUM_GRAPHS, H), jnp.float32),
            pltpu.VMEM((NUM_GRAPHS, 1), jnp.float32),
        ],
    )(sp, sp, dinv, b2, batch2, fc1_w, fc1_b, fc2_w, fc2_b)



def kernel(x, edge_index, batch, W0, b0, W1, b1, W2, b2,
           fc1_w, fc1_b, fc2_w, fc2_b):
    src = edge_index[0].astype(jnp.int32)
    dst = edge_index[1].astype(jnp.int32)
    pad = jnp.full((EP - E,), N, jnp.int32)
    srcp = jnp.concatenate([src, pad])
    dstp = jnp.concatenate([dst, pad])
    s0 = srcp[:EP0].reshape(NS, CH0, CHUNK)
    s1 = srcp[EP0:].reshape(NS, CH1, CHUNK)
    d0 = dstp[:EP0].reshape(NS, CH0, CHUNK)
    d1 = dstp[EP0:].reshape(NS, CH1, CHUNK)

    ones16 = jnp.ones((NPAD, 16), jnp.float32)
    zeros16 = jnp.zeros((NPAD, 16), jnp.float32)
    zeros128 = jnp.zeros((NPAD, H), jnp.float32)
    x128 = jnp.pad(x, ((0, NPAD - N), (0, H - D_IN)))
    W0p = jnp.pad(W0, ((0, H - D_IN), (0, 0)))
    batch2 = jnp.pad(batch.astype(jnp.int32), (0, NPAD - N),
                     constant_values=NUM_GRAPHS).reshape(NPAD, 1)

    degp = _deg(ones16, zeros16, d0, d1)
    dinv, xs = _k1(degp, x128)
    sp0 = _prop(H, xs, zeros128, s0, d0, s1, d1)
    g1 = _mm2(sp0, dinv, b0, W0p, W1)
    sp1 = _prop(H, g1, zeros128, s0, d0, s1, d1)
    g2 = _mm128(sp1, dinv, b1, W2)
    sp2 = _prop(H, g2, zeros128, s0, d0, s1, d1)
    return _head(sp2, dinv, b2, batch2, fc1_w, fc1_b, fc2_w, fc2_b)

# --- scband reference (transcript-rebuilt; emitter-appended) ---
"""Pipeline reference for scband-gcn-21509196218553 (READ-ONLY COPY).

The authoritative reference and input builder live on the scoring server;
editing this copy changes nothing except your own understanding.
"""

import jax, jax.numpy as jnp
import numpy as np

N = 10000
E = 320000
NUM_GRAPHS = 64
D_IN = 3
H = 128
DENSE = 256


def gcn_conv(x, edge_index, W, b):
    n = x.shape[0]
    loops = jnp.arange(n, dtype=edge_index.dtype)
    src = jnp.concatenate([edge_index[0], loops])
    dst = jnp.concatenate([edge_index[1], loops])
    deg = jax.ops.segment_sum(jnp.ones(src.shape, dtype=x.dtype), dst, num_segments=n)
    dinv = jnp.where(deg > 0, deg ** -0.5, 0.0)
    norm = dinv[src] * dinv[dst]
    h = x @ W
    msg = h[src] * norm[:, None]
    out = jax.ops.segment_sum(msg, dst, num_segments=n)
    return out + b


def setup_inputs(seed: int = 0) -> dict:
    key = jax.random.key(seed)
    ks = jax.random.split(key, 12)
    x = jax.random.normal(ks[0], (N, D_IN), dtype=jnp.float32)
    edge_index = jax.random.randint(ks[1], (2, E), 0, N, dtype=jnp.int64)
    batch = jnp.sort(jax.random.randint(ks[2], (N,), 0, NUM_GRAPHS, dtype=jnp.int64))
    W0 = jax.random.normal(ks[3], (D_IN, H), dtype=jnp.float32) * 0.1
    b0 = jnp.zeros((H,), dtype=jnp.float32)
    W1 = jax.random.normal(ks[4], (H, H), dtype=jnp.float32) * 0.05
    b1 = jnp.zeros((H,), dtype=jnp.float32)
    W2 = jax.random.normal(ks[5], (H, H), dtype=jnp.float32) * 0.05
    b2 = jnp.zeros((H,), dtype=jnp.float32)
    fc1_w = jax.random.normal(ks[6], (H, DENSE), dtype=jnp.float32) * 0.05
    fc1_b = jnp.zeros((DENSE,), dtype=jnp.float32)
    fc2_w = jax.random.normal(ks[7], (DENSE, 1), dtype=jnp.float32) * 0.05
    fc2_b = jnp.zeros((1,), dtype=jnp.float32)
    return {"x": x, "edge_index": edge_index, "batch": batch, "W0": W0, "b0": b0, "W1": W1, "b1": b1, "W2": W2, "b2": b2, "fc1_w": fc1_w, "fc1_b": fc1_b, "fc2_w": fc2_w, "fc2_b": fc2_b}


def reference(x, edge_index, batch, W0, b0, W1, b1, W2, b2, fc1_w, fc1_b, fc2_w, fc2_b):
    h = jax.nn.relu(gcn_conv(x, edge_index, W0, b0))
    h = jax.nn.relu(gcn_conv(h, edge_index, W1, b1))
    h = jax.nn.relu(gcn_conv(h, edge_index, W2, b2))
    sums = jax.ops.segment_sum(h, batch, num_segments=NUM_GRAPHS)
    counts = jax.ops.segment_sum(jnp.ones((h.shape[0],), dtype=h.dtype), batch, num_segments=NUM_GRAPHS)
    pooled = sums / jnp.clip(counts, 1.0)[:, None]
    z = jax.nn.relu(pooled @ fc1_w + fc1_b)
    out = z @ fc2_w + fc2_b
    return out

if __name__ == "__main__":
    import jax
    _d = setup_inputs()
    print(jax.jit(kernel)(*tuple(_d.values())))

</pallas_src>

<mosaic_0001>
#map = affine_map<(d0, d1) -> (0, 0)>
#map1 = affine_map<(d0, d1) -> (0, 0, 0)>
module attributes {stable_mosaic.version = 14 : i64} {
  func.func @_prop_kernel(%arg0: i32, %arg1: i32, %arg2: memref<10112x128xf32, #tpu.memory_space<hbm>>, %arg3: memref<10112x128xf32, #tpu.memory_space<hbm>>, %arg4: memref<16x106x128xi32, #tpu.memory_space<hbm>>, %arg5: memref<16x106x128xi32, #tpu.memory_space<hbm>>, %arg6: memref<16x52x128xi32, #tpu.memory_space<hbm>>, %arg7: memref<16x52x128xi32, #tpu.memory_space<hbm>>, %arg8: memref<2x10112x128xf32, #tpu.memory_space<hbm>>, %arg9: memref<106x128xi32, #tpu.memory_space<vmem>>, %arg10: memref<106x128xi32, #tpu.memory_space<vmem>>, %arg11: memref<128x128xf32, #tpu.memory_space<vmem>>, %arg12: memref<10112x128xf32, #tpu.memory_space<vmem_shared>>, %arg13: memref<!tpu.dma_semaphore, #tpu.memory_space<semaphore_mem>>, %arg14: memref<!tpu.dma_semaphore, #tpu.memory_space<semaphore_mem>>, %arg15: memref<!tpu.dma_semaphore, #tpu.memory_space<semaphore_mem>>) attributes {dimension_semantics = [#tpu.dimension_semantics<core_parallel>, #tpu.dimension_semantics<subcore_parallel>], iteration_bounds = array<i64: 2, 16>, scalar_prefetch = 0 : i64, scratch_operands = 7 : i64, tpu.core_type = #tpu.core_type<sc_vector_subcore>, window_params = [{transform_indices = #map}, {transform_indices = #map}, {transform_indices = #map1}, {transform_indices = #map1}, {transform_indices = #map1}, {transform_indices = #map1}, {transform_indices = #map1}]} {
    %eq3A = arith.constant 0 : i32
    %eq3A_0 = arith.cmpi eq, %arg0, %eq3A : i32
    %convert_element_type3A = arith.extui %eq3A_0 : i1 to i32
    %cond3A = arith.constant 0 : i32
    %cond3A_1 = arith.cmpi ne, %convert_element_type3A, %cond3A : i32
    scf.if %cond3A_1 {
      %dma_start3A = arith.constant 0 : i32
      %dma_start3A_62 = arith.constant 0 : i32
      %dma_start3A_63 = tpu.memref_slice %arg9[%dma_start3A, %dma_start3A_62] : memref<106x128xi32, #tpu.memory_space<vmem>> -> memref<106x128xi32, #tpu.memory_space<vmem>>
      %dma_start3A_64 = arith.constant 0 : i32
      %dma_start3A_65 = arith.constant 0 : i32
      %dma_start3A_66 = tpu.memref_slice %arg4[%arg1, %dma_start3A_64, %dma_start3A_65] : memref<16x106x128xi32, #tpu.memory_space<hbm>> -> memref<1x106x128xi32, #tpu.memory_space<hbm>>
      %dma_start3A_67 = tpu.memref_squeeze %dma_start3A_66 : memref<1x106x128xi32, #tpu.memory_space<hbm>> -> memref<106x128xi32, #tpu.memory_space<hbm>>
      %dma_start3A_68 = arith.constant 0 : i32
      %dma_start3A_69 = arith.constant 0 : i32
      %dma_start3A_70 = tpu.memref_slice %arg9[%dma_start3A_68, %dma_start3A_69] : memref<106x128xi32, #tpu.memory_space<vmem>> -> memref<106x128xi32, #tpu.memory_space<vmem>>
      %dma_start3A_71 = arith.constant 0 : i32
      %dma_start3A_72 = arith.constant 0 : i32
      %dma_start3A_73 = tpu.memref_slice %arg4[%arg1, %dma_start3A_71, %dma_start3A_72] : memref<16x106x128xi32, #tpu.memory_space<hbm>> -> memref<1x106x128xi32, #tpu.memory_space<hbm>>
      %dma_start3A_74 = tpu.memref_squeeze %dma_start3A_73 : memref<1x106x128xi32, #tpu.memory_space<hbm>> -> memref<106x128xi32, #tpu.memory_space<hbm>>
      tpu.enqueue_dma source(%dma_start3A_74 : memref<106x128xi32, #tpu.memory_space<hbm>>) target(%dma_start3A_70 : memref<106x128xi32, #tpu.memory_space<vmem>>) target_semaphore(%arg13 : memref<!tpu.dma_semaphore, #tpu.memory_space<semaphore_mem>>)
    } else {
    }
    %ne3A = arith.constant 0 : i32
    %ne3A_2 = arith.cmpi ne, %arg0, %ne3A : i32
    %convert_element_type3A_3 = arith.extui %ne3A_2 : i1 to i32
    %cond3A_4 = arith.constant 0 : i32
    %cond3A_5 = arith.cmpi ne, %convert_element_type3A_3, %cond3A_4 : i32
    scf.if %cond3A_5 {
      %dma_start3A = arith.constant 0 : i32
      %dma_start3A_62 = arith.constant 0 : i32
      %dma_start3A_63 = tpu.memref_slice %arg9[%dma_start3A, %dma_start3A_62] : memref<106x128xi32, #tpu.memory_space<vmem>> -> memref<52x128xi32, #tpu.memory_space<vmem>>
      %dma_start3A_64 = arith.constant 0 : i32
      %dma_start3A_65 = arith.constant 0 : i32
      %dma_start3A_66 = tpu.memref_slice %arg6[%arg1, %dma_start3A_64, %dma_start3A_65] : memref<16x52x128xi32, #tpu.memory_space<hbm>> -> memref<1x52x128xi32, #tpu.memory_space<hbm>>
      %dma_start3A_67 = tpu.memref_squeeze %dma_start3A_66 : memref<1x52x128xi32, #tpu.memory_space<hbm>> -> memref<52x128xi32, #tpu.memory_space<hbm>>
      %dma_start3A_68 = arith.constant 0 : i32
      %dma_start3A_69 = arith.constant 0 : i32
      %dma_start3A_70 = tpu.memref_slice %arg9[%dma_start3A_68, %dma_start3A_69] : memref<106x128xi32, #tpu.memory_space<vmem>> -> memref<52x128xi32, #tpu.memory_space<vmem>>
      %dma_start3A_71 = arith.constant 0 : i32
      %dma_start3A_72 = arith.constant 0 : i32
      %dma_start3A_73 = tpu.memref_slice %arg6[%arg1, %dma_start3A_71, %dma_start3A_72] : memref<16x52x128xi32, #tpu.memory_space<hbm>> -> memref<1x52x128xi32, #tpu.memory_space<hbm>>
      %dma_start3A_74 = tpu.memref_squeeze %dma_start3A_73 : memref<1x52x128xi32, #tpu.memory_space<hbm>> -> memref<52x128xi32, #tpu.memory_space<hbm>>
      tpu.enqueue_dma source(%dma_start3A_74 : memref<52x128xi32, #tpu.memory_space<hbm>>) target(%dma_start3A_70 : memref<52x128xi32, #tpu.memory_space<vmem>>) target_semaphore(%arg13 : memref<!tpu.dma_semaphore, #tpu.memory_space<semaphore_mem>>)
    } else {
    }
    %eq3A_6 = arith.constant 0 : i32
    %eq3A_7 = arith.cmpi eq, %arg0, %eq3A_6 : i32
    %convert_element_type3A_8 = arith.extui %eq3A_7 : i1 to i32
    %cond3A_9 = arith.constant 0 : i32
    %cond3A_10 = arith.cmpi ne, %convert_element_type3A_8, %cond3A_9 : i32
    scf.if %cond3A_10 {
      %dma_start3A = arith.constant 0 : i32
      %dma_start3A_62 = arith.constant 0 : i32
      %dma_start3A_63 = tpu.memref_slice %arg10[%dma_start3A, %dma_start3A_62] : memref<106x128xi32, #tpu.memory_space<vmem>> -> memref<106x128xi32, #tpu.memory_space<vmem>>
      %dma_start3A_64 = arith.constant 0 : i32
      %dma_start3A_65 = arith.constant 0 : i32
      %dma_start3A_66 = tpu.memref_slice %arg5[%arg1, %dma_start3A_64, %dma_start3A_65] : memref<16x106x128xi32, #tpu.memory_space<hbm>> -> memref<1x106x128xi32, #tpu.memory_space<hbm>>
      %dma_start3A_67 = tpu.memref_squeeze %dma_start3A_66 : memref<1x106x128xi32, #tpu.memory_space<hbm>> -> memref<106x128xi32, #tpu.memory_space<hbm>>
      %dma_start3A_68 = arith.constant 0 : i32
      %dma_start3A_69 = arith.constant 0 : i32
      %dma_start3A_70 = tpu.memref_slice %arg10[%dma_start3A_68, %dma_start3A_69] : memref<106x128xi32, #tpu.memory_space<vmem>> -> memref<106x128xi32, #tpu.memory_space<vmem>>
      %dma_start3A_71 = arith.constant 0 : i32
      %dma_start3A_72 = arith.constant 0 : i32
      %dma_start3A_73 = tpu.memref_slice %arg5[%arg1, %dma_start3A_71, %dma_start3A_72] : memref<16x106x128xi32, #tpu.memory_space<hbm>> -> memref<1x106x128xi32, #tpu.memory_space<hbm>>
      %dma_start3A_74 = tpu.memref_squeeze %dma_start3A_73 : memref<1x106x128xi32, #tpu.memory_space<hbm>> -> memref<106x128xi32, #tpu.memory_space<hbm>>
      tpu.enqueue_dma source(%dma_start3A_74 : memref<106x128xi32, #tpu.memory_space<hbm>>) target(%dma_start3A_70 : memref<106x128xi32, #tpu.memory_space<vmem>>) target_semaphore(%arg14 : memref<!tpu.dma_semaphore, #tpu.memory_space<semaphore_mem>>)
    } else {
    }
    %ne3A_11 = arith.constant 0 : i32
    %ne3A_12 = arith.cmpi ne, %arg0, %ne3A_11 : i32
    %convert_element_type3A_13 = arith.extui %ne3A_12 : i1 to i32
    %cond3A_14 = arith.constant 0 : i32
    %cond3A_15 = arith.cmpi ne, %convert_element_type3A_13, %cond3A_14 : i32
    scf.if %cond3A_15 {
      %dma_start3A = arith.constant 0 : i32
      %dma_start3A_62 = arith.constant 0 : i32
      %dma_start3A_63 = tpu.memref_slice %arg10[%dma_start3A, %dma_start3A_62] : memref<106x128xi32, #tpu.memory_space<vmem>> -> memref<52x128xi32, #tpu.memory_space<vmem>>
      %dma_start3A_64 = arith.constant 0 : i32
      %dma_start3A_65 = arith.constant 0 : i32
      %dma_start3A_66 = tpu.memref_slice %arg7[%arg1, %dma_start3A_64, %dma_start3A_65] : memref<16x52x128xi32, #tpu.memory_space<hbm>> -> memref<1x52x128xi32, #tpu.memory_space<hbm>>
      %dma_start3A_67 = tpu.memref_squeeze %dma_start3A_66 : memref<1x52x128xi32, #tpu.memory_space<hbm>> -> memref<52x128xi32, #tpu.memory_space<hbm>>
      %dma_start3A_68 = arith.constant 0 : i32
      %dma_start3A_69 = arith.constant 0 : i32
      %dma_start3A_70 = tpu.memref_slice %arg10[%dma_start3A_68, %dma_start3A_69] : memref<106x128xi32, #tpu.memory_space<vmem>> -> memref<52x128xi32, #tpu.memory_space<vmem>>
      %dma_start3A_71 = arith.constant 0 : i32
      %dma_start3A_72 = arith.constant 0 : i32
      %dma_start3A_73 = tpu.memref_slice %arg7[%arg1, %dma_start3A_71, %dma_start3A_72] : memref<16x52x128xi32, #tpu.memory_space<hbm>> -> memref<1x52x128xi32, #tpu.memory_space<hbm>>
      %dma_start3A_74 = tpu.memref_squeeze %dma_start3A_73 : memref<1x52x128xi32, #tpu.memory_space<hbm>> -> memref<52x128xi32, #tpu.memory_space<hbm>>
      tpu.enqueue_dma source(%dma_start3A_74 : memref<52x128xi32, #tpu.memory_space<hbm>>) target(%dma_start3A_70 : memref<52x128xi32, #tpu.memory_space<vmem>>) target_semaphore(%arg14 : memref<!tpu.dma_semaphore, #tpu.memory_space<semaphore_mem>>)
    } else {
    }
    %eq3A_16 = arith.constant 0 : i32
    %eq3A_17 = arith.cmpi eq, %arg0, %eq3A_16 : i32
    %convert_element_type3A_18 = arith.extui %eq3A_17 : i1 to i32
    %cond3A_19 = arith.constant 0 : i32
    %cond3A_20 = arith.cmpi ne, %convert_element_type3A_18, %cond3A_19 : i32
    scf.if %cond3A_20 {
      %mul3A_62 = arith.constant 632 : i32
      %mul3A_63 = arith.muli %arg1, %mul3A_62 : i32
      %mul3A_64 = arith.constant 632 : i32
      %mul3A_65 = arith.muli %arg1, %mul3A_64 : i32
      "tpu.region"() ({
        %run_scoped3A = tpu.sem_alloc : memref<!tpu.dma_semaphore, #tpu.memory_space<semaphore_mem>>
        %dma_start3A = arith.constant 0 : i32
        %dma_start3A_66 = tpu.memref_slice %arg12[%mul3A_65, %dma_start3A] : memref<10112x128xf32, #tpu.memory_space<vmem_shared>> -> memref<632x128xf32, #tpu.memory_space<vmem_shared>>
        %dma_start3A_67 = arith.constant 0 : i32
        %dma_start3A_68 = tpu.memref_slice %arg2[%mul3A_63, %dma_start3A_67] : memref<10112x128xf32, #tpu.memory_space<hbm>> -> memref<632x128xf32, #tpu.memory_space<hbm>>
        tpu.enqueue_dma source(%dma_start3A_68 : memref<632x128xf32, #tpu.memory_space<hbm>>) target(%dma_start3A_66 : memref<632x128xf32, #tpu.memory_space<vmem_shared>>) target_semaphore(%run_scoped3A : memref<!tpu.dma_semaphore, #tpu.memory_space<semaphore_mem>>)
        %dma_wait3A = arith.constant 0 : i32
        %dma_wait3A_69 = tpu.memref_slice %arg12[%mul3A_65, %dma_wait3A] : memref<10112x128xf32, #tpu.memory_space<vmem_shared>> -> memref<632x128xf32, #tpu.memory_space<vmem_shared>>
        %dma_wait3A_70 = arith.constant 0 : i32
        %dma_wait3A_71 = tpu.memref_slice %arg2[%mul3A_63, %dma_wait3A_70] : memref<10112x128xf32, #tpu.memory_space<hbm>> -> memref<632x128xf32, #tpu.memory_space<hbm>>
        tpu.wait_dma2 semaphore(%run_scoped3A : memref<!tpu.dma_semaphore, #tpu.memory_space<semaphore_mem>>) src(%dma_wait3A_71 : memref<632x128xf32, #tpu.memory_space<hbm>>) dst(%dma_wait3A_69 : memref<632x128xf32, #tpu.memory_space<vmem_shared>>)
        tpu.yield
      }) : () -> ()
    } else {
    }
    %ne3A_21 = arith.constant 0 : i32
    %ne3A_22 = arith.cmpi ne, %arg0, %ne3A_21 : i32
    %convert_element_type3A_23 = arith.extui %ne3A_22 : i1 to i32
    %cond3A_24 = arith.constant 0 : i32
    %cond3A_25 = arith.cmpi ne, %convert_element_type3A_23, %cond3A_24 : i32
    scf.if %cond3A_25 {
      %mul3A_62 = arith.constant 632 : i32
      %mul3A_63 = arith.muli %arg1, %mul3A_62 : i32
      %mul3A_64 = arith.constant 632 : i32
      %mul3A_65 = arith.muli %arg1, %mul3A_64 : i32
      "tpu.region"() ({
        %run_scoped3A = tpu.sem_alloc : memref<!tpu.dma_semaphore, #tpu.memory_space<semaphore_mem>>
        %dma_start3A = arith.constant 0 : i32
        %dma_start3A_66 = tpu.memref_slice %arg12[%mul3A_65, %dma_start3A] : memref<10112x128xf32, #tpu.memory_space<vmem_shared>> -> memref<632x128xf32, #tpu.memory_space<vmem_shared>>
        %dma_start3A_67 = arith.constant 0 : i32
        %dma_start3A_68 = tpu.memref_slice %arg3[%mul3A_63, %dma_start3A_67] : memref<10112x128xf32, #tpu.memory_space<hbm>> -> memref<632x128xf32, #tpu.memory_space<hbm>>
        tpu.enqueue_dma source(%dma_start3A_68 : memref<632x128xf32, #tpu.memory_space<hbm>>) target(%dma_start3A_66 : memref<632x128xf32, #tpu.memory_space<vmem_shared>>) target_semaphore(%run_scoped3A : memref<!tpu.dma_semaphore, #tpu.memory_space<semaphore_mem>>)
        %dma_wait3A = arith.constant 0 : i32
        %dma_wait3A_69 = tpu.memref_slice %arg12[%mul3A_65, %dma_wait3A] : memref<10112x128xf32, #tpu.memory_space<vmem_shared>> -> memref<632x128xf32, #tpu.memory_space<vmem_shared>>
        %dma_wait3A_70 = arith.constant 0 : i32
        %dma_wait3A_71 = tpu.memref_slice %arg3[%mul3A_63, %dma_wait3A_70] : memref<10112x128xf32, #tpu.memory_space<hbm>> -> memref<632x128xf32, #tpu.memory_space<hbm>>
        tpu.wait_dma2 semaphore(%run_scoped3A : memref<!tpu.dma_semaphore, #tpu.memory_space<semaphore_mem>>) src(%dma_wait3A_71 : memref<632x128xf32, #tpu.memory_space<hbm>>) dst(%dma_wait3A_69 : memref<632x128xf32, #tpu.memory_space<vmem_shared>>)
        tpu.yield
      }) : () -> ()
    } else {
    }
    %eq3A_26 = arith.constant 0 : i32
    %eq3A_27 = arith.cmpi eq, %arg0, %eq3A_26 : i32
    %convert_element_type3A_28 = arith.extui %eq3A_27 : i1 to i32
    %cond3A_29 = arith.constant 0 : i32
    %cond3A_30 = arith.cmpi ne, %convert_element_type3A_28, %cond3A_29 : i32
    scf.if %cond3A_30 {
      %dma_wait3A = arith.constant 0 : i32
      %dma_wait3A_62 = arith.constant 0 : i32
      %dma_wait3A_63 = tpu.memref_slice %arg9[%dma_wait3A, %dma_wait3A_62] : memref<106x128xi32, #tpu.memory_space<vmem>> -> memref<106x128xi32, #tpu.memory_space<vmem>>
      %dma_wait3A_64 = arith.constant 0 : i32
      %dma_wait3A_65 = arith.constant 0 : i32
      %dma_wait3A_66 = tpu.memref_slice %arg4[%arg1, %dma_wait3A_64, %dma_wait3A_65] : memref<16x106x128xi32, #tpu.memory_space<hbm>> -> memref<1x106x128xi32, #tpu.memory_space<hbm>>
      %dma_wait3A_67 = tpu.memref_squeeze %dma_wait3A_66 : memref<1x106x128xi32, #tpu.memory_space<hbm>> -> memref<106x128xi32, #tpu.memory_space<hbm>>
      %dma_wait3A_68 = arith.constant 0 : i32
      %dma_wait3A_69 = arith.constant 0 : i32
      %dma_wait3A_70 = tpu.memref_slice %arg9[%dma_wait3A_68, %dma_wait3A_69] : memref<106x128xi32, #tpu.memory_space<vmem>> -> memref<106x128xi32, #tpu.memory_space<vmem>>
      %dma_wait3A_71 = arith.constant 0 : i32
      %dma_wait3A_72 = arith.constant 0 : i32
      %dma_wait3A_73 = tpu.memref_slice %arg4[%arg1, %dma_wait3A_71, %dma_wait3A_72] : memref<16x106x128xi32, #tpu.memory_space<hbm>> -> memref<1x106x128xi32, #tpu.memory_space<hbm>>
      %dma_wait3A_74 = tpu.memref_squeeze %dma_wait3A_73 : memref<1x106x128xi32, #tpu.memory_space<hbm>> -> memref<106x128xi32, #tpu.memory_space<hbm>>
      tpu.wait_dma2 semaphore(%arg13 : memref<!tpu.dma_semaphore, #tpu.memory_space<semaphore_mem>>) src(%dma_wait3A_74 : memref<106x128xi32, #tpu.memory_space<hbm>>) dst(%dma_wait3A_70 : memref<106x128xi32, #tpu.memory_space<vmem>>)
    } else {
    }
    %ne3A_31 = arith.constant 0 : i32
    %ne3A_32 = arith.cmpi ne, %arg0, %ne3A_31 : i32
    %convert_element_type3A_33 = arith.extui %ne3A_32 : i1 to i32
    %cond3A_34 = arith.constant 0 : i32
    %cond3A_35 = arith.cmpi ne, %convert_element_type3A_33, %cond3A_34 : i32
    scf.if %cond3A_35 {
      %dma_wait3A = arith.constant 0 : i32
      %dma_wait3A_62 = arith.constant 0 : i32
      %dma_wait3A_63 = tpu.memref_slice %arg9[%dma_wait3A, %dma_wait3A_62] : memref<106x128xi32, #tpu.memory_space<vmem>> -> memref<52x128xi32, #tpu.memory_space<vmem>>
      %dma_wait3A_64 = arith.constant 0 : i32
      %dma_wait3A_65 = arith.constant 0 : i32
      %dma_wait3A_66 = tpu.memref_slice %arg6[%arg1, %dma_wait3A_64, %dma_wait3A_65] : memref<16x52x128xi32, #tpu.memory_space<hbm>> -> memref<1x52x128xi32, #tpu.memory_space<hbm>>
      %dma_wait3A_67 = tpu.memref_squeeze %dma_wait3A_66 : memref<1x52x128xi32, #tpu.memory_space<hbm>> -> memref<52x128xi32, #tpu.memory_space<hbm>>
      %dma_wait3A_68 = arith.constant 0 : i32
      %dma_wait3A_69 = arith.constant 0 : i32
      %dma_wait3A_70 = tpu.memref_slice %arg9[%dma_wait3A_68, %dma_wait3A_69] : memref<106x128xi32, #tpu.memory_space<vmem>> -> memref<52x128xi32, #tpu.memory_space<vmem>>
      %dma_wait3A_71 = arith.constant 0 : i32
      %dma_wait3A_72 = arith.constant 0 : i32
      %dma_wait3A_73 = tpu.memref_slice %arg6[%arg1, %dma_wait3A_71, %dma_wait3A_72] : memref<16x52x128xi32, #tpu.memory_space<hbm>> -> memref<1x52x128xi32, #tpu.memory_space<hbm>>
      %dma_wait3A_74 = tpu.memref_squeeze %dma_wait3A_73 : memref<1x52x128xi32, #tpu.memory_space<hbm>> -> memref<52x128xi32, #tpu.memory_space<hbm>>
      tpu.wait_dma2 semaphore(%arg13 : memref<!tpu.dma_semaphore, #tpu.memory_space<semaphore_mem>>) src(%dma_wait3A_74 : memref<52x128xi32, #tpu.memory_space<hbm>>) dst(%dma_wait3A_70 : memref<52x128xi32, #tpu.memory_space<vmem>>)
    } else {
    }
    %eq3A_36 = arith.constant 0 : i32
    %eq3A_37 = arith.cmpi eq, %arg0, %eq3A_36 : i32
    %convert_element_type3A_38 = arith.extui %eq3A_37 : i1 to i32
    %cond3A_39 = arith.constant 0 : i32
    %cond3A_40 = arith.cmpi ne, %convert_element_type3A_38, %cond3A_39 : i32
    scf.if %cond3A_40 {
      %dma_wait3A = arith.constant 0 : i32
      %dma_wait3A_62 = arith.constant 0 : i32
      %dma_wait3A_63 = tpu.memref_slice %arg10[%dma_wait3A, %dma_wait3A_62] : memref<106x128xi32, #tpu.memory_space<vmem>> -> memref<106x128xi32, #tpu.memory_space<vmem>>
      %dma_wait3A_64 = arith.constant 0 : i32
      %dma_wait3A_65 = arith.constant 0 : i32
      %dma_wait3A_66 = tpu.memref_slice %arg5[%arg1, %dma_wait3A_64, %dma_wait3A_65] : memref<16x106x128xi32, #tpu.memory_space<hbm>> -> memref<1x106x128xi32, #tpu.memory_space<hbm>>
      %dma_wait3A_67 = tpu.memref_squeeze %dma_wait3A_66 : memref<1x106x128xi32, #tpu.memory_space<hbm>> -> memref<106x128xi32, #tpu.memory_space<hbm>>
      %dma_wait3A_68 = arith.constant 0 : i32
      %dma_wait3A_69 = arith.constant 0 : i32
      %dma_wait3A_70 = tpu.memref_slice %arg10[%dma_wait3A_68, %dma_wait3A_69] : memref<106x128xi32, #tpu.memory_space<vmem>> -> memref<106x128xi32, #tpu.memory_space<vmem>>
      %dma_wait3A_71 = arith.constant 0 : i32
      %dma_wait3A_72 = arith.constant 0 : i32
      %dma_wait3A_73 = tpu.memref_slice %arg5[%arg1, %dma_wait3A_71, %dma_wait3A_72] : memref<16x106x128xi32, #tpu.memory_space<hbm>> -> memref<1x106x128xi32, #tpu.memory_space<hbm>>
      %dma_wait3A_74 = tpu.memref_squeeze %dma_wait3A_73 : memref<1x106x128xi32, #tpu.memory_space<hbm>> -> memref<106x128xi32, #tpu.memory_space<hbm>>
      tpu.wait_dma2 semaphore(%arg14 : memref<!tpu.dma_semaphore, #tpu.memory_space<semaphore_mem>>) src(%dma_wait3A_74 : memref<106x128xi32, #tpu.memory_space<hbm>>) dst(%dma_wait3A_70 : memref<106x128xi32, #tpu.memory_space<vmem>>)
    } else {
    }
    %ne3A_41 = arith.constant 0 : i32
    %ne3A_42 = arith.cmpi ne, %arg0, %ne3A_41 : i32
    %convert_element_type3A_43 = arith.extui %ne3A_42 : i1 to i32
    %cond3A_44 = arith.constant 0 : i32
    %cond3A_45 = arith.cmpi ne, %convert_element_type3A_43, %cond3A_44 : i32
    scf.if %cond3A_45 {
      %dma_wait3A = arith.constant 0 : i32
      %dma_wait3A_62 = arith.constant 0 : i32
      %dma_wait3A_63 = tpu.memref_slice %arg10[%dma_wait3A, %dma_wait3A_62] : memref<106x128xi32, #tpu.memory_space<vmem>> -> memref<52x128xi32, #tpu.memory_space<vmem>>
      %dma_wait3A_64 = arith.constant 0 : i32
      %dma_wait3A_65 = arith.constant 0 : i32
      %dma_wait3A_66 = tpu.memref_slice %arg7[%arg1, %dma_wait3A_64, %dma_wait3A_65] : memref<16x52x128xi32, #tpu.memory_space<hbm>> -> memref<1x52x128xi32, #tpu.memory_space<hbm>>
      %dma_wait3A_67 = tpu.memref_squeeze %dma_wait3A_66 : memref<1x52x128xi32, #tpu.memory_space<hbm>> -> memref<52x128xi32, #tpu.memory_space<hbm>>
      %dma_wait3A_68 = arith.constant 0 : i32
      %dma_wait3A_69 = arith.constant 0 : i32
      %dma_wait3A_70 = tpu.memref_slice %arg10[%dma_wait3A_68, %dma_wait3A_69] : memref<106x128xi32, #tpu.memory_space<vmem>> -> memref<52x128xi32, #tpu.memory_space<vmem>>
      %dma_wait3A_71 = arith.constant 0 : i32
      %dma_wait3A_72 = arith.constant 0 : i32
      %dma_wait3A_73 = tpu.memref_slice %arg7[%arg1, %dma_wait3A_71, %dma_wait3A_72] : memref<16x52x128xi32, #tpu.memory_space<hbm>> -> memref<1x52x128xi32, #tpu.memory_space<hbm>>
      %dma_wait3A_74 = tpu.memref_squeeze %dma_wait3A_73 : memref<1x52x128xi32, #tpu.memory_space<hbm>> -> memref<52x128xi32, #tpu.memory_space<hbm>>
      tpu.wait_dma2 semaphore(%arg14 : memref<!tpu.dma_semaphore, #tpu.memory_space<semaphore_mem>>) src(%dma_wait3A_74 : memref<52x128xi32, #tpu.memory_space<hbm>>) dst(%dma_wait3A_70 : memref<52x128xi32, #tpu.memory_space<vmem>>)
    } else {
    }
    %barrier3A = arith.constant 0 : index
    tpu.barrier barrier_id(%barrier3A)
    %eq3A_46 = arith.constant 0 : i32
    %eq3A_47 = arith.cmpi eq, %arg0, %eq3A_46 : i32
    %jit3A = arith.constant 106 : i32
    %jit3A_48 = arith.constant 52 : i32
    %select_n3A = arith.select %eq3A_47, %jit3A, %jit3A_48 : i32
    %while3A = arith.constant 0 : i32
    %while3A_49 = arith.constant 0 : i32
    %while3A_50 = arith.subi %select_n3A, %while3A_49 : i32
    %while3A_51 = arith.addi %while3A_49, %while3A_50 : i32
    %while3A_52 = arith.constant 1 : i32
    %while3A_53 = arith.divsi %while3A_50, %while3A_52 : i32
    %while3A_54 = arith.muli %while3A_53, %while3A_52 : i32
    %while3A_55 = arith.addi %while3A_49, %while3A_54 : i32
    %while3A_56 = arith.constant 1 : i32
    scf.for %while3A_62 = %while3A_49 to %while3A_55 step %while3A_56  : i32 {
      %dma_start3A = arith.constant 0 : i32
      %dma_start3A_63 = tpu.memref_slice %arg9[%while3A_62, %dma_start3A] : memref<106x128xi32, #tpu.memory_space<vmem>> -> memref<1x128xi32, #tpu.memory_space<vmem>>
      %dma_start3A_64 = tpu.memref_squeeze %dma_start3A_63 : memref<1x128xi32, #tpu.memory_space<vmem>> -> memref<128xi32, #tpu.memory_space<vmem>>
      %dma_start3A_65 = arith.constant 0 : i32
      %dma_start3A_66 = arith.constant 0 : i32
      %dma_start3A_67 = tpu.memref_slice %arg2[%dma_start3A_65, %dma_start3A_66] : memref<10112x128xf32, #tpu.memory_space<hbm>> -> memref<10112x128xf32, #tpu.memory_space<hbm>>
      tpu.enqueue_indirect_dma source(%dma_start3A_67 : memref<10112x128xf32, #tpu.memory_space<hbm>>) target(%arg11 : memref<128x128xf32, #tpu.memory_space<vmem>>) offsets(%dma_start3A_64 : memref<128xi32, #tpu.memory_space<vmem>>) semaphore(%arg15 : memref<!tpu.dma_semaphore, #tpu.memory_space<semaphore_mem>>)
      %dma_wait3A = arith.constant 0 : i32
      %dma_wait3A_68 = tpu.memref_slice %arg9[%while3A_62, %dma_wait3A] : memref<106x128xi32, #tpu.memory_space<vmem>> -> memref<1x128xi32, #tpu.memory_space<vmem>>
      %dma_wait3A_69 = tpu.memref_squeeze %dma_wait3A_68 : memref<1x128xi32, #tpu.memory_space<vmem>> -> memref<128xi32, #tpu.memory_space<vmem>>
      %dma_wait3A_70 = arith.constant 0 : i32
      %dma_wait3A_71 = arith.constant 0 : i32
      %dma_wait3A_72 = tpu.memref_slice %arg2[%dma_wait3A_70, %dma_wait3A_71] : memref<10112x128xf32, #tpu.memory_space<hbm>> -> memref<10112x128xf32, #tpu.memory_space<hbm>>
      tpu.wait_indirect_dma semaphore(%arg15 : memref<!tpu.dma_semaphore, #tpu.memory_space<semaphore_mem>>) src(%dma_wait3A_72 : memref<10112x128xf32, #tpu.memory_space<hbm>>) dst(%arg11 : memref<128x128xf32, #tpu.memory_space<vmem>>)
      "tpu.region"() ({
        %run_scoped3A = tpu.sem_alloc : memref<!tpu.dma_semaphore, #tpu.memory_space<semaphore_mem>>
        %dma_start3A_73 = arith.constant 0 : i32
        %dma_start3A_74 = tpu.memref_slice %arg10[%while3A_62, %dma_start3A_73] : memref<106x128xi32, #tpu.memory_space<vmem>> -> memref<1x128xi32, #tpu.memory_space<vmem>>
        %dma_start3A_75 = tpu.memref_squeeze %dma_start3A_74 : memref<1x128xi32, #tpu.memory_space<vmem>> -> memref<128xi32, #tpu.memory_space<vmem>>
        %dma_start3A_76 = arith.constant 0 : i32
        %dma_start3A_77 = arith.constant 0 : i32
        %dma_start3A_78 = tpu.memref_slice %arg12[%dma_start3A_76, %dma_start3A_77] : memref<10112x128xf32, #tpu.memory_space<vmem_shared>> -> memref<10112x128xf32, #tpu.memory_space<vmem_shared>>
        tpu.enqueue_indirect_dma source(%arg11 : memref<128x128xf32, #tpu.memory_space<vmem>>) target(%dma_start3A_78 : memref<10112x128xf32, #tpu.memory_space<vmem_shared>>) offsets(%dma_start3A_75 : memref<128xi32, #tpu.memory_space<vmem>>) semaphore(%run_scoped3A : memref<!tpu.dma_semaphore, #tpu.memory_space<semaphore_mem>>) {add = true}
        %dma_wait3A_79 = arith.constant 0 : i32
        %dma_wait3A_80 = tpu.memref_slice %arg10[%while3A_62, %dma_wait3A_79] : memref<106x128xi32, #tpu.memory_space<vmem>> -> memref<1x128xi32, #tpu.memory_space<vmem>>
        %dma_wait3A_81 = tpu.memref_squeeze %dma_wait3A_80 : memref<1x128xi32, #tpu.memory_space<vmem>> -> memref<128xi32, #tpu.memory_space<vmem>>
        %dma_wait3A_82 = arith.constant 0 : i32
        %dma_wait3A_83 = arith.constant 0 : i32
        %dma_wait3A_84 = tpu.memref_slice %arg12[%dma_wait3A_82, %dma_wait3A_83] : memref<10112x128xf32, #tpu.memory_space<vmem_shared>> -> memref<10112x128xf32, #tpu.memory_space<vmem_shared>>
        tpu.wait_indirect_dma semaphore(%run_scoped3A : memref<!tpu.dma_semaphore, #tpu.memory_space<semaphore_mem>>) src(%arg11 : memref<128x128xf32, #tpu.memory_space<vmem>>) dst(%dma_wait3A_84 : memref<10112x128xf32, #tpu.memory_space<vmem_shared>>)
        tpu.yield
      }) : () -> ()
    }
    %while3A_57 = arith.constant 1 : i32
    scf.for %while3A_62 = %while3A_55 to %while3A_51 step %while3A_57  : i32 {
      %dma_start3A = arith.constant 0 : i32
      %dma_start3A_63 = tpu.memref_slice %arg9[%while3A_62, %dma_start3A] : memref<106x128xi32, #tpu.memory_space<vmem>> -> memref<1x128xi32, #tpu.memory_space<vmem>>
      %dma_start3A_64 = tpu.memref_squeeze %dma_start3A_63 : memref<1x128xi32, #tpu.memory_space<vmem>> -> memref<128xi32, #tpu.memory_space<vmem>>
      %dma_start3A_65 = arith.constant 0 : i32
      %dma_start3A_66 = arith.constant 0 : i32
      %dma_start3A_67 = tpu.memref_slice %arg2[%dma_start3A_65, %dma_start3A_66] : memref<10112x128xf32, #tpu.memory_space<hbm>> -> memref<10112x128xf32, #tpu.memory_space<hbm>>
      tpu.enqueue_indirect_dma source(%dma_start3A_67 : memref<10112x128xf32, #tpu.memory_space<hbm>>) target(%arg11 : memref<128x128xf32, #tpu.memory_space<vmem>>) offsets(%dma_start3A_64 : memref<128xi32, #tpu.memory_space<vmem>>) semaphore(%arg15 : memref<!tpu.dma_semaphore, #tpu.memory_space<semaphore_mem>>)
      %dma_wait3A = arith.constant 0 : i32
      %dma_wait3A_68 = tpu.memref_slice %arg9[%while3A_62, %dma_wait3A] : memref<106x128xi32, #tpu.memory_space<vmem>> -> memref<1x128xi32, #tpu.memory_space<vmem>>
      %dma_wait3A_69 = tpu.memref_squeeze %dma_wait3A_68 : memref<1x128xi32, #tpu.memory_space<vmem>> -> memref<128xi32, #tpu.memory_space<vmem>>
      %dma_wait3A_70 = arith.constant 0 : i32
      %dma_wait3A_71 = arith.constant 0 : i32
      %dma_wait3A_72 = tpu.memref_slice %arg2[%dma_wait3A_70, %dma_wait3A_71] : memref<10112x128xf32, #tpu.memory_space<hbm>> -> memref<10112x128xf32, #tpu.memory_space<hbm>>
      tpu.wait_indirect_dma semaphore(%arg15 : memref<!tpu.dma_semaphore, #tpu.memory_space<semaphore_mem>>) src(%dma_wait3A_72 : memref<10112x128xf32, #tpu.memory_space<hbm>>) dst(%arg11 : memref<128x128xf32, #tpu.memory_space<vmem>>)
      "tpu.region"() ({
        %run_scoped3A = tpu.sem_alloc : memref<!tpu.dma_semaphore, #tpu.memory_space<semaphore_mem>>
        %dma_start3A_73 = arith.constant 0 : i32
        %dma_start3A_74 = tpu.memref_slice %arg10[%while3A_62, %dma_start3A_73] : memref<106x128xi32, #tpu.memory_space<vmem>> -> memref<1x128xi32, #tpu.memory_space<vmem>>
        %dma_start3A_75 = tpu.memref_squeeze %dma_start3A_74 : memref<1x128xi32, #tpu.memory_space<vmem>> -> memref<128xi32, #tpu.memory_space<vmem>>
        %dma_start3A_76 = arith.constant 0 : i32
        %dma_start3A_77 = arith.constant 0 : i32
        %dma_start3A_78 = tpu.memref_slice %arg12[%dma_start3A_76, %dma_start3A_77] : memref<10112x128xf32, #tpu.memory_space<vmem_shared>> -> memref<10112x128xf32, #tpu.memory_space<vmem_shared>>
        tpu.enqueue_indirect_dma source(%arg11 : memref<128x128xf32, #tpu.memory_space<vmem>>) target(%dma_start3A_78 : memref<10112x128xf32, #tpu.memory_space<vmem_shared>>) offsets(%dma_start3A_75 : memref<128xi32, #tpu.memory_space<vmem>>) semaphore(%run_scoped3A : memref<!tpu.dma_semaphore, #tpu.memory_space<semaphore_mem>>) {add = true}
        %dma_wait3A_79 = arith.constant 0 : i32
        %dma_wait3A_80 = tpu.memref_slice %arg10[%while3A_62, %dma_wait3A_79] : memref<106x128xi32, #tpu.memory_space<vmem>> -> memref<1x128xi32, #tpu.memory_space<vmem>>
        %dma_wait3A_81 = tpu.memref_squeeze %dma_wait3A_80 : memref<1x128xi32, #tpu.memory_space<vmem>> -> memref<128xi32, #tpu.memory_space<vmem>>
        %dma_wait3A_82 = arith.constant 0 : i32
        %dma_wait3A_83 = arith.constant 0 : i32
        %dma_wait3A_84 = tpu.memref_slice %arg12[%dma_wait3A_82, %dma_wait3A_83] : memref<10112x128xf32, #tpu.memory_space<vmem_shared>> -> memref<10112x128xf32, #tpu.memory_space<vmem_shared>>
        tpu.wait_indirect_dma semaphore(%run_scoped3A : memref<!tpu.dma_semaphore, #tpu.memory_space<semaphore_mem>>) src(%arg11 : memref<128x128xf32, #tpu.memory_space<vmem>>) dst(%dma_wait3A_84 : memref<10112x128xf32, #tpu.memory_space<vmem_shared>>)
        tpu.yield
      }) : () -> ()
    }
    %barrier3A_58 = arith.constant 0 : index
    tpu.barrier barrier_id(%barrier3A_58)
    %mul3A = arith.constant 632 : i32
    %mul3A_59 = arith.muli %arg1, %mul3A : i32
    %mul3A_60 = arith.constant 632 : i32
    %mul3A_61 = arith.muli %arg1, %mul3A_60 : i32
    "tpu.region"() ({
      %run_scoped3A = tpu.sem_alloc : memref<!tpu.dma_semaphore, #tpu.memory_space<semaphore_mem>>
      %dma_start3A = arith.constant 0 : i32
      %dma_start3A_62 = tpu.memref_slice %arg8[%arg0, %mul3A_61, %dma_start3A] : memref<2x10112x128xf32, #tpu.memory_space<hbm>> -> memref<1x632x128xf32, #tpu.memory_space<hbm>>
      %dma_start3A_63 = tpu.memref_squeeze %dma_start3A_62 : memref<1x632x128xf32, #tpu.memory_space<hbm>> -> memref<632x128xf32, #tpu.memory_space<hbm>>
      %dma_start3A_64 = arith.constant 0 : i32
      %dma_start3A_65 = tpu.memref_slice %arg12[%mul3A_59, %dma_start3A_64] : memref<10112x128xf32, #tpu.memory_space<vmem_shared>> -> memref<632x128xf32, #tpu.memory_space<vmem_shared>>
      tpu.enqueue_dma source(%dma_start3A_65 : memref<632x128xf32, #tpu.memory_space<vmem_shared>>) target(%dma_start3A_63 : memref<632x128xf32, #tpu.memory_space<hbm>>) target_semaphore(%run_scoped3A : memref<!tpu.dma_semaphore, #tpu.memory_space<semaphore_mem>>)
      %dma_wait3A = arith.constant 0 : i32
      %dma_wait3A_66 = tpu.memref_slice %arg8[%arg0, %mul3A_61, %dma_wait3A] : memref<2x10112x128xf32, #tpu.memory_space<hbm>> -> memref<1x632x128xf32, #tpu.memory_space<hbm>>
      %dma_wait3A_67 = tpu.memref_squeeze %dma_wait3A_66 : memref<1x632x128xf32, #tpu.memory_space<hbm>> -> memref<632x128xf32, #tpu.memory_space<hbm>>
      %dma_wait3A_68 = arith.constant 0 : i32
      %dma_wait3A_69 = tpu.memref_slice %arg12[%mul3A_59, %dma_wait3A_68] : memref<10112x128xf32, #tpu.memory_space<vmem_shared>> -> memref<632x128xf32, #tpu.memory_space<vmem_shared>>
      tpu.wait_dma2 semaphore(%run_scoped3A : memref<!tpu.dma_semaphore, #tpu.memory_space<semaphore_mem>>) src(%dma_wait3A_69 : memref<632x128xf32, #tpu.memory_space<vmem_shared>>) dst(%dma_wait3A_67 : memref<632x128xf32, #tpu.memory_space<hbm>>)
      tpu.yield
    }) : () -> ()
    return
  }
}

#map = affine_map<(d0, d1) -> (0, 0)>
#map1 = affine_map<(d0, d1) -> (0, 0, 0)>
module attributes {stable_mosaic.version = 14 : i64} {
  func.func @_deg_kernel(%arg0: i32, %arg1: i32, %arg2: memref<10112x16xf32, #tpu.memory_space<hbm>>, %arg3: memref<10112x16xf32, #tpu.memory_space<hbm>>, %arg4: memref<16x106x128xi32, #tpu.memory_space<hbm>>, %arg5: memref<16x52x128xi32, #tpu.memory_space<hbm>>, %arg6: memref<2x10112x16xf32, #tpu.memory_space<hbm>>, %arg7: memref<106x128xi32, #tpu.memory_space<vmem>>, %arg8: memref<128x16xf32, #tpu.memory_space<vmem>>, %arg9: memref<10112x16xf32, #tpu.memory_space<vmem_shared>>, %arg10: memref<!tpu.dma_semaphore, #tpu.memory_space<semaphore_mem>>, %arg11: memref<!tpu.dma_semaphore, #tpu.memory_space<semaphore_mem>>) attributes {dimension_semantics = [#tpu.dimension_semantics<core_parallel>, #tpu.dimension_semantics<subcore_parallel>], iteration_bounds = array<i64: 2, 16>, scalar_prefetch = 0 : i64, scratch_operands = 5 : i64, tpu.core_type = #tpu.core_type<sc_vector_subcore>, window_params = [{transform_indices = #map}, {transform_indices = #map}, {transform_indices = #map1}, {transform_indices = #map1}, {transform_indices = #map1}]} {
    %eq3A = arith.constant 0 : i32
    %eq3A_0 = arith.cmpi eq, %arg0, %eq3A : i32
    %convert_element_type3A = arith.extui %eq3A_0 : i1 to i32
    %cond3A = arith.constant 0 : i32
    %cond3A_1 = arith.cmpi ne, %convert_element_type3A, %cond3A : i32
    scf.if %cond3A_1 {
      %dma_start3A_52 = arith.constant 0 : i32
      %dma_start3A_53 = arith.constant 0 : i32
      %dma_start3A_54 = tpu.memref_slice %arg7[%dma_start3A_52, %dma_start3A_53] : memref<106x128xi32, #tpu.memory_space<vmem>> -> memref<106x128xi32, #tpu.memory_space<vmem>>
      %dma_start3A_55 = arith.constant 0 : i32
      %dma_start3A_56 = arith.constant 0 : i32
      %dma_start3A_57 = tpu.memref_slice %arg4[%arg1, %dma_start3A_55, %dma_start3A_56] : memref<16x106x128xi32, #tpu.memory_space<hbm>> -> memref<1x106x128xi32, #tpu.memory_space<hbm>>
      %dma_start3A_58 = tpu.memref_squeeze %dma_start3A_57 : memref<1x106x128xi32, #tpu.memory_space<hbm>> -> memref<106x128xi32, #tpu.memory_space<hbm>>
      %dma_start3A_59 = arith.constant 0 : i32
      %dma_start3A_60 = arith.constant 0 : i32
      %dma_start3A_61 = tpu.memref_slice %arg7[%dma_start3A_59, %dma_start3A_60] : memref<106x128xi32, #tpu.memory_space<vmem>> -> memref<106x128xi32, #tpu.memory_space<vmem>>
      %dma_start3A_62 = arith.constant 0 : i32
      %dma_start3A_63 = arith.constant 0 : i32
      %dma_start3A_64 = tpu.memref_slice %arg4[%arg1, %dma_start3A_62, %dma_start3A_63] : memref<16x106x128xi32, #tpu.memory_space<hbm>> -> memref<1x106x128xi32, #tpu.memory_space<hbm>>
      %dma_start3A_65 = tpu.memref_squeeze %dma_start3A_64 : memref<1x106x128xi32, #tpu.memory_space<hbm>> -> memref<106x128xi32, #tpu.memory_space<hbm>>
      tpu.enqueue_dma source(%dma_start3A_65 : memref<106x128xi32, #tpu.memory_space<hbm>>) target(%dma_start3A_61 : memref<106x128xi32, #tpu.memory_space<vmem>>) target_semaphore(%arg10 : memref<!tpu.dma_semaphore, #tpu.memory_space<semaphore_mem>>)
    } else {
    }
    %ne3A = arith.constant 0 : i32
    %ne3A_2 = arith.cmpi ne, %arg0, %ne3A : i32
    %convert_element_type3A_3 = arith.extui %ne3A_2 : i1 to i32
    %cond3A_4 = arith.constant 0 : i32
    %cond3A_5 = arith.cmpi ne, %convert_element_type3A_3, %cond3A_4 : i32
    scf.if %cond3A_5 {
      %dma_start3A_52 = arith.constant 0 : i32
      %dma_start3A_53 = arith.constant 0 : i32
      %dma_start3A_54 = tpu.memref_slice %arg7[%dma_start3A_52, %dma_start3A_53] : memref<106x128xi32, #tpu.memory_space<vmem>> -> memref<52x128xi32, #tpu.memory_space<vmem>>
      %dma_start3A_55 = arith.constant 0 : i32
      %dma_start3A_56 = arith.constant 0 : i32
      %dma_start3A_57 = tpu.memref_slice %arg5[%arg1, %dma_start3A_55, %dma_start3A_56] : memref<16x52x128xi32, #tpu.memory_space<hbm>> -> memref<1x52x128xi32, #tpu.memory_space<hbm>>
      %dma_start3A_58 = tpu.memref_squeeze %dma_start3A_57 : memref<1x52x128xi32, #tpu.memory_space<hbm>> -> memref<52x128xi32, #tpu.memory_space<hbm>>
      %dma_start3A_59 = arith.constant 0 : i32
      %dma_start3A_60 = arith.constant 0 : i32
      %dma_start3A_61 = tpu.memref_slice %arg7[%dma_start3A_59, %dma_start3A_60] : memref<106x128xi32, #tpu.memory_space<vmem>> -> memref<52x128xi32, #tpu.memory_space<vmem>>
      %dma_start3A_62 = arith.constant 0 : i32
      %dma_start3A_63 = arith.constant 0 : i32
      %dma_start3A_64 = tpu.memref_slice %arg5[%arg1, %dma_start3A_62, %dma_start3A_63] : memref<16x52x128xi32, #tpu.memory_space<hbm>> -> memref<1x52x128xi32, #tpu.memory_space<hbm>>
      %dma_start3A_65 = tpu.memref_squeeze %dma_start3A_64 : memref<1x52x128xi32, #tpu.memory_space<hbm>> -> memref<52x128xi32, #tpu.memory_space<hbm>>
      tpu.enqueue_dma source(%dma_start3A_65 : memref<52x128xi32, #tpu.memory_space<hbm>>) target(%dma_start3A_61 : memref<52x128xi32, #tpu.memory_space<vmem>>) target_semaphore(%arg10 : memref<!tpu.dma_semaphore, #tpu.memory_space<semaphore_mem>>)
    } else {
    }
    %dma_start3A = arith.constant 0 : i32
    %dma_start3A_6 = arith.constant 0 : i32
    %dma_start3A_7 = tpu.memref_slice %arg2[%dma_start3A, %dma_start3A_6] : memref<10112x16xf32, #tpu.memory_space<hbm>> -> memref<128x16xf32, #tpu.memory_space<hbm>>
    %dma_start3A_8 = arith.constant 0 : i32
    %dma_start3A_9 = arith.constant 0 : i32
    %dma_start3A_10 = tpu.memref_slice %arg2[%dma_start3A_8, %dma_start3A_9] : memref<10112x16xf32, #tpu.memory_space<hbm>> -> memref<128x16xf32, #tpu.memory_space<hbm>>
    tpu.enqueue_dma source(%dma_start3A_10 : memref<128x16xf32, #tpu.memory_space<hbm>>) target(%arg8 : memref<128x16xf32, #tpu.memory_space<vmem>>) target_semaphore(%arg11 : memref<!tpu.dma_semaphore, #tpu.memory_space<semaphore_mem>>)
    %eq3A_11 = arith.constant 0 : i32
    %eq3A_12 = arith.cmpi eq, %arg0, %eq3A_11 : i32
    %convert_element_type3A_13 = arith.extui %eq3A_12 : i1 to i32
    %cond3A_14 = arith.constant 0 : i32
    %cond3A_15 = arith.cmpi ne, %convert_element_type3A_13, %cond3A_14 : i32
    scf.if %cond3A_15 {
      %mul3A_52 = arith.constant 632 : i32
      %mul3A_53 = arith.muli %arg1, %mul3A_52 : i32
      %mul3A_54 = arith.constant 632 : i32
      %mul3A_55 = arith.muli %arg1, %mul3A_54 : i32
      "tpu.region"() ({
        %run_scoped3A = tpu.sem_alloc : memref<!tpu.dma_semaphore, #tpu.memory_space<semaphore_mem>>
        %dma_start3A_56 = arith.constant 0 : i32
        %dma_start3A_57 = tpu.memref_slice %arg9[%mul3A_55, %dma_start3A_56] : memref<10112x16xf32, #tpu.memory_space<vmem_shared>> -> memref<632x16xf32, #tpu.memory_space<vmem_shared>>
        %dma_start3A_58 = arith.constant 0 : i32
        %dma_start3A_59 = tpu.memref_slice %arg2[%mul3A_53, %dma_start3A_58] : memref<10112x16xf32, #tpu.memory_space<hbm>> -> memref<632x16xf32, #tpu.memory_space<hbm>>
        tpu.enqueue_dma source(%dma_start3A_59 : memref<632x16xf32, #tpu.memory_space<hbm>>) target(%dma_start3A_57 : memref<632x16xf32, #tpu.memory_space<vmem_shared>>) target_semaphore(%run_scoped3A : memref<!tpu.dma_semaphore, #tpu.memory_space<semaphore_mem>>)
        %dma_wait3A_60 = arith.constant 0 : i32
        %dma_wait3A_61 = tpu.memref_slice %arg9[%mul3A_55, %dma_wait3A_60] : memref<10112x16xf32, #tpu.memory_space<vmem_shared>> -> memref<632x16xf32, #tpu.memory_space<vmem_shared>>
        %dma_wait3A_62 = arith.constant 0 : i32
        %dma_wait3A_63 = tpu.memref_slice %arg2[%mul3A_53, %dma_wait3A_62] : memref<10112x16xf32, #tpu.memory_space<hbm>> -> memref<632x16xf32, #tpu.memory_space<hbm>>
        tpu.wait_dma2 semaphore(%run_scoped3A : memref<!tpu.dma_semaphore, #tpu.memory_space<semaphore_mem>>) src(%dma_wait3A_63 : memref<632x16xf32, #tpu.memory_space<hbm>>) dst(%dma_wait3A_61 : memref<632x16xf32, #tpu.memory_space<vmem_shared>>)
        tpu.yield
      }) : () -> ()
    } else {
    }
    %ne3A_16 = arith.constant 0 : i32
    %ne3A_17 = arith.cmpi ne, %arg0, %ne3A_16 : i32
    %convert_element_type3A_18 = arith.extui %ne3A_17 : i1 to i32
    %cond3A_19 = arith.constant 0 : i32
    %cond3A_20 = arith.cmpi ne, %convert_element_type3A_18, %cond3A_19 : i32
    scf.if %cond3A_20 {
      %mul3A_52 = arith.constant 632 : i32
      %mul3A_53 = arith.muli %arg1, %mul3A_52 : i32
      %mul3A_54 = arith.constant 632 : i32
      %mul3A_55 = arith.muli %arg1, %mul3A_54 : i32
      "tpu.region"() ({
        %run_scoped3A = tpu.sem_alloc : memref<!tpu.dma_semaphore, #tpu.memory_space<semaphore_mem>>
        %dma_start3A_56 = arith.constant 0 : i32
        %dma_start3A_57 = tpu.memref_slice %arg9[%mul3A_55, %dma_start3A_56] : memref<10112x16xf32, #tpu.memory_space<vmem_shared>> -> memref<632x16xf32, #tpu.memory_space<vmem_shared>>
        %dma_start3A_58 = arith.constant 0 : i32
        %dma_start3A_59 = tpu.memref_slice %arg3[%mul3A_53, %dma_start3A_58] : memref<10112x16xf32, #tpu.memory_space<hbm>> -> memref<632x16xf32, #tpu.memory_space<hbm>>
        tpu.enqueue_dma source(%dma_start3A_59 : memref<632x16xf32, #tpu.memory_space<hbm>>) target(%dma_start3A_57 : memref<632x16xf32, #tpu.memory_space<vmem_shared>>) target_semaphore(%run_scoped3A : memref<!tpu.dma_semaphore, #tpu.memory_space<semaphore_mem>>)
        %dma_wait3A_60 = arith.constant 0 : i32
        %dma_wait3A_61 = tpu.memref_slice %arg9[%mul3A_55, %dma_wait3A_60] : memref<10112x16xf32, #tpu.memory_space<vmem_shared>> -> memref<632x16xf32, #tpu.memory_space<vmem_shared>>
        %dma_wait3A_62 = arith.constant 0 : i32
        %dma_wait3A_63 = tpu.memref_slice %arg3[%mul3A_53, %dma_wait3A_62] : memref<10112x16xf32, #tpu.memory_space<hbm>> -> memref<632x16xf32, #tpu.memory_space<hbm>>
        tpu.wait_dma2 semaphore(%run_scoped3A : memref<!tpu.dma_semaphore, #tpu.memory_space<semaphore_mem>>) src(%dma_wait3A_63 : memref<632x16xf32, #tpu.memory_space<hbm>>) dst(%dma_wait3A_61 : memref<632x16xf32, #tpu.memory_space<vmem_shared>>)
        tpu.yield
      }) : () -> ()
    } else {
    }
    %eq3A_21 = arith.constant 0 : i32
    %eq3A_22 = arith.cmpi eq, %arg0, %eq3A_21 : i32
    %convert_element_type3A_23 = arith.extui %eq3A_22 : i1 to i32
    %cond3A_24 = arith.constant 0 : i32
    %cond3A_25 = arith.cmpi ne, %convert_element_type3A_23, %cond3A_24 : i32
    scf.if %cond3A_25 {
      %dma_wait3A_52 = arith.constant 0 : i32
      %dma_wait3A_53 = arith.constant 0 : i32
      %dma_wait3A_54 = tpu.memref_slice %arg7[%dma_wait3A_52, %dma_wait3A_53] : memref<106x128xi32, #tpu.memory_space<vmem>> -> memref<106x128xi32, #tpu.memory_space<vmem>>
      %dma_wait3A_55 = arith.constant 0 : i32
      %dma_wait3A_56 = arith.constant 0 : i32
      %dma_wait3A_57 = tpu.memref_slice %arg4[%arg1, %dma_wait3A_55, %dma_wait3A_56] : memref<16x106x128xi32, #tpu.memory_space<hbm>> -> memref<1x106x128xi32, #tpu.memory_space<hbm>>
      %dma_wait3A_58 = tpu.memref_squeeze %dma_wait3A_57 : memref<1x106x128xi32, #tpu.memory_space<hbm>> -> memref<106x128xi32, #tpu.memory_space<hbm>>
      %dma_wait3A_59 = arith.constant 0 : i32
      %dma_wait3A_60 = arith.constant 0 : i32
      %dma_wait3A_61 = tpu.memref_slice %arg7[%dma_wait3A_59, %dma_wait3A_60] : memref<106x128xi32, #tpu.memory_space<vmem>> -> memref<106x128xi32, #tpu.memory_space<vmem>>
      %dma_wait3A_62 = arith.constant 0 : i32
      %dma_wait3A_63 = arith.constant 0 : i32
      %dma_wait3A_64 = tpu.memref_slice %arg4[%arg1, %dma_wait3A_62, %dma_wait3A_63] : memref<16x106x128xi32, #tpu.memory_space<hbm>> -> memref<1x106x128xi32, #tpu.memory_space<hbm>>
      %dma_wait3A_65 = tpu.memref_squeeze %dma_wait3A_64 : memref<1x106x128xi32, #tpu.memory_space<hbm>> -> memref<106x128xi32, #tpu.memory_space<hbm>>
      tpu.wait_dma2 semaphore(%arg10 : memref<!tpu.dma_semaphore, #tpu.memory_space<semaphore_mem>>) src(%dma_wait3A_65 : memref<106x128xi32, #tpu.memory_space<hbm>>) dst(%dma_wait3A_61 : memref<106x128xi32, #tpu.memory_space<vmem>>)
    } else {
    }
    %ne3A_26 = arith.constant 0 : i32
    %ne3A_27 = arith.cmpi ne, %arg0, %ne3A_26 : i32
    %convert_element_type3A_28 = arith.extui %ne3A_27 : i1 to i32
    %cond3A_29 = arith.constant 0 : i32
    %cond3A_30 = arith.cmpi ne, %convert_element_type3A_28, %cond3A_29 : i32
    scf.if %cond3A_30 {
      %dma_wait3A_52 = arith.constant 0 : i32
      %dma_wait3A_53 = arith.constant 0 : i32
      %dma_wait3A_54 = tpu.memref_slice %arg7[%dma_wait3A_52, %dma_wait3A_53] : memref<106x128xi32, #tpu.memory_space<vmem>> -> memref<52x128xi32, #tpu.memory_space<vmem>>
      %dma_wait3A_55 = arith.constant 0 : i32
      %dma_wait3A_56 = arith.constant 0 : i32
      %dma_wait3A_57 = tpu.memref_slice %arg5[%arg1, %dma_wait3A_55, %dma_wait3A_56] : memref<16x52x128xi32, #tpu.memory_space<hbm>> -> memref<1x52x128xi32, #tpu.memory_space<hbm>>
      %dma_wait3A_58 = tpu.memref_squeeze %dma_wait3A_57 : memref<1x52x128xi32, #tpu.memory_space<hbm>> -> memref<52x128xi32, #tpu.memory_space<hbm>>
      %dma_wait3A_59 = arith.constant 0 : i32
      %dma_wait3A_60 = arith.constant 0 : i32
      %dma_wait3A_61 = tpu.memref_slice %arg7[%dma_wait3A_59, %dma_wait3A_60] : memref<106x128xi32, #tpu.memory_space<vmem>> -> memref<52x128xi32, #tpu.memory_space<vmem>>
      %dma_wait3A_62 = arith.constant 0 : i32
      %dma_wait3A_63 = arith.constant 0 : i32
      %dma_wait3A_64 = tpu.memref_slice %arg5[%arg1, %dma_wait3A_62, %dma_wait3A_63] : memref<16x52x128xi32, #tpu.memory_space<hbm>> -> memref<1x52x128xi32, #tpu.memory_space<hbm>>
      %dma_wait3A_65 = tpu.memref_squeeze %dma_wait3A_64 : memref<1x52x128xi32, #tpu.memory_space<hbm>> -> memref<52x128xi32, #tpu.memory_space<hbm>>
      tpu.wait_dma2 semaphore(%arg10 : memref<!tpu.dma_semaphore, #tpu.memory_space<semaphore_mem>>) src(%dma_wait3A_65 : memref<52x128xi32, #tpu.memory_space<hbm>>) dst(%dma_wait3A_61 : memref<52x128xi32, #tpu.memory_space<vmem>>)
    } else {
    }
    %dma_wait3A = arith.constant 0 : i32
    %dma_wait3A_31 = arith.constant 0 : i32
    %dma_wait3A_32 = tpu.memref_slice %arg2[%dma_wait3A, %dma_wait3A_31] : memref<10112x16xf32, #tpu.memory_space<hbm>> -> memref<128x16xf32, #tpu.memory_space<hbm>>
    %dma_wait3A_33 = arith.constant 0 : i32
    %dma_wait3A_34 = arith.constant 0 : i32
    %dma_wait3A_35 = tpu.memref_slice %arg2[%dma_wait3A_33, %dma_wait3A_34] : memref<10112x16xf32, #tpu.memory_space<hbm>> -> memref<128x16xf32, #tpu.memory_space<hbm>>
    tpu.wait_dma2 semaphore(%arg11 : memref<!tpu.dma_semaphore, #tpu.memory_space<semaphore_mem>>) src(%dma_wait3A_35 : memref<128x16xf32, #tpu.memory_space<hbm>>) dst(%arg8 : memref<128x16xf32, #tpu.memory_space<vmem>>)
    %barrier3A = arith.constant 0 : index
    tpu.barrier barrier_id(%barrier3A)
    %eq3A_36 = arith.constant 0 : i32
    %eq3A_37 = arith.cmpi eq, %arg0, %eq3A_36 : i32
    %jit3A = arith.constant 106 : i32
    %jit3A_38 = arith.constant 52 : i32
    %select_n3A = arith.select %eq3A_37, %jit3A, %jit3A_38 : i32
    %while3A = arith.constant 0 : i32
    %while3A_39 = arith.constant 0 : i32
    %while3A_40 = arith.subi %select_n3A, %while3A_39 : i32
    %while3A_41 = arith.addi %while3A_39, %while3A_40 : i32
    %while3A_42 = arith.constant 1 : i32
    %while3A_43 = arith.divsi %while3A_40, %while3A_42 : i32
    %while3A_44 = arith.muli %while3A_43, %while3A_42 : i32
    %while3A_45 = arith.addi %while3A_39, %while3A_44 : i32
    %while3A_46 = arith.constant 1 : i32
    scf.for %while3A_52 = %while3A_39 to %while3A_45 step %while3A_46  : i32 {
      "tpu.region"() ({
        %run_scoped3A = tpu.sem_alloc : memref<!tpu.dma_semaphore, #tpu.memory_space<semaphore_mem>>
        %dma_start3A_53 = arith.constant 0 : i32
        %dma_start3A_54 = tpu.memref_slice %arg7[%while3A_52, %dma_start3A_53] : memref<106x128xi32, #tpu.memory_space<vmem>> -> memref<1x128xi32, #tpu.memory_space<vmem>>
        %dma_start3A_55 = tpu.memref_squeeze %dma_start3A_54 : memref<1x128xi32, #tpu.memory_space<vmem>> -> memref<128xi32, #tpu.memory_space<vmem>>
        %dma_start3A_56 = arith.constant 0 : i32
        %dma_start3A_57 = arith.constant 0 : i32
        %dma_start3A_58 = tpu.memref_slice %arg9[%dma_start3A_56, %dma_start3A_57] : memref<10112x16xf32, #tpu.memory_space<vmem_shared>> -> memref<10112x16xf32, #tpu.memory_space<vmem_shared>>
        tpu.enqueue_indirect_dma source(%arg8 : memref<128x16xf32, #tpu.memory_space<vmem>>) target(%dma_start3A_58 : memref<10112x16xf32, #tpu.memory_space<vmem_shared>>) offsets(%dma_start3A_55 : memref<128xi32, #tpu.memory_space<vmem>>) semaphore(%run_scoped3A : memref<!tpu.dma_semaphore, #tpu.memory_space<semaphore_mem>>) {add = true}
        %dma_wait3A_59 = arith.constant 0 : i32
        %dma_wait3A_60 = tpu.memref_slice %arg7[%while3A_52, %dma_wait3A_59] : memref<106x128xi32, #tpu.memory_space<vmem>> -> memref<1x128xi32, #tpu.memory_space<vmem>>
        %dma_wait3A_61 = tpu.memref_squeeze %dma_wait3A_60 : memref<1x128xi32, #tpu.memory_space<vmem>> -> memref<128xi32, #tpu.memory_space<vmem>>
        %dma_wait3A_62 = arith.constant 0 : i32
        %dma_wait3A_63 = arith.constant 0 : i32
        %dma_wait3A_64 = tpu.memref_slice %arg9[%dma_wait3A_62, %dma_wait3A_63] : memref<10112x16xf32, #tpu.memory_space<vmem_shared>> -> memref<10112x16xf32, #tpu.memory_space<vmem_shared>>
        tpu.wait_indirect_dma semaphore(%run_scoped3A : memref<!tpu.dma_semaphore, #tpu.memory_space<semaphore_mem>>) src(%arg8 : memref<128x16xf32, #tpu.memory_space<vmem>>) dst(%dma_wait3A_64 : memref<10112x16xf32, #tpu.memory_space<vmem_shared>>)
        tpu.yield
      }) : () -> ()
    }
    %while3A_47 = arith.constant 1 : i32
    scf.for %while3A_52 = %while3A_45 to %while3A_41 step %while3A_47  : i32 {
      "tpu.region"() ({
        %run_scoped3A = tpu.sem_alloc : memref<!tpu.dma_semaphore, #tpu.memory_space<semaphore_mem>>
        %dma_start3A_53 = arith.constant 0 : i32
        %dma_start3A_54 = tpu.memref_slice %arg7[%while3A_52, %dma_start3A_53] : memref<106x128xi32, #tpu.memory_space<vmem>> -> memref<1x128xi32, #tpu.memory_space<vmem>>
        %dma_start3A_55 = tpu.memref_squeeze %dma_start3A_54 : memref<1x128xi32, #tpu.memory_space<vmem>> -> memref<128xi32, #tpu.memory_space<vmem>>
        %dma_start3A_56 = arith.constant 0 : i32
        %dma_start3A_57 = arith.constant 0 : i32
        %dma_start3A_58 = tpu.memref_slice %arg9[%dma_start3A_56, %dma_start3A_57] : memref<10112x16xf32, #tpu.memory_space<vmem_shared>> -> memref<10112x16xf32, #tpu.memory_space<vmem_shared>>
        tpu.enqueue_indirect_dma source(%arg8 : memref<128x16xf32, #tpu.memory_space<vmem>>) target(%dma_start3A_58 : memref<10112x16xf32, #tpu.memory_space<vmem_shared>>) offsets(%dma_start3A_55 : memref<128xi32, #tpu.memory_space<vmem>>) semaphore(%run_scoped3A : memref<!tpu.dma_semaphore, #tpu.memory_space<semaphore_mem>>) {add = true}
        %dma_wait3A_59 = arith.constant 0 : i32
        %dma_wait3A_60 = tpu.memref_slice %arg7[%while3A_52, %dma_wait3A_59] : memref<106x128xi32, #tpu.memory_space<vmem>> -> memref<1x128xi32, #tpu.memory_space<vmem>>
        %dma_wait3A_61 = tpu.memref_squeeze %dma_wait3A_60 : memref<1x128xi32, #tpu.memory_space<vmem>> -> memref<128xi32, #tpu.memory_space<vmem>>
        %dma_wait3A_62 = arith.constant 0 : i32
        %dma_wait3A_63 = arith.constant 0 : i32
        %dma_wait3A_64 = tpu.memref_slice %arg9[%dma_wait3A_62, %dma_wait3A_63] : memref<10112x16xf32, #tpu.memory_space<vmem_shared>> -> memref<10112x16xf32, #tpu.memory_space<vmem_shared>>
        tpu.wait_indirect_dma semaphore(%run_scoped3A : memref<!tpu.dma_semaphore, #tpu.memory_space<semaphore_mem>>) src(%arg8 : memref<128x16xf32, #tpu.memory_space<vmem>>) dst(%dma_wait3A_64 : memref<10112x16xf32, #tpu.memory_space<vmem_shared>>)
        tpu.yield
      }) : () -> ()
    }
    %barrier3A_48 = arith.constant 0 : index
    tpu.barrier barrier_id(%barrier3A_48)
    %mul3A = arith.constant 632 : i32
    %mul3A_49 = arith.muli %arg1, %mul3A : i32
    %mul3A_50 = arith.constant 632 : i32
    %mul3A_51 = arith.muli %arg1, %mul3A_50 : i32
    "tpu.region"() ({
      %run_scoped3A = tpu.sem_alloc : memref<!tpu.dma_semaphore, #tpu.memory_space<semaphore_mem>>
      %dma_start3A_52 = arith.constant 0 : i32
      %dma_start3A_53 = tpu.memref_slice %arg6[%arg0, %mul3A_51, %dma_start3A_52] : memref<2x10112x16xf32, #tpu.memory_space<hbm>> -> memref<1x632x16xf32, #tpu.memory_space<hbm>>
      %dma_start3A_54 = tpu.memref_squeeze %dma_start3A_53 : memref<1x632x16xf32, #tpu.memory_space<hbm>> -> memref<632x16xf32, #tpu.memory_space<hbm>>
      %dma_start3A_55 = arith.constant 0 : i32
      %dma_start3A_56 = tpu.memref_slice %arg9[%mul3A_49, %dma_start3A_55] : memref<10112x16xf32, #tpu.memory_space<vmem_shared>> -> memref<632x16xf32, #tpu.memory_space<vmem_shared>>
      tpu.enqueue_dma source(%dma_start3A_56 : memref<632x16xf32, #tpu.memory_space<vmem_shared>>) target(%dma_start3A_54 : memref<632x16xf32, #tpu.memory_space<hbm>>) target_semaphore(%run_scoped3A : memref<!tpu.dma_semaphore, #tpu.memory_space<semaphore_mem>>)
      %dma_wait3A_57 = arith.constant 0 : i32
      %dma_wait3A_58 = tpu.memref_slice %arg6[%arg0, %mul3A_51, %dma_wait3A_57] : memref<2x10112x16xf32, #tpu.memory_space<hbm>> -> memref<1x632x16xf32, #tpu.memory_space<hbm>>
      %dma_wait3A_59 = tpu.memref_squeeze %dma_wait3A_58 : memref<1x632x16xf32, #tpu.memory_space<hbm>> -> memref<632x16xf32, #tpu.memory_space<hbm>>
      %dma_wait3A_60 = arith.constant 0 : i32
      %dma_wait3A_61 = tpu.memref_slice %arg9[%mul3A_49, %dma_wait3A_60] : memref<10112x16xf32, #tpu.memory_space<vmem_shared>> -> memref<632x16xf32, #tpu.memory_space<vmem_shared>>
      tpu.wait_dma2 semaphore(%run_scoped3A : memref<!tpu.dma_semaphore, #tpu.memory_space<semaphore_mem>>) src(%dma_wait3A_61 : memref<632x16xf32, #tpu.memory_space<vmem_shared>>) dst(%dma_wait3A_59 : memref<632x16xf32, #tpu.memory_space<hbm>>)
      tpu.yield
    }) : () -> ()
    return
  }
}

#map = affine_map<(d0, d1) -> (0, 0)>
#map1 = affine_map<(d0, d1) -> (0, 0, 0)>
module attributes {stable_mosaic.version = 14 : i64} {
  func.func @_prop_kernel(%arg0: i32, %arg1: i32, %arg2: memref<10112x128xf32, #tpu.memory_space<hbm>>, %arg3: memref<10112x128xf32, #tpu.memory_space<hbm>>, %arg4: memref<16x106x128xi32, #tpu.memory_space<hbm>>, %arg5: memref<16x106x128xi32, #tpu.memory_space<hbm>>, %arg6: memref<16x52x128xi32, #tpu.memory_space<hbm>>, %arg7: memref<16x52x128xi32, #tpu.memory_space<hbm>>, %arg8: memref<2x10112x128xf32, #tpu.memory_space<hbm>>, %arg9: memref<106x128xi32, #tpu.memory_space<vmem>>, %arg10: memref<106x128xi32, #tpu.memory_space<vmem>>, %arg11: memref<128x128xf32, #tpu.memory_space<vmem>>, %arg12: memref<10112x128xf32, #tpu.memory_space<vmem_shared>>, %arg13: memref<!tpu.dma_semaphore, #tpu.memory_space<semaphore_mem>>, %arg14: memref<!tpu.dma_semaphore, #tpu.memory_space<semaphore_mem>>, %arg15: memref<!tpu.dma_semaphore, #tpu.memory_space<semaphore_mem>>) attributes {dimension_semantics = [#tpu.dimension_semantics<core_parallel>, #tpu.dimension_semantics<subcore_parallel>], iteration_bounds = array<i64: 2, 16>, scalar_prefetch = 0 : i64, scratch_operands = 7 : i64, tpu.core_type = #tpu.core_type<sc_vector_subcore>, window_params = [{transform_indices = #map}, {transform_indices = #map}, {transform_indices = #map1}, {transform_indices = #map1}, {transform_indices = #map1}, {transform_indices = #map1}, {transform_indices = #map1}]} {
    %eq3A = arith.constant 0 : i32
    %eq3A_0 = arith.cmpi eq, %arg0, %eq3A : i32
    %convert_element_type3A = arith.extui %eq3A_0 : i1 to i32
    %cond3A = arith.constant 0 : i32
    %cond3A_1 = arith.cmpi ne, %convert_element_type3A, %cond3A : i32
    scf.if %cond3A_1 {
      %dma_start3A = arith.constant 0 : i32
      %dma_start3A_62 = arith.constant 0 : i32
      %dma_start3A_63 = tpu.memref_slice %arg9[%dma_start3A, %dma_start3A_62] : memref<106x128xi32, #tpu.memory_space<vmem>> -> memref<106x128xi32, #tpu.memory_space<vmem>>
      %dma_start3A_64 = arith.constant 0 : i32
      %dma_start3A_65 = arith.constant 0 : i32
      %dma_start3A_66 = tpu.memref_slice %arg4[%arg1, %dma_start3A_64, %dma_start3A_65] : memref<16x106x128xi32, #tpu.memory_space<hbm>> -> memref<1x106x128xi32, #tpu.memory_space<hbm>>
      %dma_start3A_67 = tpu.memref_squeeze %dma_start3A_66 : memref<1x106x128xi32, #tpu.memory_space<hbm>> -> memref<106x128xi32, #tpu.memory_space<hbm>>
      %dma_start3A_68 = arith.constant 0 : i32
      %dma_start3A_69 = arith.constant 0 : i32
      %dma_start3A_70 = tpu.memref_slice %arg9[%dma_start3A_68, %dma_start3A_69] : memref<106x128xi32, #tpu.memory_space<vmem>> -> memref<106x128xi32, #tpu.memory_space<vmem>>
      %dma_start3A_71 = arith.constant 0 : i32
      %dma_start3A_72 = arith.constant 0 : i32
      %dma_start3A_73 = tpu.memref_slice %arg4[%arg1, %dma_start3A_71, %dma_start3A_72] : memref<16x106x128xi32, #tpu.memory_space<hbm>> -> memref<1x106x128xi32, #tpu.memory_space<hbm>>
      %dma_start3A_74 = tpu.memref_squeeze %dma_start3A_73 : memref<1x106x128xi32, #tpu.memory_space<hbm>> -> memref<106x128xi32, #tpu.memory_space<hbm>>
      tpu.enqueue_dma source(%dma_start3A_74 : memref<106x128xi32, #tpu.memory_space<hbm>>) target(%dma_start3A_70 : memref<106x128xi32, #tpu.memory_space<vmem>>) target_semaphore(%arg13 : memref<!tpu.dma_semaphore, #tpu.memory_space<semaphore_mem>>)
    } else {
    }
    %ne3A = arith.constant 0 : i32
    %ne3A_2 = arith.cmpi ne, %arg0, %ne3A : i32
    %convert_element_type3A_3 = arith.extui %ne3A_2 : i1 to i32
    %cond3A_4 = arith.constant 0 : i32
    %cond3A_5 = arith.cmpi ne, %convert_element_type3A_3, %cond3A_4 : i32
    scf.if %cond3A_5 {
      %dma_start3A = arith.constant 0 : i32
      %dma_start3A_62 = arith.constant 0 : i32
      %dma_start3A_63 = tpu.memref_slice %arg9[%dma_start3A, %dma_start3A_62] : memref<106x128xi32, #tpu.memory_space<vmem>> -> memref<52x128xi32, #tpu.memory_space<vmem>>
      %dma_start3A_64 = arith.constant 0 : i32
      %dma_start3A_65 = arith.constant 0 : i32
      %dma_start3A_66 = tpu.memref_slice %arg6[%arg1, %dma_start3A_64, %dma_start3A_65] : memref<16x52x128xi32, #tpu.memory_space<hbm>> -> memref<1x52x128xi32, #tpu.memory_space<hbm>>
      %dma_start3A_67 = tpu.memref_squeeze %dma_start3A_66 : memref<1x52x128xi32, #tpu.memory_space<hbm>> -> memref<52x128xi32, #tpu.memory_space<hbm>>
      %dma_start3A_68 = arith.constant 0 : i32
      %dma_start3A_69 = arith.constant 0 : i32
      %dma_start3A_70 = tpu.memref_slice %arg9[%dma_start3A_68, %dma_start3A_69] : memref<106x128xi32, #tpu.memory_space<vmem>> -> memref<52x128xi32, #tpu.memory_space<vmem>>
      %dma_start3A_71 = arith.constant 0 : i32
      %dma_start3A_72 = arith.constant 0 : i32
      %dma_start3A_73 = tpu.memref_slice %arg6[%arg1, %dma_start3A_71, %dma_start3A_72] : memref<16x52x128xi32, #tpu.memory_space<hbm>> -> memref<1x52x128xi32, #tpu.memory_space<hbm>>
      %dma_start3A_74 = tpu.memref_squeeze %dma_start3A_73 : memref<1x52x128xi32, #tpu.memory_space<hbm>> -> memref<52x128xi32, #tpu.memory_space<hbm>>
      tpu.enqueue_dma source(%dma_start3A_74 : memref<52x128xi32, #tpu.memory_space<hbm>>) target(%dma_start3A_70 : memref<52x128xi32, #tpu.memory_space<vmem>>) target_semaphore(%arg13 : memref<!tpu.dma_semaphore, #tpu.memory_space<semaphore_mem>>)
    } else {
    }
    %eq3A_6 = arith.constant 0 : i32
    %eq3A_7 = arith.cmpi eq, %arg0, %eq3A_6 : i32
    %convert_element_type3A_8 = arith.extui %eq3A_7 : i1 to i32
    %cond3A_9 = arith.constant 0 : i32
    %cond3A_10 = arith.cmpi ne, %convert_element_type3A_8, %cond3A_9 : i32
    scf.if %cond3A_10 {
      %dma_start3A = arith.constant 0 : i32
      %dma_start3A_62 = arith.constant 0 : i32
      %dma_start3A_63 = tpu.memref_slice %arg10[%dma_start3A, %dma_start3A_62] : memref<106x128xi32, #tpu.memory_space<vmem>> -> memref<106x128xi32, #tpu.memory_space<vmem>>
      %dma_start3A_64 = arith.constant 0 : i32
      %dma_start3A_65 = arith.constant 0 : i32
      %dma_start3A_66 = tpu.memref_slice %arg5[%arg1, %dma_start3A_64, %dma_start3A_65] : memref<16x106x128xi32, #tpu.memory_space<hbm>> -> memref<1x106x128xi32, #tpu.memory_space<hbm>>
      %dma_start3A_67 = tpu.memref_squeeze %dma_start3A_66 : memref<1x106x128xi32, #tpu.memory_space<hbm>> -> memref<106x128xi32, #tpu.memory_space<hbm>>
      %dma_start3A_68 = arith.constant 0 : i32
      %dma_start3A_69 = arith.constant 0 : i32
      %dma_start3A_70 = tpu.memref_slice %arg10[%dma_start3A_68, %dma_start3A_69] : memref<106x128xi32, #tpu.memory_space<vmem>> -> memref<106x128xi32, #tpu.memory_space<vmem>>
      %dma_start3A_71 = arith.constant 0 : i32
      %dma_start3A_72 = arith.constant 0 : i32
      %dma_start3A_73 = tpu.memref_slice %arg5[%arg1, %dma_start3A_71, %dma_start3A_72] : memref<16x106x128xi32, #tpu.memory_space<hbm>> -> memref<1x106x128xi32, #tpu.memory_space<hbm>>
      %dma_start3A_74 = tpu.memref_squeeze %dma_start3A_73 : memref<1x106x128xi32, #tpu.memory_space<hbm>> -> memref<106x128xi32, #tpu.memory_space<hbm>>
      tpu.enqueue_dma source(%dma_start3A_74 : memref<106x128xi32, #tpu.memory_space<hbm>>) target(%dma_start3A_70 : memref<106x128xi32, #tpu.memory_space<vmem>>) target_semaphore(%arg14 : memref<!tpu.dma_semaphore, #tpu.memory_space<semaphore_mem>>)
    } else {
    }
    %ne3A_11 = arith.constant 0 : i32
    %ne3A_12 = arith.cmpi ne, %arg0, %ne3A_11 : i32
    %convert_element_type3A_13 = arith.extui %ne3A_12 : i1 to i32
    %cond3A_14 = arith.constant 0 : i32
    %cond3A_15 = arith.cmpi ne, %convert_element_type3A_13, %cond3A_14 : i32
    scf.if %cond3A_15 {
      %dma_start3A = arith.constant 0 : i32
      %dma_start3A_62 = arith.constant 0 : i32
      %dma_start3A_63 = tpu.memref_slice %arg10[%dma_start3A, %dma_start3A_62] : memref<106x128xi32, #tpu.memory_space<vmem>> -> memref<52x128xi32, #tpu.memory_space<vmem>>
      %dma_start3A_64 = arith.constant 0 : i32
      %dma_start3A_65 = arith.constant 0 : i32
      %dma_start3A_66 = tpu.memref_slice %arg7[%arg1, %dma_start3A_64, %dma_start3A_65] : memref<16x52x128xi32, #tpu.memory_space<hbm>> -> memref<1x52x128xi32, #tpu.memory_space<hbm>>
      %dma_start3A_67 = tpu.memref_squeeze %dma_start3A_66 : memref<1x52x128xi32, #tpu.memory_space<hbm>> -> memref<52x128xi32, #tpu.memory_space<hbm>>
      %dma_start3A_68 = arith.constant 0 : i32
      %dma_start3A_69 = arith.constant 0 : i32
      %dma_start3A_70 = tpu.memref_slice %arg10[%dma_start3A_68, %dma_start3A_69] : memref<106x128xi32, #tpu.memory_space<vmem>> -> memref<52x128xi32, #tpu.memory_space<vmem>>
      %dma_start3A_71 = arith.constant 0 : i32
      %dma_start3A_72 = arith.constant 0 : i32
      %dma_start3A_73 = tpu.memref_slice %arg7[%arg1, %dma_start3A_71, %dma_start3A_72] : memref<16x52x128xi32, #tpu.memory_space<hbm>> -> memref<1x52x128xi32, #tpu.memory_space<hbm>>
      %dma_start3A_74 = tpu.memref_squeeze %dma_start3A_73 : memref<1x52x128xi32, #tpu.memory_space<hbm>> -> memref<52x128xi32, #tpu.memory_space<hbm>>
      tpu.enqueue_dma source(%dma_start3A_74 : memref<52x128xi32, #tpu.memory_space<hbm>>) target(%dma_start3A_70 : memref<52x128xi32, #tpu.memory_space<vmem>>) target_semaphore(%arg14 : memref<!tpu.dma_semaphore, #tpu.memory_space<semaphore_mem>>)
    } else {
    }
    %eq3A_16 = arith.constant 0 : i32
    %eq3A_17 = arith.cmpi eq, %arg0, %eq3A_16 : i32
    %convert_element_type3A_18 = arith.extui %eq3A_17 : i1 to i32
    %cond3A_19 = arith.constant 0 : i32
    %cond3A_20 = arith.cmpi ne, %convert_element_type3A_18, %cond3A_19 : i32
    scf.if %cond3A_20 {
      %mul3A_62 = arith.constant 632 : i32
      %mul3A_63 = arith.muli %arg1, %mul3A_62 : i32
      %mul3A_64 = arith.constant 632 : i32
      %mul3A_65 = arith.muli %arg1, %mul3A_64 : i32
      "tpu.region"() ({
        %run_scoped3A = tpu.sem_alloc : memref<!tpu.dma_semaphore, #tpu.memory_space<semaphore_mem>>
        %dma_start3A = arith.constant 0 : i32
        %dma_start3A_66 = tpu.memref_slice %arg12[%mul3A_65, %dma_start3A] : memref<10112x128xf32, #tpu.memory_space<vmem_shared>> -> memref<632x128xf32, #tpu.memory_space<vmem_shared>>
        %dma_start3A_67 = arith.constant 0 : i32
        %dma_start3A_68 = tpu.memref_slice %arg2[%mul3A_63, %dma_start3A_67] : memref<10112x128xf32, #tpu.memory_space<hbm>> -> memref<632x128xf32, #tpu.memory_space<hbm>>
        tpu.enqueue_dma source(%dma_start3A_68 : memref<632x128xf32, #tpu.memory_space<hbm>>) target(%dma_start3A_66 : memref<632x128xf32, #tpu.memory_space<vmem_shared>>) target_semaphore(%run_scoped3A : memref<!tpu.dma_semaphore, #tpu.memory_space<semaphore_mem>>)
        %dma_wait3A = arith.constant 0 : i32
        %dma_wait3A_69 = tpu.memref_slice %arg12[%mul3A_65, %dma_wait3A] : memref<10112x128xf32, #tpu.memory_space<vmem_shared>> -> memref<632x128xf32, #tpu.memory_space<vmem_shared>>
        %dma_wait3A_70 = arith.constant 0 : i32
        %dma_wait3A_71 = tpu.memref_slice %arg2[%mul3A_63, %dma_wait3A_70] : memref<10112x128xf32, #tpu.memory_space<hbm>> -> memref<632x128xf32, #tpu.memory_space<hbm>>
        tpu.wait_dma2 semaphore(%run_scoped3A : memref<!tpu.dma_semaphore, #tpu.memory_space<semaphore_mem>>) src(%dma_wait3A_71 : memref<632x128xf32, #tpu.memory_space<hbm>>) dst(%dma_wait3A_69 : memref<632x128xf32, #tpu.memory_space<vmem_shared>>)
        tpu.yield
      }) : () -> ()
    } else {
    }
    %ne3A_21 = arith.constant 0 : i32
    %ne3A_22 = arith.cmpi ne, %arg0, %ne3A_21 : i32
    %convert_element_type3A_23 = arith.extui %ne3A_22 : i1 to i32
    %cond3A_24 = arith.constant 0 : i32
    %cond3A_25 = arith.cmpi ne, %convert_element_type3A_23, %cond3A_24 : i32
    scf.if %cond3A_25 {
      %mul3A_62 = arith.constant 632 : i32
      %mul3A_63 = arith.muli %arg1, %mul3A_62 : i32
      %mul3A_64 = arith.constant 632 : i32
      %mul3A_65 = arith.muli %arg1, %mul3A_64 : i32
      "tpu.region"() ({
        %run_scoped3A = tpu.sem_alloc : memref<!tpu.dma_semaphore, #tpu.memory_space<semaphore_mem>>
        %dma_start3A = arith.constant 0 : i32
        %dma_start3A_66 = tpu.memref_slice %arg12[%mul3A_65, %dma_start3A] : memref<10112x128xf32, #tpu.memory_space<vmem_shared>> -> memref<632x128xf32, #tpu.memory_space<vmem_shared>>
        %dma_start3A_67 = arith.constant 0 : i32
        %dma_start3A_68 = tpu.memref_slice %arg3[%mul3A_63, %dma_start3A_67] : memref<10112x128xf32, #tpu.memory_space<hbm>> -> memref<632x128xf32, #tpu.memory_space<hbm>>
        tpu.enqueue_dma source(%dma_start3A_68 : memref<632x128xf32, #tpu.memory_space<hbm>>) target(%dma_start3A_66 : memref<632x128xf32, #tpu.memory_space<vmem_shared>>) target_semaphore(%run_scoped3A : memref<!tpu.dma_semaphore, #tpu.memory_space<semaphore_mem>>)
        %dma_wait3A = arith.constant 0 : i32
        %dma_wait3A_69 = tpu.memref_slice %arg12[%mul3A_65, %dma_wait3A] : memref<10112x128xf32, #tpu.memory_space<vmem_shared>> -> memref<632x128xf32, #tpu.memory_space<vmem_shared>>
        %dma_wait3A_70 = arith.constant 0 : i32
        %dma_wait3A_71 = tpu.memref_slice %arg3[%mul3A_63, %dma_wait3A_70] : memref<10112x128xf32, #tpu.memory_space<hbm>> -> memref<632x128xf32, #tpu.memory_space<hbm>>
        tpu.wait_dma2 semaphore(%run_scoped3A : memref<!tpu.dma_semaphore, #tpu.memory_space<semaphore_mem>>) src(%dma_wait3A_71 : memref<632x128xf32, #tpu.memory_space<hbm>>) dst(%dma_wait3A_69 : memref<632x128xf32, #tpu.memory_space<vmem_shared>>)
        tpu.yield
      }) : () -> ()
    } else {
    }
    %eq3A_26 = arith.constant 0 : i32
    %eq3A_27 = arith.cmpi eq, %arg0, %eq3A_26 : i32
    %convert_element_type3A_28 = arith.extui %eq3A_27 : i1 to i32
    %cond3A_29 = arith.constant 0 : i32
    %cond3A_30 = arith.cmpi ne, %convert_element_type3A_28, %cond3A_29 : i32
    scf.if %cond3A_30 {
      %dma_wait3A = arith.constant 0 : i32
      %dma_wait3A_62 = arith.constant 0 : i32
      %dma_wait3A_63 = tpu.memref_slice %arg9[%dma_wait3A, %dma_wait3A_62] : memref<106x128xi32, #tpu.memory_space<vmem>> -> memref<106x128xi32, #tpu.memory_space<vmem>>
      %dma_wait3A_64 = arith.constant 0 : i32
      %dma_wait3A_65 = arith.constant 0 : i32
      %dma_wait3A_66 = tpu.memref_slice %arg4[%arg1, %dma_wait3A_64, %dma_wait3A_65] : memref<16x106x128xi32, #tpu.memory_space<hbm>> -> memref<1x106x128xi32, #tpu.memory_space<hbm>>
      %dma_wait3A_67 = tpu.memref_squeeze %dma_wait3A_66 : memref<1x106x128xi32, #tpu.memory_space<hbm>> -> memref<106x128xi32, #tpu.memory_space<hbm>>
      %dma_wait3A_68 = arith.constant 0 : i32
      %dma_wait3A_69 = arith.constant 0 : i32
      %dma_wait3A_70 = tpu.memref_slice %arg9[%dma_wait3A_68, %dma_wait3A_69] : memref<106x128xi32, #tpu.memory_space<vmem>> -> memref<106x128xi32, #tpu.memory_space<vmem>>
      %dma_wait3A_71 = arith.constant 0 : i32
      %dma_wait3A_72 = arith.constant 0 : i32
      %dma_wait3A_73 = tpu.memref_slice %arg4[%arg1, %dma_wait3A_71, %dma_wait3A_72] : memref<16x106x128xi32, #tpu.memory_space<hbm>> -> memref<1x106x128xi32, #tpu.memory_space<hbm>>
      %dma_wait3A_74 = tpu.memref_squeeze %dma_wait3A_73 : memref<1x106x128xi32, #tpu.memory_space<hbm>> -> memref<106x128xi32, #tpu.memory_space<hbm>>
      tpu.wait_dma2 semaphore(%arg13 : memref<!tpu.dma_semaphore, #tpu.memory_space<semaphore_mem>>) src(%dma_wait3A_74 : memref<106x128xi32, #tpu.memory_space<hbm>>) dst(%dma_wait3A_70 : memref<106x128xi32, #tpu.memory_space<vmem>>)
    } else {
    }
    %ne3A_31 = arith.constant 0 : i32
    %ne3A_32 = arith.cmpi ne, %arg0, %ne3A_31 : i32
    %convert_element_type3A_33 = arith.extui %ne3A_32 : i1 to i32
    %cond3A_34 = arith.constant 0 : i32
    %cond3A_35 = arith.cmpi ne, %convert_element_type3A_33, %cond3A_34 : i32
    scf.if %cond3A_35 {
      %dma_wait3A = arith.constant 0 : i32
      %dma_wait3A_62 = arith.constant 0 : i32
      %dma_wait3A_63 = tpu.memref_slice %arg9[%dma_wait3A, %dma_wait3A_62] : memref<106x128xi32, #tpu.memory_space<vmem>> -> memref<52x128xi32, #tpu.memory_space<vmem>>
      %dma_wait3A_64 = arith.constant 0 : i32
      %dma_wait3A_65 = arith.constant 0 : i32
      %dma_wait3A_66 = tpu.memref_slice %arg6[%arg1, %dma_wait3A_64, %dma_wait3A_65] : memref<16x52x128xi32, #tpu.memory_space<hbm>> -> memref<1x52x128xi32, #tpu.memory_space<hbm>>
      %dma_wait3A_67 = tpu.memref_squeeze %dma_wait3A_66 : memref<1x52x128xi32, #tpu.memory_space<hbm>> -> memref<52x128xi32, #tpu.memory_space<hbm>>
      %dma_wait3A_68 = arith.constant 0 : i32
      %dma_wait3A_69 = arith.constant 0 : i32
      %dma_wait3A_70 = tpu.memref_slice %arg9[%dma_wait3A_68, %dma_wait3A_69] : memref<106x128xi32, #tpu.memory_space<vmem>> -> memref<52x128xi32, #tpu.memory_space<vmem>>
      %dma_wait3A_71 = arith.constant 0 : i32
      %dma_wait3A_72 = arith.constant 0 : i32
      %dma_wait3A_73 = tpu.memref_slice %arg6[%arg1, %dma_wait3A_71, %dma_wait3A_72] : memref<16x52x128xi32, #tpu.memory_space<hbm>> -> memref<1x52x128xi32, #tpu.memory_space<hbm>>
      %dma_wait3A_74 = tpu.memref_squeeze %dma_wait3A_73 : memref<1x52x128xi32, #tpu.memory_space<hbm>> -> memref<52x128xi32, #tpu.memory_space<hbm>>
      tpu.wait_dma2 semaphore(%arg13 : memref<!tpu.dma_semaphore, #tpu.memory_space<semaphore_mem>>) src(%dma_wait3A_74 : memref<52x128xi32, #tpu.memory_space<hbm>>) dst(%dma_wait3A_70 : memref<52x128xi32, #tpu.memory_space<vmem>>)
    } else {
    }
    %eq3A_36 = arith.constant 0 : i32
    %eq3A_37 = arith.cmpi eq, %arg0, %eq3A_36 : i32
    %convert_element_type3A_38 = arith.extui %eq3A_37 : i1 to i32
    %cond3A_39 = arith.constant 0 : i32
    %cond3A_40 = arith.cmpi ne, %convert_element_type3A_38, %cond3A_39 : i32
    scf.if %cond3A_40 {
      %dma_wait3A = arith.constant 0 : i32
      %dma_wait3A_62 = arith.constant 0 : i32
      %dma_wait3A_63 = tpu.memref_slice %arg10[%dma_wait3A, %dma_wait3A_62] : memref<106x128xi32, #tpu.memory_space<vmem>> -> memref<106x128xi32, #tpu.memory_space<vmem>>
      %dma_wait3A_64 = arith.constant 0 : i32
      %dma_wait3A_65 = arith.constant 0 : i32
      %dma_wait3A_66 = tpu.memref_slice %arg5[%arg1, %dma_wait3A_64, %dma_wait3A_65] : memref<16x106x128xi32, #tpu.memory_space<hbm>> -> memref<1x106x128xi32, #tpu.memory_space<hbm>>
      %dma_wait3A_67 = tpu.memref_squeeze %dma_wait3A_66 : memref<1x106x128xi32, #tpu.memory_space<hbm>> -> memref<106x128xi32, #tpu.memory_space<hbm>>
      %dma_wait3A_68 = arith.constant 0 : i32
      %dma_wait3A_69 = arith.constant 0 : i32
      %dma_wait3A_70 = tpu.memref_slice %arg10[%dma_wait3A_68, %dma_wait3A_69] : memref<106x128xi32, #tpu.memory_space<vmem>> -> memref<106x128xi32, #tpu.memory_space<vmem>>
      %dma_wait3A_71 = arith.constant 0 : i32
      %dma_wait3A_72 = arith.constant 0 : i32
      %dma_wait3A_73 = tpu.memref_slice %arg5[%arg1, %dma_wait3A_71, %dma_wait3A_72] : memref<16x106x128xi32, #tpu.memory_space<hbm>> -> memref<1x106x128xi32, #tpu.memory_space<hbm>>
      %dma_wait3A_74 = tpu.memref_squeeze %dma_wait3A_73 : memref<1x106x128xi32, #tpu.memory_space<hbm>> -> memref<106x128xi32, #tpu.memory_space<hbm>>
      tpu.wait_dma2 semaphore(%arg14 : memref<!tpu.dma_semaphore, #tpu.memory_space<semaphore_mem>>) src(%dma_wait3A_74 : memref<106x128xi32, #tpu.memory_space<hbm>>) dst(%dma_wait3A_70 : memref<106x128xi32, #tpu.memory_space<vmem>>)
    } else {
    }
    %ne3A_41 = arith.constant 0 : i32
    %ne3A_42 = arith.cmpi ne, %arg0, %ne3A_41 : i32
    %convert_element_type3A_43 = arith.extui %ne3A_42 : i1 to i32
    %cond3A_44 = arith.constant 0 : i32
    %cond3A_45 = arith.cmpi ne, %convert_element_type3A_43, %cond3A_44 : i32
    scf.if %cond3A_45 {
      %dma_wait3A = arith.constant 0 : i32
      %dma_wait3A_62 = arith.constant 0 : i32
      %dma_wait3A_63 = tpu.memref_slice %arg10[%dma_wait3A, %dma_wait3A_62] : memref<106x128xi32, #tpu.memory_space<vmem>> -> memref<52x128xi32, #tpu.memory_space<vmem>>
      %dma_wait3A_64 = arith.constant 0 : i32
      %dma_wait3A_65 = arith.constant 0 : i32
      %dma_wait3A_66 = tpu.memref_slice %arg7[%arg1, %dma_wait3A_64, %dma_wait3A_65] : memref<16x52x128xi32, #tpu.memory_space<hbm>> -> memref<1x52x128xi32, #tpu.memory_space<hbm>>
      %dma_wait3A_67 = tpu.memref_squeeze %dma_wait3A_66 : memref<1x52x128xi32, #tpu.memory_space<hbm>> -> memref<52x128xi32, #tpu.memory_space<hbm>>
      %dma_wait3A_68 = arith.constant 0 : i32
      %dma_wait3A_69 = arith.constant 0 : i32
      %dma_wait3A_70 = tpu.memref_slice %arg10[%dma_wait3A_68, %dma_wait3A_69] : memref<106x128xi32, #tpu.memory_space<vmem>> -> memref<52x128xi32, #tpu.memory_space<vmem>>
      %dma_wait3A_71 = arith.constant 0 : i32
      %dma_wait3A_72 = arith.constant 0 : i32
      %dma_wait3A_73 = tpu.memref_slice %arg7[%arg1, %dma_wait3A_71, %dma_wait3A_72] : memref<16x52x128xi32, #tpu.memory_space<hbm>> -> memref<1x52x128xi32, #tpu.memory_space<hbm>>
      %dma_wait3A_74 = tpu.memref_squeeze %dma_wait3A_73 : memref<1x52x128xi32, #tpu.memory_space<hbm>> -> memref<52x128xi32, #tpu.memory_space<hbm>>
      tpu.wait_dma2 semaphore(%arg14 : memref<!tpu.dma_semaphore, #tpu.memory_space<semaphore_mem>>) src(%dma_wait3A_74 : memref<52x128xi32, #tpu.memory_space<hbm>>) dst(%dma_wait3A_70 : memref<52x128xi32, #tpu.memory_space<vmem>>)
    } else {
    }
    %barrier3A = arith.constant 0 : index
    tpu.barrier barrier_id(%barrier3A)
    %eq3A_46 = arith.constant 0 : i32
    %eq3A_47 = arith.cmpi eq, %arg0, %eq3A_46 : i32
    %jit3A = arith.constant 106 : i32
    %jit3A_48 = arith.constant 52 : i32
    %select_n3A = arith.select %eq3A_47, %jit3A, %jit3A_48 : i32
    %while3A = arith.constant 0 : i32
    %while3A_49 = arith.constant 0 : i32
    %while3A_50 = arith.subi %select_n3A, %while3A_49 : i32
    %while3A_51 = arith.addi %while3A_49, %while3A_50 : i32
    %while3A_52 = arith.constant 1 : i32
    %while3A_53 = arith.divsi %while3A_50, %while3A_52 : i32
    %while3A_54 = arith.muli %while3A_53, %while3A_52 : i32
    %while3A_55 = arith.addi %while3A_49, %while3A_54 : i32
    %while3A_56 = arith.constant 1 : i32
    scf.for %while3A_62 = %while3A_49 to %while3A_55 step %while3A_56  : i32 {
      %dma_start3A = arith.constant 0 : i32
      %dma_start3A_63 = tpu.memref_slice %arg9[%while3A_62, %dma_start3A] : memref<106x128xi32, #tpu.memory_space<vmem>> -> memref<1x128xi32, #tpu.memory_space<vmem>>
      %dma_start3A_64 = tpu.memref_squeeze %dma_start3A_63 : memref<1x128xi32, #tpu.memory_space<vmem>> -> memref<128xi32, #tpu.memory_space<vmem>>
      %dma_start3A_65 = arith.constant 0 : i32
      %dma_start3A_66 = arith.constant 0 : i32
      %dma_start3A_67 = tpu.memref_slice %arg2[%dma_start3A_65, %dma_start3A_66] : memref<10112x128xf32, #tpu.memory_space<hbm>> -> memref<10112x128xf32, #tpu.memory_space<hbm>>
      tpu.enqueue_indirect_dma source(%dma_start3A_67 : memref<10112x128xf32, #tpu.memory_space<hbm>>) target(%arg11 : memref<128x128xf32, #tpu.memory_space<vmem>>) offsets(%dma_start3A_64 : memref<128xi32, #tpu.memory_space<vmem>>) semaphore(%arg15 : memref<!tpu.dma_semaphore, #tpu.memory_space<semaphore_mem>>)
      %dma_wait3A = arith.constant 0 : i32
      %dma_wait3A_68 = tpu.memref_slice %arg9[%while3A_62, %dma_wait3A] : memref<106x128xi32, #tpu.memory_space<vmem>> -> memref<1x128xi32, #tpu.memory_space<vmem>>
      %dma_wait3A_69 = tpu.memref_squeeze %dma_wait3A_68 : memref<1x128xi32, #tpu.memory_space<vmem>> -> memref<128xi32, #tpu.memory_space<vmem>>
      %dma_wait3A_70 = arith.constant 0 : i32
      %dma_wait3A_71 = arith.constant 0 : i32
      %dma_wait3A_72 = tpu.memref_slice %arg2[%dma_wait3A_70, %dma_wait3A_71] : memref<10112x128xf32, #tpu.memory_space<hbm>> -> memref<10112x128xf32, #tpu.memory_space<hbm>>
      tpu.wait_indirect_dma semaphore(%arg15 : memref<!tpu.dma_semaphore, #tpu.memory_space<semaphore_mem>>) src(%dma_wait3A_72 : memref<10112x128xf32, #tpu.memory_space<hbm>>) dst(%arg11 : memref<128x128xf32, #tpu.memory_space<vmem>>)
      "tpu.region"() ({
        %run_scoped3A = tpu.sem_alloc : memref<!tpu.dma_semaphore, #tpu.memory_space<semaphore_mem>>
        %dma_start3A_73 = arith.constant 0 : i32
        %dma_start3A_74 = tpu.memref_slice %arg10[%while3A_62, %dma_start3A_73] : memref<106x128xi32, #tpu.memory_space<vmem>> -> memref<1x128xi32, #tpu.memory_space<vmem>>
        %dma_start3A_75 = tpu.memref_squeeze %dma_start3A_74 : memref<1x128xi32, #tpu.memory_space<vmem>> -> memref<128xi32, #tpu.memory_space<vmem>>
        %dma_start3A_76 = arith.constant 0 : i32
        %dma_start3A_77 = arith.constant 0 : i32
        %dma_start3A_78 = tpu.memref_slice %arg12[%dma_start3A_76, %dma_start3A_77] : memref<10112x128xf32, #tpu.memory_space<vmem_shared>> -> memref<10112x128xf32, #tpu.memory_space<vmem_shared>>
        tpu.enqueue_indirect_dma source(%arg11 : memref<128x128xf32, #tpu.memory_space<vmem>>) target(%dma_start3A_78 : memref<10112x128xf32, #tpu.memory_space<vmem_shared>>) offsets(%dma_start3A_75 : memref<128xi32, #tpu.memory_space<vmem>>) semaphore(%run_scoped3A : memref<!tpu.dma_semaphore, #tpu.memory_space<semaphore_mem>>) {add = true}
        %dma_wait3A_79 = arith.constant 0 : i32
        %dma_wait3A_80 = tpu.memref_slice %arg10[%while3A_62, %dma_wait3A_79] : memref<106x128xi32, #tpu.memory_space<vmem>> -> memref<1x128xi32, #tpu.memory_space<vmem>>
        %dma_wait3A_81 = tpu.memref_squeeze %dma_wait3A_80 : memref<1x128xi32, #tpu.memory_space<vmem>> -> memref<128xi32, #tpu.memory_space<vmem>>
        %dma_wait3A_82 = arith.constant 0 : i32
        %dma_wait3A_83 = arith.constant 0 : i32
        %dma_wait3A_84 = tpu.memref_slice %arg12[%dma_wait3A_82, %dma_wait3A_83] : memref<10112x128xf32, #tpu.memory_space<vmem_shared>> -> memref<10112x128xf32, #tpu.memory_space<vmem_shared>>
        tpu.wait_indirect_dma semaphore(%run_scoped3A : memref<!tpu.dma_semaphore, #tpu.memory_space<semaphore_mem>>) src(%arg11 : memref<128x128xf32, #tpu.memory_space<vmem>>) dst(%dma_wait3A_84 : memref<10112x128xf32, #tpu.memory_space<vmem_shared>>)
        tpu.yield
      }) : () -> ()
    }
    %while3A_57 = arith.constant 1 : i32
    scf.for %while3A_62 = %while3A_55 to %while3A_51 step %while3A_57  : i32 {
      %dma_start3A = arith.constant 0 : i32
      %dma_start3A_63 = tpu.memref_slice %arg9[%while3A_62, %dma_start3A] : memref<106x128xi32, #tpu.memory_space<vmem>> -> memref<1x128xi32, #tpu.memory_space<vmem>>
      %dma_start3A_64 = tpu.memref_squeeze %dma_start3A_63 : memref<1x128xi32, #tpu.memory_space<vmem>> -> memref<128xi32, #tpu.memory_space<vmem>>
      %dma_start3A_65 = arith.constant 0 : i32
      %dma_start3A_66 = arith.constant 0 : i32
      %dma_start3A_67 = tpu.memref_slice %arg2[%dma_start3A_65, %dma_start3A_66] : memref<10112x128xf32, #tpu.memory_space<hbm>> -> memref<10112x128xf32, #tpu.memory_space<hbm>>
      tpu.enqueue_indirect_dma source(%dma_start3A_67 : memref<10112x128xf32, #tpu.memory_space<hbm>>) target(%arg11 : memref<128x128xf32, #tpu.memory_space<vmem>>) offsets(%dma_start3A_64 : memref<128xi32, #tpu.memory_space<vmem>>) semaphore(%arg15 : memref<!tpu.dma_semaphore, #tpu.memory_space<semaphore_mem>>)
      %dma_wait3A = arith.constant 0 : i32
      %dma_wait3A_68 = tpu.memref_slice %arg9[%while3A_62, %dma_wait3A] : memref<106x128xi32, #tpu.memory_space<vmem>> -> memref<1x128xi32, #tpu.memory_space<vmem>>
      %dma_wait3A_69 = tpu.memref_squeeze %dma_wait3A_68 : memref<1x128xi32, #tpu.memory_space<vmem>> -> memref<128xi32, #tpu.memory_space<vmem>>
      %dma_wait3A_70 = arith.constant 0 : i32
      %dma_wait3A_71 = arith.constant 0 : i32
      %dma_wait3A_72 = tpu.memref_slice %arg2[%dma_wait3A_70, %dma_wait3A_71] : memref<10112x128xf32, #tpu.memory_space<hbm>> -> memref<10112x128xf32, #tpu.memory_space<hbm>>
      tpu.wait_indirect_dma semaphore(%arg15 : memref<!tpu.dma_semaphore, #tpu.memory_space<semaphore_mem>>) src(%dma_wait3A_72 : memref<10112x128xf32, #tpu.memory_space<hbm>>) dst(%arg11 : memref<128x128xf32, #tpu.memory_space<vmem>>)
      "tpu.region"() ({
        %run_scoped3A = tpu.sem_alloc : memref<!tpu.dma_semaphore, #tpu.memory_space<semaphore_mem>>
        %dma_start3A_73 = arith.constant 0 : i32
        %dma_start3A_74 = tpu.memref_slice %arg10[%while3A_62, %dma_start3A_73] : memref<106x128xi32, #tpu.memory_space<vmem>> -> memref<1x128xi32, #tpu.memory_space<vmem>>
        %dma_start3A_75 = tpu.memref_squeeze %dma_start3A_74 : memref<1x128xi32, #tpu.memory_space<vmem>> -> memref<128xi32, #tpu.memory_space<vmem>>
        %dma_start3A_76 = arith.constant 0 : i32
        %dma_start3A_77 = arith.constant 0 : i32
        %dma_start3A_78 = tpu.memref_slice %arg12[%dma_start3A_76, %dma_start3A_77] : memref<10112x128xf32, #tpu.memory_space<vmem_shared>> -> memref<10112x128xf32, #tpu.memory_space<vmem_shared>>
        tpu.enqueue_indirect_dma source(%arg11 : memref<128x128xf32, #tpu.memory_space<vmem>>) target(%dma_start3A_78 : memref<10112x128xf32, #tpu.memory_space<vmem_shared>>) offsets(%dma_start3A_75 : memref<128xi32, #tpu.memory_space<vmem>>) semaphore(%run_scoped3A : memref<!tpu.dma_semaphore, #tpu.memory_space<semaphore_mem>>) {add = true}
        %dma_wait3A_79 = arith.constant 0 : i32
        %dma_wait3A_80 = tpu.memref_slice %arg10[%while3A_62, %dma_wait3A_79] : memref<106x128xi32, #tpu.memory_space<vmem>> -> memref<1x128xi32, #tpu.memory_space<vmem>>
        %dma_wait3A_81 = tpu.memref_squeeze %dma_wait3A_80 : memref<1x128xi32, #tpu.memory_space<vmem>> -> memref<128xi32, #tpu.memory_space<vmem>>
        %dma_wait3A_82 = arith.constant 0 : i32
        %dma_wait3A_83 = arith.constant 0 : i32
        %dma_wait3A_84 = tpu.memref_slice %arg12[%dma_wait3A_82, %dma_wait3A_83] : memref<10112x128xf32, #tpu.memory_space<vmem_shared>> -> memref<10112x128xf32, #tpu.memory_space<vmem_shared>>
        tpu.wait_indirect_dma semaphore(%run_scoped3A : memref<!tpu.dma_semaphore, #tpu.memory_space<semaphore_mem>>) src(%arg11 : memref<128x128xf32, #tpu.memory_space<vmem>>) dst(%dma_wait3A_84 : memref<10112x128xf32, #tpu.memory_space<vmem_shared>>)
        tpu.yield
      }) : () -> ()
    }
    %barrier3A_58 = arith.constant 0 : index
    tpu.barrier barrier_id(%barrier3A_58)
    %mul3A = arith.constant 632 : i32
    %mul3A_59 = arith.muli %arg1, %mul3A : i32
    %mul3A_60 = arith.constant 632 : i32
    %mul3A_61 = arith.muli %arg1, %mul3A_60 : i32
    "tpu.region"() ({
      %run_scoped3A = tpu.sem_alloc : memref<!tpu.dma_semaphore, #tpu.memory_space<semaphore_mem>>
      %dma_start3A = arith.constant 0 : i32
      %dma_start3A_62 = tpu.memref_slice %arg8[%arg0, %mul3A_61, %dma_start3A] : memref<2x10112x128xf32, #tpu.memory_space<hbm>> -> memref<1x632x128xf32, #tpu.memory_space<hbm>>
      %dma_start3A_63 = tpu.memref_squeeze %dma_start3A_62 : memref<1x632x128xf32, #tpu.memory_space<hbm>> -> memref<632x128xf32, #tpu.memory_space<hbm>>
      %dma_start3A_64 = arith.constant 0 : i32
      %dma_start3A_65 = tpu.memref_slice %arg12[%mul3A_59, %dma_start3A_64] : memref<10112x128xf32, #tpu.memory_space<vmem_shared>> -> memref<632x128xf32, #tpu.memory_space<vmem_shared>>
      tpu.enqueue_dma source(%dma_start3A_65 : memref<632x128xf32, #tpu.memory_space<vmem_shared>>) target(%dma_start3A_63 : memref<632x128xf32, #tpu.memory_space<hbm>>) target_semaphore(%run_scoped3A : memref<!tpu.dma_semaphore, #tpu.memory_space<semaphore_mem>>)
      %dma_wait3A = arith.constant 0 : i32
      %dma_wait3A_66 = tpu.memref_slice %arg8[%arg0, %mul3A_61, %dma_wait3A] : memref<2x10112x128xf32, #tpu.memory_space<hbm>> -> memref<1x632x128xf32, #tpu.memory_space<hbm>>
      %dma_wait3A_67 = tpu.memref_squeeze %dma_wait3A_66 : memref<1x632x128xf32, #tpu.memory_space<hbm>> -> memref<632x128xf32, #tpu.memory_space<hbm>>
      %dma_wait3A_68 = arith.constant 0 : i32
      %dma_wait3A_69 = tpu.memref_slice %arg12[%mul3A_59, %dma_wait3A_68] : memref<10112x128xf32, #tpu.memory_space<vmem_shared>> -> memref<632x128xf32, #tpu.memory_space<vmem_shared>>
      tpu.wait_dma2 semaphore(%run_scoped3A : memref<!tpu.dma_semaphore, #tpu.memory_space<semaphore_mem>>) src(%dma_wait3A_69 : memref<632x128xf32, #tpu.memory_space<vmem_shared>>) dst(%dma_wait3A_67 : memref<632x128xf32, #tpu.memory_space<hbm>>)
      tpu.yield
    }) : () -> ()
    return
  }
}

#map = affine_map<(d0, d1) -> (0, 0)>
#map1 = affine_map<(d0, d1) -> (0, 0, 0)>
module attributes {stable_mosaic.version = 14 : i64} {
  func.func @_prop_kernel(%arg0: i32, %arg1: i32, %arg2: memref<10112x128xf32, #tpu.memory_space<hbm>>, %arg3: memref<10112x128xf32, #tpu.memory_space<hbm>>, %arg4: memref<16x106x128xi32, #tpu.memory_space<hbm>>, %arg5: memref<16x106x128xi32, #tpu.memory_space<hbm>>, %arg6: memref<16x52x128xi32, #tpu.memory_space<hbm>>, %arg7: memref<16x52x128xi32, #tpu.memory_space<hbm>>, %arg8: memref<2x10112x128xf32, #tpu.memory_space<hbm>>, %arg9: memref<106x128xi32, #tpu.memory_space<vmem>>, %arg10: memref<106x128xi32, #tpu.memory_space<vmem>>, %arg11: memref<128x128xf32, #tpu.memory_space<vmem>>, %arg12: memref<10112x128xf32, #tpu.memory_space<vmem_shared>>, %arg13: memref<!tpu.dma_semaphore, #tpu.memory_space<semaphore_mem>>, %arg14: memref<!tpu.dma_semaphore, #tpu.memory_space<semaphore_mem>>, %arg15: memref<!tpu.dma_semaphore, #tpu.memory_space<semaphore_mem>>) attributes {dimension_semantics = [#tpu.dimension_semantics<core_parallel>, #tpu.dimension_semantics<subcore_parallel>], iteration_bounds = array<i64: 2, 16>, scalar_prefetch = 0 : i64, scratch_operands = 7 : i64, tpu.core_type = #tpu.core_type<sc_vector_subcore>, window_params = [{transform_indices = #map}, {transform_indices = #map}, {transform_indices = #map1}, {transform_indices = #map1}, {transform_indices = #map1}, {transform_indices = #map1}, {transform_indices = #map1}]} {
    %eq3A = arith.constant 0 : i32
    %eq3A_0 = arith.cmpi eq, %arg0, %eq3A : i32
    %convert_element_type3A = arith.extui %eq3A_0 : i1 to i32
    %cond3A = arith.constant 0 : i32
    %cond3A_1 = arith.cmpi ne, %convert_element_type3A, %cond3A : i32
    scf.if %cond3A_1 {
      %dma_start3A = arith.constant 0 : i32
      %dma_start3A_62 = arith.constant 0 : i32
      %dma_start3A_63 = tpu.memref_slice %arg9[%dma_start3A, %dma_start3A_62] : memref<106x128xi32, #tpu.memory_space<vmem>> -> memref<106x128xi32, #tpu.memory_space<vmem>>
      %dma_start3A_64 = arith.constant 0 : i32
      %dma_start3A_65 = arith.constant 0 : i32
      %dma_start3A_66 = tpu.memref_slice %arg4[%arg1, %dma_start3A_64, %dma_start3A_65] : memref<16x106x128xi32, #tpu.memory_space<hbm>> -> memref<1x106x128xi32, #tpu.memory_space<hbm>>
      %dma_start3A_67 = tpu.memref_squeeze %dma_start3A_66 : memref<1x106x128xi32, #tpu.memory_space<hbm>> -> memref<106x128xi32, #tpu.memory_space<hbm>>
      %dma_start3A_68 = arith.constant 0 : i32
      %dma_start3A_69 = arith.constant 0 : i32
      %dma_start3A_70 = tpu.memref_slice %arg9[%dma_start3A_68, %dma_start3A_69] : memref<106x128xi32, #tpu.memory_space<vmem>> -> memref<106x128xi32, #tpu.memory_space<vmem>>
      %dma_start3A_71 = arith.constant 0 : i32
      %dma_start3A_72 = arith.constant 0 : i32
      %dma_start3A_73 = tpu.memref_slice %arg4[%arg1, %dma_start3A_71, %dma_start3A_72] : memref<16x106x128xi32, #tpu.memory_space<hbm>> -> memref<1x106x128xi32, #tpu.memory_space<hbm>>
      %dma_start3A_74 = tpu.memref_squeeze %dma_start3A_73 : memref<1x106x128xi32, #tpu.memory_space<hbm>> -> memref<106x128xi32, #tpu.memory_space<hbm>>
      tpu.enqueue_dma source(%dma_start3A_74 : memref<106x128xi32, #tpu.memory_space<hbm>>) target(%dma_start3A_70 : memref<106x128xi32, #tpu.memory_space<vmem>>) target_semaphore(%arg13 : memref<!tpu.dma_semaphore, #tpu.memory_space<semaphore_mem>>)
    } else {
    }
    %ne3A = arith.constant 0 : i32
    %ne3A_2 = arith.cmpi ne, %arg0, %ne3A : i32
    %convert_element_type3A_3 = arith.extui %ne3A_2 : i1 to i32
    %cond3A_4 = arith.constant 0 : i32
    %cond3A_5 = arith.cmpi ne, %convert_element_type3A_3, %cond3A_4 : i32
    scf.if %cond3A_5 {
      %dma_start3A = arith.constant 0 : i32
      %dma_start3A_62 = arith.constant 0 : i32
      %dma_start3A_63 = tpu.memref_slice %arg9[%dma_start3A, %dma_start3A_62] : memref<106x128xi32, #tpu.memory_space<vmem>> -> memref<52x128xi32, #tpu.memory_space<vmem>>
      %dma_start3A_64 = arith.constant 0 : i32
      %dma_start3A_65 = arith.constant 0 : i32
      %dma_start3A_66 = tpu.memref_slice %arg6[%arg1, %dma_start3A_64, %dma_start3A_65] : memref<16x52x128xi32, #tpu.memory_space<hbm>> -> memref<1x52x128xi32, #tpu.memory_space<hbm>>
      %dma_start3A_67 = tpu.memref_squeeze %dma_start3A_66 : memref<1x52x128xi32, #tpu.memory_space<hbm>> -> memref<52x128xi32, #tpu.memory_space<hbm>>
      %dma_start3A_68 = arith.constant 0 : i32
      %dma_start3A_69 = arith.constant 0 : i32
      %dma_start3A_70 = tpu.memref_slice %arg9[%dma_start3A_68, %dma_start3A_69] : memref<106x128xi32, #tpu.memory_space<vmem>> -> memref<52x128xi32, #tpu.memory_space<vmem>>
      %dma_start3A_71 = arith.constant 0 : i32
      %dma_start3A_72 = arith.constant 0 : i32
      %dma_start3A_73 = tpu.memref_slice %arg6[%arg1, %dma_start3A_71, %dma_start3A_72] : memref<16x52x128xi32, #tpu.memory_space<hbm>> -> memref<1x52x128xi32, #tpu.memory_space<hbm>>
      %dma_start3A_74 = tpu.memref_squeeze %dma_start3A_73 : memref<1x52x128xi32, #tpu.memory_space<hbm>> -> memref<52x128xi32, #tpu.memory_space<hbm>>
      tpu.enqueue_dma source(%dma_start3A_74 : memref<52x128xi32, #tpu.memory_space<hbm>>) target(%dma_start3A_70 : memref<52x128xi32, #tpu.memory_space<vmem>>) target_semaphore(%arg13 : memref<!tpu.dma_semaphore, #tpu.memory_space<semaphore_mem>>)
    } else {
    }
    %eq3A_6 = arith.constant 0 : i32
    %eq3A_7 = arith.cmpi eq, %arg0, %eq3A_6 : i32
    %convert_element_type3A_8 = arith.extui %eq3A_7 : i1 to i32
    %cond3A_9 = arith.constant 0 : i32
    %cond3A_10 = arith.cmpi ne, %convert_element_type3A_8, %cond3A_9 : i32
    scf.if %cond3A_10 {
      %dma_start3A = arith.constant 0 : i32
      %dma_start3A_62 = arith.constant 0 : i32
      %dma_start3A_63 = tpu.memref_slice %arg10[%dma_start3A, %dma_start3A_62] : memref<106x128xi32, #tpu.memory_space<vmem>> -> memref<106x128xi32, #tpu.memory_space<vmem>>
      %dma_start3A_64 = arith.constant 0 : i32
      %dma_start3A_65 = arith.constant 0 : i32
      %dma_start3A_66 = tpu.memref_slice %arg5[%arg1, %dma_start3A_64, %dma_start3A_65] : memref<16x106x128xi32, #tpu.memory_space<hbm>> -> memref<1x106x128xi32, #tpu.memory_space<hbm>>
      %dma_start3A_67 = tpu.memref_squeeze %dma_start3A_66 : memref<1x106x128xi32, #tpu.memory_space<hbm>> -> memref<106x128xi32, #tpu.memory_space<hbm>>
      %dma_start3A_68 = arith.constant 0 : i32
      %dma_start3A_69 = arith.constant 0 : i32
      %dma_start3A_70 = tpu.memref_slice %arg10[%dma_start3A_68, %dma_start3A_69] : memref<106x128xi32, #tpu.memory_space<vmem>> -> memref<106x128xi32, #tpu.memory_space<vmem>>
      %dma_start3A_71 = arith.constant 0 : i32
      %dma_start3A_72 = arith.constant 0 : i32
      %dma_start3A_73 = tpu.memref_slice %arg5[%arg1, %dma_start3A_71, %dma_start3A_72] : memref<16x106x128xi32, #tpu.memory_space<hbm>> -> memref<1x106x128xi32, #tpu.memory_space<hbm>>
      %dma_start3A_74 = tpu.memref_squeeze %dma_start3A_73 : memref<1x106x128xi32, #tpu.memory_space<hbm>> -> memref<106x128xi32, #tpu.memory_space<hbm>>
      tpu.enqueue_dma source(%dma_start3A_74 : memref<106x128xi32, #tpu.memory_space<hbm>>) target(%dma_start3A_70 : memref<106x128xi32, #tpu.memory_space<vmem>>) target_semaphore(%arg14 : memref<!tpu.dma_semaphore, #tpu.memory_space<semaphore_mem>>)
    } else {
    }
    %ne3A_11 = arith.constant 0 : i32
    %ne3A_12 = arith.cmpi ne, %arg0, %ne3A_11 : i32
    %convert_element_type3A_13 = arith.extui %ne3A_12 : i1 to i32
    %cond3A_14 = arith.constant 0 : i32
    %cond3A_15 = arith.cmpi ne, %convert_element_type3A_13, %cond3A_14 : i32
    scf.if %cond3A_15 {
      %dma_start3A = arith.constant 0 : i32
      %dma_start3A_62 = arith.constant 0 : i32
      %dma_start3A_63 = tpu.memref_slice %arg10[%dma_start3A, %dma_start3A_62] : memref<106x128xi32, #tpu.memory_space<vmem>> -> memref<52x128xi32, #tpu.memory_space<vmem>>
      %dma_start3A_64 = arith.constant 0 : i32
      %dma_start3A_65 = arith.constant 0 : i32
      %dma_start3A_66 = tpu.memref_slice %arg7[%arg1, %dma_start3A_64, %dma_start3A_65] : memref<16x52x128xi32, #tpu.memory_space<hbm>> -> memref<1x52x128xi32, #tpu.memory_space<hbm>>
      %dma_start3A_67 = tpu.memref_squeeze %dma_start3A_66 : memref<1x52x128xi32, #tpu.memory_space<hbm>> -> memref<52x128xi32, #tpu.memory_space<hbm>>
      %dma_start3A_68 = arith.constant 0 : i32
      %dma_start3A_69 = arith.constant 0 : i32
      %dma_start3A_70 = tpu.memref_slice %arg10[%dma_start3A_68, %dma_start3A_69] : memref<106x128xi32, #tpu.memory_space<vmem>> -> memref<52x128xi32, #tpu.memory_space<vmem>>
      %dma_start3A_71 = arith.constant 0 : i32
      %dma_start3A_72 = arith.constant 0 : i32
      %dma_start3A_73 = tpu.memref_slice %arg7[%arg1, %dma_start3A_71, %dma_start3A_72] : memref<16x52x128xi32, #tpu.memory_space<hbm>> -> memref<1x52x128xi32, #tpu.memory_space<hbm>>
      %dma_start3A_74 = tpu.memref_squeeze %dma_start3A_73 : memref<1x52x128xi32, #tpu.memory_space<hbm>> -> memref<52x128xi32, #tpu.memory_space<hbm>>
      tpu.enqueue_dma source(%dma_start3A_74 : memref<52x128xi32, #tpu.memory_space<hbm>>) target(%dma_start3A_70 : memref<52x128xi32, #tpu.memory_space<vmem>>) target_semaphore(%arg14 : memref<!tpu.dma_semaphore, #tpu.memory_space<semaphore_mem>>)
    } else {
    }
    %eq3A_16 = arith.constant 0 : i32
    %eq3A_17 = arith.cmpi eq, %arg0, %eq3A_16 : i32
    %convert_element_type3A_18 = arith.extui %eq3A_17 : i1 to i32
    %cond3A_19 = arith.constant 0 : i32
    %cond3A_20 = arith.cmpi ne, %convert_element_type3A_18, %cond3A_19 : i32
    scf.if %cond3A_20 {
      %mul3A_62 = arith.constant 632 : i32
      %mul3A_63 = arith.muli %arg1, %mul3A_62 : i32
      %mul3A_64 = arith.constant 632 : i32
      %mul3A_65 = arith.muli %arg1, %mul3A_64 : i32
      "tpu.region"() ({
        %run_scoped3A = tpu.sem_alloc : memref<!tpu.dma_semaphore, #tpu.memory_space<semaphore_mem>>
        %dma_start3A = arith.constant 0 : i32
        %dma_start3A_66 = tpu.memref_slice %arg12[%mul3A_65, %dma_start3A] : memref<10112x128xf32, #tpu.memory_space<vmem_shared>> -> memref<632x128xf32, #tpu.memory_space<vmem_shared>>
        %dma_start3A_67 = arith.constant 0 : i32
        %dma_start3A_68 = tpu.memref_slice %arg2[%mul3A_63, %dma_start3A_67] : memref<10112x128xf32, #tpu.memory_space<hbm>> -> memref<632x128xf32, #tpu.memory_space<hbm>>
        tpu.enqueue_dma source(%dma_start3A_68 : memref<632x128xf32, #tpu.memory_space<hbm>>) target(%dma_start3A_66 : memref<632x128xf32, #tpu.memory_space<vmem_shared>>) target_semaphore(%run_scoped3A : memref<!tpu.dma_semaphore, #tpu.memory_space<semaphore_mem>>)
        %dma_wait3A = arith.constant 0 : i32
        %dma_wait3A_69 = tpu.memref_slice %arg12[%mul3A_65, %dma_wait3A] : memref<10112x128xf32, #tpu.memory_space<vmem_shared>> -> memref<632x128xf32, #tpu.memory_space<vmem_shared>>
        %dma_wait3A_70 = arith.constant 0 : i32
        %dma_wait3A_71 = tpu.memref_slice %arg2[%mul3A_63, %dma_wait3A_70] : memref<10112x128xf32, #tpu.memory_space<hbm>> -> memref<632x128xf32, #tpu.memory_space<hbm>>
        tpu.wait_dma2 semaphore(%run_scoped3A : memref<!tpu.dma_semaphore, #tpu.memory_space<semaphore_mem>>) src(%dma_wait3A_71 : memref<632x128xf32, #tpu.memory_space<hbm>>) dst(%dma_wait3A_69 : memref<632x128xf32, #tpu.memory_space<vmem_shared>>)
        tpu.yield
      }) : () -> ()
    } else {
    }
    %ne3A_21 = arith.constant 0 : i32
    %ne3A_22 = arith.cmpi ne, %arg0, %ne3A_21 : i32
    %convert_element_type3A_23 = arith.extui %ne3A_22 : i1 to i32
    %cond3A_24 = arith.constant 0 : i32
    %cond3A_25 = arith.cmpi ne, %convert_element_type3A_23, %cond3A_24 : i32
    scf.if %cond3A_25 {
      %mul3A_62 = arith.constant 632 : i32
      %mul3A_63 = arith.muli %arg1, %mul3A_62 : i32
      %mul3A_64 = arith.constant 632 : i32
      %mul3A_65 = arith.muli %arg1, %mul3A_64 : i32
      "tpu.region"() ({
        %run_scoped3A = tpu.sem_alloc : memref<!tpu.dma_semaphore, #tpu.memory_space<semaphore_mem>>
        %dma_start3A = arith.constant 0 : i32
        %dma_start3A_66 = tpu.memref_slice %arg12[%mul3A_65, %dma_start3A] : memref<10112x128xf32, #tpu.memory_space<vmem_shared>> -> memref<632x128xf32, #tpu.memory_space<vmem_shared>>
        %dma_start3A_67 = arith.constant 0 : i32
        %dma_start3A_68 = tpu.memref_slice %arg3[%mul3A_63, %dma_start3A_67] : memref<10112x128xf32, #tpu.memory_space<hbm>> -> memref<632x128xf32, #tpu.memory_space<hbm>>
        tpu.enqueue_dma source(%dma_start3A_68 : memref<632x128xf32, #tpu.memory_space<hbm>>) target(%dma_start3A_66 : memref<632x128xf32, #tpu.memory_space<vmem_shared>>) target_semaphore(%run_scoped3A : memref<!tpu.dma_semaphore, #tpu.memory_space<semaphore_mem>>)
        %dma_wait3A = arith.constant 0 : i32
        %dma_wait3A_69 = tpu.memref_slice %arg12[%mul3A_65, %dma_wait3A] : memref<10112x128xf32, #tpu.memory_space<vmem_shared>> -> memref<632x128xf32, #tpu.memory_space<vmem_shared>>
        %dma_wait3A_70 = arith.constant 0 : i32
        %dma_wait3A_71 = tpu.memref_slice %arg3[%mul3A_63, %dma_wait3A_70] : memref<10112x128xf32, #tpu.memory_space<hbm>> -> memref<632x128xf32, #tpu.memory_space<hbm>>
        tpu.wait_dma2 semaphore(%run_scoped3A : memref<!tpu.dma_semaphore, #tpu.memory_space<semaphore_mem>>) src(%dma_wait3A_71 : memref<632x128xf32, #tpu.memory_space<hbm>>) dst(%dma_wait3A_69 : memref<632x128xf32, #tpu.memory_space<vmem_shared>>)
        tpu.yield
      }) : () -> ()
    } else {
    }
    %eq3A_26 = arith.constant 0 : i32
    %eq3A_27 = arith.cmpi eq, %arg0, %eq3A_26 : i32
    %convert_element_type3A_28 = arith.extui %eq3A_27 : i1 to i32
    %cond3A_29 = arith.constant 0 : i32
    %cond3A_30 = arith.cmpi ne, %convert_element_type3A_28, %cond3A_29 : i32
    scf.if %cond3A_30 {
      %dma_wait3A = arith.constant 0 : i32
      %dma_wait3A_62 = arith.constant 0 : i32
      %dma_wait3A_63 = tpu.memref_slice %arg9[%dma_wait3A, %dma_wait3A_62] : memref<106x128xi32, #tpu.memory_space<vmem>> -> memref<106x128xi32, #tpu.memory_space<vmem>>
      %dma_wait3A_64 = arith.constant 0 : i32
      %dma_wait3A_65 = arith.constant 0 : i32
      %dma_wait3A_66 = tpu.memref_slice %arg4[%arg1, %dma_wait3A_64, %dma_wait3A_65] : memref<16x106x128xi32, #tpu.memory_space<hbm>> -> memref<1x106x128xi32, #tpu.memory_space<hbm>>
      %dma_wait3A_67 = tpu.memref_squeeze %dma_wait3A_66 : memref<1x106x128xi32, #tpu.memory_space<hbm>> -> memref<106x128xi32, #tpu.memory_space<hbm>>
      %dma_wait3A_68 = arith.constant 0 : i32
      %dma_wait3A_69 = arith.constant 0 : i32
      %dma_wait3A_70 = tpu.memref_slice %arg9[%dma_wait3A_68, %dma_wait3A_69] : memref<106x128xi32, #tpu.memory_space<vmem>> -> memref<106x128xi32, #tpu.memory_space<vmem>>
      %dma_wait3A_71 = arith.constant 0 : i32
      %dma_wait3A_72 = arith.constant 0 : i32
      %dma_wait3A_73 = tpu.memref_slice %arg4[%arg1, %dma_wait3A_71, %dma_wait3A_72] : memref<16x106x128xi32, #tpu.memory_space<hbm>> -> memref<1x106x128xi32, #tpu.memory_space<hbm>>
      %dma_wait3A_74 = tpu.memref_squeeze %dma_wait3A_73 : memref<1x106x128xi32, #tpu.memory_space<hbm>> -> memref<106x128xi32, #tpu.memory_space<hbm>>
      tpu.wait_dma2 semaphore(%arg13 : memref<!tpu.dma_semaphore, #tpu.memory_space<semaphore_mem>>) src(%dma_wait3A_74 : memref<106x128xi32, #tpu.memory_space<hbm>>) dst(%dma_wait3A_70 : memref<106x128xi32, #tpu.memory_space<vmem>>)
    } else {
    }
    %ne3A_31 = arith.constant 0 : i32
    %ne3A_32 = arith.cmpi ne, %arg0, %ne3A_31 : i32
    %convert_element_type3A_33 = arith.extui %ne3A_32 : i1 to i32
    %cond3A_34 = arith.constant 0 : i32
    %cond3A_35 = arith.cmpi ne, %convert_element_type3A_33, %cond3A_34 : i32
    scf.if %cond3A_35 {
      %dma_wait3A = arith.constant 0 : i32
      %dma_wait3A_62 = arith.constant 0 : i32
      %dma_wait3A_63 = tpu.memref_slice %arg9[%dma_wait3A, %dma_wait3A_62] : memref<106x128xi32, #tpu.memory_space<vmem>> -> memref<52x128xi32, #tpu.memory_space<vmem>>
      %dma_wait3A_64 = arith.constant 0 : i32
      %dma_wait3A_65 = arith.constant 0 : i32
      %dma_wait3A_66 = tpu.memref_slice %arg6[%arg1, %dma_wait3A_64, %dma_wait3A_65] : memref<16x52x128xi32, #tpu.memory_space<hbm>> -> memref<1x52x128xi32, #tpu.memory_space<hbm>>
      %dma_wait3A_67 = tpu.memref_squeeze %dma_wait3A_66 : memref<1x52x128xi32, #tpu.memory_space<hbm>> -> memref<52x128xi32, #tpu.memory_space<hbm>>
      %dma_wait3A_68 = arith.constant 0 : i32
      %dma_wait3A_69 = arith.constant 0 : i32
      %dma_wait3A_70 = tpu.memref_slice %arg9[%dma_wait3A_68, %dma_wait3A_69] : memref<106x128xi32, #tpu.memory_space<vmem>> -> memref<52x128xi32, #tpu.memory_space<vmem>>
      %dma_wait3A_71 = arith.constant 0 : i32
      %dma_wait3A_72 = arith.constant 0 : i32
      %dma_wait3A_73 = tpu.memref_slice %arg6[%arg1, %dma_wait3A_71, %dma_wait3A_72] : memref<16x52x128xi32, #tpu.memory_space<hbm>> -> memref<1x52x128xi32, #tpu.memory_space<hbm>>
      %dma_wait3A_74 = tpu.memref_squeeze %dma_wait3A_73 : memref<1x52x128xi32, #tpu.memory_space<hbm>> -> memref<52x128xi32, #tpu.memory_space<hbm>>
      tpu.wait_dma2 semaphore(%arg13 : memref<!tpu.dma_semaphore, #tpu.memory_space<semaphore_mem>>) src(%dma_wait3A_74 : memref<52x128xi32, #tpu.memory_space<hbm>>) dst(%dma_wait3A_70 : memref<52x128xi32, #tpu.memory_space<vmem>>)
    } else {
    }
    %eq3A_36 = arith.constant 0 : i32
    %eq3A_37 = arith.cmpi eq, %arg0, %eq3A_36 : i32
    %convert_element_type3A_38 = arith.extui %eq3A_37 : i1 to i32
    %cond3A_39 = arith.constant 0 : i32
    %cond3A_40 = arith.cmpi ne, %convert_element_type3A_38, %cond3A_39 : i32
    scf.if %cond3A_40 {
      %dma_wait3A = arith.constant 0 : i32
      %dma_wait3A_62 = arith.constant 0 : i32
      %dma_wait3A_63 = tpu.memref_slice %arg10[%dma_wait3A, %dma_wait3A_62] : memref<106x128xi32, #tpu.memory_space<vmem>> -> memref<106x128xi32, #tpu.memory_space<vmem>>
      %dma_wait3A_64 = arith.constant 0 : i32
      %dma_wait3A_65 = arith.constant 0 : i32
      %dma_wait3A_66 = tpu.memref_slice %arg5[%arg1, %dma_wait3A_64, %dma_wait3A_65] : memref<16x106x128xi32, #tpu.memory_space<hbm>> -> memref<1x106x128xi32, #tpu.memory_space<hbm>>
      %dma_wait3A_67 = tpu.memref_squeeze %dma_wait3A_66 : memref<1x106x128xi32, #tpu.memory_space<hbm>> -> memref<106x128xi32, #tpu.memory_space<hbm>>
      %dma_wait3A_68 = arith.constant 0 : i32
      %dma_wait3A_69 = arith.constant 0 : i32
      %dma_wait3A_70 = tpu.memref_slice %arg10[%dma_wait3A_68, %dma_wait3A_69] : memref<106x128xi32, #tpu.memory_space<vmem>> -> memref<106x128xi32, #tpu.memory_space<vmem>>
      %dma_wait3A_71 = arith.constant 0 : i32
      %dma_wait3A_72 = arith.constant 0 : i32
      %dma_wait3A_73 = tpu.memref_slice %arg5[%arg1, %dma_wait3A_71, %dma_wait3A_72] : memref<16x106x128xi32, #tpu.memory_space<hbm>> -> memref<1x106x128xi32, #tpu.memory_space<hbm>>
      %dma_wait3A_74 = tpu.memref_squeeze %dma_wait3A_73 : memref<1x106x128xi32, #tpu.memory_space<hbm>> -> memref<106x128xi32, #tpu.memory_space<hbm>>
      tpu.wait_dma2 semaphore(%arg14 : memref<!tpu.dma_semaphore, #tpu.memory_space<semaphore_mem>>) src(%dma_wait3A_74 : memref<106x128xi32, #tpu.memory_space<hbm>>) dst(%dma_wait3A_70 : memref<106x128xi32, #tpu.memory_space<vmem>>)
    } else {
    }
    %ne3A_41 = arith.constant 0 : i32
    %ne3A_42 = arith.cmpi ne, %arg0, %ne3A_41 : i32
    %convert_element_type3A_43 = arith.extui %ne3A_42 : i1 to i32
    %cond3A_44 = arith.constant 0 : i32
    %cond3A_45 = arith.cmpi ne, %convert_element_type3A_43, %cond3A_44 : i32
    scf.if %cond3A_45 {
      %dma_wait3A = arith.constant 0 : i32
      %dma_wait3A_62 = arith.constant 0 : i32
      %dma_wait3A_63 = tpu.memref_slice %arg10[%dma_wait3A, %dma_wait3A_62] : memref<106x128xi32, #tpu.memory_space<vmem>> -> memref<52x128xi32, #tpu.memory_space<vmem>>
      %dma_wait3A_64 = arith.constant 0 : i32
      %dma_wait3A_65 = arith.constant 0 : i32
      %dma_wait3A_66 = tpu.memref_slice %arg7[%arg1, %dma_wait3A_64, %dma_wait3A_65] : memref<16x52x128xi32, #tpu.memory_space<hbm>> -> memref<1x52x128xi32, #tpu.memory_space<hbm>>
      %dma_wait3A_67 = tpu.memref_squeeze %dma_wait3A_66 : memref<1x52x128xi32, #tpu.memory_space<hbm>> -> memref<52x128xi32, #tpu.memory_space<hbm>>
      %dma_wait3A_68 = arith.constant 0 : i32
      %dma_wait3A_69 = arith.constant 0 : i32
      %dma_wait3A_70 = tpu.memref_slice %arg10[%dma_wait3A_68, %dma_wait3A_69] : memref<106x128xi32, #tpu.memory_space<vmem>> -> memref<52x128xi32, #tpu.memory_space<vmem>>
      %dma_wait3A_71 = arith.constant 0 : i32
      %dma_wait3A_72 = arith.constant 0 : i32
      %dma_wait3A_73 = tpu.memref_slice %arg7[%arg1, %dma_wait3A_71, %dma_wait3A_72] : memref<16x52x128xi32, #tpu.memory_space<hbm>> -> memref<1x52x128xi32, #tpu.memory_space<hbm>>
      %dma_wait3A_74 = tpu.memref_squeeze %dma_wait3A_73 : memref<1x52x128xi32, #tpu.memory_space<hbm>> -> memref<52x128xi32, #tpu.memory_space<hbm>>
      tpu.wait_dma2 semaphore(%arg14 : memref<!tpu.dma_semaphore, #tpu.memory_space<semaphore_mem>>) src(%dma_wait3A_74 : memref<52x128xi32, #tpu.memory_space<hbm>>) dst(%dma_wait3A_70 : memref<52x128xi32, #tpu.memory_space<vmem>>)
    } else {
    }
    %barrier3A = arith.constant 0 : index
    tpu.barrier barrier_id(%barrier3A)
    %eq3A_46 = arith.constant 0 : i32
    %eq3A_47 = arith.cmpi eq, %arg0, %eq3A_46 : i32
    %jit3A = arith.constant 106 : i32
    %jit3A_48 = arith.constant 52 : i32
    %select_n3A = arith.select %eq3A_47, %jit3A, %jit3A_48 : i32
    %while3A = arith.constant 0 : i32
    %while3A_49 = arith.constant 0 : i32
    %while3A_50 = arith.subi %select_n3A, %while3A_49 : i32
    %while3A_51 = arith.addi %while3A_49, %while3A_50 : i32
    %while3A_52 = arith.constant 1 : i32
    %while3A_53 = arith.divsi %while3A_50, %while3A_52 : i32
    %while3A_54 = arith.muli %while3A_53, %while3A_52 : i32
    %while3A_55 = arith.addi %while3A_49, %while3A_54 : i32
    %while3A_56 = arith.constant 1 : i32
    scf.for %while3A_62 = %while3A_49 to %while3A_55 step %while3A_56  : i32 {
      %dma_start3A = arith.constant 0 : i32
      %dma_start3A_63 = tpu.memref_slice %arg9[%while3A_62, %dma_start3A] : memref<106x128xi32, #tpu.memory_space<vmem>> -> memref<1x128xi32, #tpu.memory_space<vmem>>
      %dma_start3A_64 = tpu.memref_squeeze %dma_start3A_63 : memref<1x128xi32, #tpu.memory_space<vmem>> -> memref<128xi32, #tpu.memory_space<vmem>>
      %dma_start3A_65 = arith.constant 0 : i32
      %dma_start3A_66 = arith.constant 0 : i32
      %dma_start3A_67 = tpu.memref_slice %arg2[%dma_start3A_65, %dma_start3A_66] : memref<10112x128xf32, #tpu.memory_space<hbm>> -> memref<10112x128xf32, #tpu.memory_space<hbm>>
      tpu.enqueue_indirect_dma source(%dma_start3A_67 : memref<10112x128xf32, #tpu.memory_space<hbm>>) target(%arg11 : memref<128x128xf32, #tpu.memory_space<vmem>>) offsets(%dma_start3A_64 : memref<128xi32, #tpu.memory_space<vmem>>) semaphore(%arg15 : memref<!tpu.dma_semaphore, #tpu.memory_space<semaphore_mem>>)
      %dma_wait3A = arith.constant 0 : i32
      %dma_wait3A_68 = tpu.memref_slice %arg9[%while3A_62, %dma_wait3A] : memref<106x128xi32, #tpu.memory_space<vmem>> -> memref<1x128xi32, #tpu.memory_space<vmem>>
      %dma_wait3A_69 = tpu.memref_squeeze %dma_wait3A_68 : memref<1x128xi32, #tpu.memory_space<vmem>> -> memref<128xi32, #tpu.memory_space<vmem>>
      %dma_wait3A_70 = arith.constant 0 : i32
      %dma_wait3A_71 = arith.constant 0 : i32
      %dma_wait3A_72 = tpu.memref_slice %arg2[%dma_wait3A_70, %dma_wait3A_71] : memref<10112x128xf32, #tpu.memory_space<hbm>> -> memref<10112x128xf32, #tpu.memory_space<hbm>>
      tpu.wait_indirect_dma semaphore(%arg15 : memref<!tpu.dma_semaphore, #tpu.memory_space<semaphore_mem>>) src(%dma_wait3A_72 : memref<10112x128xf32, #tpu.memory_space<hbm>>) dst(%arg11 : memref<128x128xf32, #tpu.memory_space<vmem>>)
      "tpu.region"() ({
        %run_scoped3A = tpu.sem_alloc : memref<!tpu.dma_semaphore, #tpu.memory_space<semaphore_mem>>
        %dma_start3A_73 = arith.constant 0 : i32
        %dma_start3A_74 = tpu.memref_slice %arg10[%while3A_62, %dma_start3A_73] : memref<106x128xi32, #tpu.memory_space<vmem>> -> memref<1x128xi32, #tpu.memory_space<vmem>>
        %dma_start3A_75 = tpu.memref_squeeze %dma_start3A_74 : memref<1x128xi32, #tpu.memory_space<vmem>> -> memref<128xi32, #tpu.memory_space<vmem>>
        %dma_start3A_76 = arith.constant 0 : i32
        %dma_start3A_77 = arith.constant 0 : i32
        %dma_start3A_78 = tpu.memref_slice %arg12[%dma_start3A_76, %dma_start3A_77] : memref<10112x128xf32, #tpu.memory_space<vmem_shared>> -> memref<10112x128xf32, #tpu.memory_space<vmem_shared>>
        tpu.enqueue_indirect_dma source(%arg11 : memref<128x128xf32, #tpu.memory_space<vmem>>) target(%dma_start3A_78 : memref<10112x128xf32, #tpu.memory_space<vmem_shared>>) offsets(%dma_start3A_75 : memref<128xi32, #tpu.memory_space<vmem>>) semaphore(%run_scoped3A : memref<!tpu.dma_semaphore, #tpu.memory_space<semaphore_mem>>) {add = true}
        %dma_wait3A_79 = arith.constant 0 : i32
        %dma_wait3A_80 = tpu.memref_slice %arg10[%while3A_62, %dma_wait3A_79] : memref<106x128xi32, #tpu.memory_space<vmem>> -> memref<1x128xi32, #tpu.memory_space<vmem>>
        %dma_wait3A_81 = tpu.memref_squeeze %dma_wait3A_80 : memref<1x128xi32, #tpu.memory_space<vmem>> -> memref<128xi32, #tpu.memory_space<vmem>>
        %dma_wait3A_82 = arith.constant 0 : i32
        %dma_wait3A_83 = arith.constant 0 : i32
        %dma_wait3A_84 = tpu.memref_slice %arg12[%dma_wait3A_82, %dma_wait3A_83] : memref<10112x128xf32, #tpu.memory_space<vmem_shared>> -> memref<10112x128xf32, #tpu.memory_space<vmem_shared>>
        tpu.wait_indirect_dma semaphore(%run_scoped3A : memref<!tpu.dma_semaphore, #tpu.memory_space<semaphore_mem>>) src(%arg11 : memref<128x128xf32, #tpu.memory_space<vmem>>) dst(%dma_wait3A_84 : memref<10112x128xf32, #tpu.memory_space<vmem_shared>>)
        tpu.yield
      }) : () -> ()
    }
    %while3A_57 = arith.constant 1 : i32
    scf.for %while3A_62 = %while3A_55 to %while3A_51 step %while3A_57  : i32 {
      %dma_start3A = arith.constant 0 : i32
      %dma_start3A_63 = tpu.memref_slice %arg9[%while3A_62, %dma_start3A] : memref<106x128xi32, #tpu.memory_space<vmem>> -> memref<1x128xi32, #tpu.memory_space<vmem>>
      %dma_start3A_64 = tpu.memref_squeeze %dma_start3A_63 : memref<1x128xi32, #tpu.memory_space<vmem>> -> memref<128xi32, #tpu.memory_space<vmem>>
      %dma_start3A_65 = arith.constant 0 : i32
      %dma_start3A_66 = arith.constant 0 : i32
      %dma_start3A_67 = tpu.memref_slice %arg2[%dma_start3A_65, %dma_start3A_66] : memref<10112x128xf32, #tpu.memory_space<hbm>> -> memref<10112x128xf32, #tpu.memory_space<hbm>>
      tpu.enqueue_indirect_dma source(%dma_start3A_67 : memref<10112x128xf32, #tpu.memory_space<hbm>>) target(%arg11 : memref<128x128xf32, #tpu.memory_space<vmem>>) offsets(%dma_start3A_64 : memref<128xi32, #tpu.memory_space<vmem>>) semaphore(%arg15 : memref<!tpu.dma_semaphore, #tpu.memory_space<semaphore_mem>>)
      %dma_wait3A = arith.constant 0 : i32
      %dma_wait3A_68 = tpu.memref_slice %arg9[%while3A_62, %dma_wait3A] : memref<106x128xi32, #tpu.memory_space<vmem>> -> memref<1x128xi32, #tpu.memory_space<vmem>>
      %dma_wait3A_69 = tpu.memref_squeeze %dma_wait3A_68 : memref<1x128xi32, #tpu.memory_space<vmem>> -> memref<128xi32, #tpu.memory_space<vmem>>
      %dma_wait3A_70 = arith.constant 0 : i32
      %dma_wait3A_71 = arith.constant 0 : i32
      %dma_wait3A_72 = tpu.memref_slice %arg2[%dma_wait3A_70, %dma_wait3A_71] : memref<10112x128xf32, #tpu.memory_space<hbm>> -> memref<10112x128xf32, #tpu.memory_space<hbm>>
      tpu.wait_indirect_dma semaphore(%arg15 : memref<!tpu.dma_semaphore, #tpu.memory_space<semaphore_mem>>) src(%dma_wait3A_72 : memref<10112x128xf32, #tpu.memory_space<hbm>>) dst(%arg11 : memref<128x128xf32, #tpu.memory_space<vmem>>)
      "tpu.region"() ({
        %run_scoped3A = tpu.sem_alloc : memref<!tpu.dma_semaphore, #tpu.memory_space<semaphore_mem>>
        %dma_start3A_73 = arith.constant 0 : i32
        %dma_start3A_74 = tpu.memref_slice %arg10[%while3A_62, %dma_start3A_73] : memref<106x128xi32, #tpu.memory_space<vmem>> -> memref<1x128xi32, #tpu.memory_space<vmem>>
        %dma_start3A_75 = tpu.memref_squeeze %dma_start3A_74 : memref<1x128xi32, #tpu.memory_space<vmem>> -> memref<128xi32, #tpu.memory_space<vmem>>
        %dma_start3A_76 = arith.constant 0 : i32
        %dma_start3A_77 = arith.constant 0 : i32
        %dma_start3A_78 = tpu.memref_slice %arg12[%dma_start3A_76, %dma_start3A_77] : memref<10112x128xf32, #tpu.memory_space<vmem_shared>> -> memref<10112x128xf32, #tpu.memory_space<vmem_shared>>
        tpu.enqueue_indirect_dma source(%arg11 : memref<128x128xf32, #tpu.memory_space<vmem>>) target(%dma_start3A_78 : memref<10112x128xf32, #tpu.memory_space<vmem_shared>>) offsets(%dma_start3A_75 : memref<128xi32, #tpu.memory_space<vmem>>) semaphore(%run_scoped3A : memref<!tpu.dma_semaphore, #tpu.memory_space<semaphore_mem>>) {add = true}
        %dma_wait3A_79 = arith.constant 0 : i32
        %dma_wait3A_80 = tpu.memref_slice %arg10[%while3A_62, %dma_wait3A_79] : memref<106x128xi32, #tpu.memory_space<vmem>> -> memref<1x128xi32, #tpu.memory_space<vmem>>
        %dma_wait3A_81 = tpu.memref_squeeze %dma_wait3A_80 : memref<1x128xi32, #tpu.memory_space<vmem>> -> memref<128xi32, #tpu.memory_space<vmem>>
        %dma_wait3A_82 = arith.constant 0 : i32
        %dma_wait3A_83 = arith.constant 0 : i32
        %dma_wait3A_84 = tpu.memref_slice %arg12[%dma_wait3A_82, %dma_wait3A_83] : memref<10112x128xf32, #tpu.memory_space<vmem_shared>> -> memref<10112x128xf32, #tpu.memory_space<vmem_shared>>
        tpu.wait_indirect_dma semaphore(%run_scoped3A : memref<!tpu.dma_semaphore, #tpu.memory_space<semaphore_mem>>) src(%arg11 : memref<128x128xf32, #tpu.memory_space<vmem>>) dst(%dma_wait3A_84 : memref<10112x128xf32, #tpu.memory_space<vmem_shared>>)
        tpu.yield
      }) : () -> ()
    }
    %barrier3A_58 = arith.constant 0 : index
    tpu.barrier barrier_id(%barrier3A_58)
    %mul3A = arith.constant 632 : i32
    %mul3A_59 = arith.muli %arg1, %mul3A : i32
    %mul3A_60 = arith.constant 632 : i32
    %mul3A_61 = arith.muli %arg1, %mul3A_60 : i32
    "tpu.region"() ({
      %run_scoped3A = tpu.sem_alloc : memref<!tpu.dma_semaphore, #tpu.memory_space<semaphore_mem>>
      %dma_start3A = arith.constant 0 : i32
      %dma_start3A_62 = tpu.memref_slice %arg8[%arg0, %mul3A_61, %dma_start3A] : memref<2x10112x128xf32, #tpu.memory_space<hbm>> -> memref<1x632x128xf32, #tpu.memory_space<hbm>>
      %dma_start3A_63 = tpu.memref_squeeze %dma_start3A_62 : memref<1x632x128xf32, #tpu.memory_space<hbm>> -> memref<632x128xf32, #tpu.memory_space<hbm>>
      %dma_start3A_64 = arith.constant 0 : i32
      %dma_start3A_65 = tpu.memref_slice %arg12[%mul3A_59, %dma_start3A_64] : memref<10112x128xf32, #tpu.memory_space<vmem_shared>> -> memref<632x128xf32, #tpu.memory_space<vmem_shared>>
      tpu.enqueue_dma source(%dma_start3A_65 : memref<632x128xf32, #tpu.memory_space<vmem_shared>>) target(%dma_start3A_63 : memref<632x128xf32, #tpu.memory_space<hbm>>) target_semaphore(%run_scoped3A : memref<!tpu.dma_semaphore, #tpu.memory_space<semaphore_mem>>)
      %dma_wait3A = arith.constant 0 : i32
      %dma_wait3A_66 = tpu.memref_slice %arg8[%arg0, %mul3A_61, %dma_wait3A] : memref<2x10112x128xf32, #tpu.memory_space<hbm>> -> memref<1x632x128xf32, #tpu.memory_space<hbm>>
      %dma_wait3A_67 = tpu.memref_squeeze %dma_wait3A_66 : memref<1x632x128xf32, #tpu.memory_space<hbm>> -> memref<632x128xf32, #tpu.memory_space<hbm>>
      %dma_wait3A_68 = arith.constant 0 : i32
      %dma_wait3A_69 = tpu.memref_slice %arg12[%mul3A_59, %dma_wait3A_68] : memref<10112x128xf32, #tpu.memory_space<vmem_shared>> -> memref<632x128xf32, #tpu.memory_space<vmem_shared>>
      tpu.wait_dma2 semaphore(%run_scoped3A : memref<!tpu.dma_semaphore, #tpu.memory_space<semaphore_mem>>) src(%dma_wait3A_69 : memref<632x128xf32, #tpu.memory_space<vmem_shared>>) dst(%dma_wait3A_67 : memref<632x128xf32, #tpu.memory_space<hbm>>)
      tpu.yield
    }) : () -> ()
    return
  }
}

module attributes {stable_mosaic.version = 14 : i64} {
  func.func @_k1_kernel(%arg0: memref<2x10112x16xf32, #tpu.memory_space<vmem>>, %arg1: memref<10112x128xf32, #tpu.memory_space<vmem>>, %arg2: memref<10112x1xf32, #tpu.memory_space<vmem>>, %arg3: memref<10112x128xf32, #tpu.memory_space<vmem>>) attributes {dimension_semantics = [], scalar_prefetch = 0 : i64, scratch_operands = 0 : i64, tpu.core_type = #tpu.core_type<tc>} {
    %get3A = arith.constant 0 : index
    %get3A_0 = arith.constant 0 : index
    %get3A_1 = arith.constant 0 : index
    %get3A_2 = vector.load %arg0[%get3A, %get3A_0, %get3A_1] : memref<2x10112x16xf32, #tpu.memory_space<vmem>>, vector<1x10112x1xf32>
    %get3A_3 = vector.shape_cast %get3A_2 : vector<1x10112x1xf32> to vector<10112x1xf32>
    %get3A_4 = arith.constant 1 : index
    %get3A_5 = arith.constant 0 : index
    %get3A_6 = arith.constant 0 : index
    %get3A_7 = vector.load %arg0[%get3A_4, %get3A_5, %get3A_6] : memref<2x10112x16xf32, #tpu.memory_space<vmem>>, vector<1x10112x1xf32>
    %get3A_8 = vector.shape_cast %get3A_7 : vector<1x10112x1xf32> to vector<10112x1xf32>
    %add3A = arith.addf %get3A_3, %get3A_8 : vector<10112x1xf32>
    %rsqrt3A = math.rsqrt %add3A : vector<10112x1xf32>
    %swap3A = arith.constant 0 : index
    %swap3A_9 = arith.constant 0 : index
    %swap3A_10 = vector.load %arg2[%swap3A, %swap3A_9] : memref<10112x1xf32, #tpu.memory_space<vmem>>, vector<10112x1xf32>
    tpu.vector_store %arg2[%swap3A, %swap3A_9], %rsqrt3A {strides = array<i32>} : memref<10112x1xf32, #tpu.memory_space<vmem>>, vector<10112x1xf32>,
    %get3A_11 = arith.constant 0 : index
    %get3A_12 = arith.constant 0 : index
    %get3A_13 = vector.load %arg1[%get3A_11, %get3A_12] : memref<10112x128xf32, #tpu.memory_space<vmem>>, vector<10112x128xf32>
    %mul3A = vector.broadcast %rsqrt3A : vector<10112x1xf32> to vector<10112x128xf32>
    %mul3A_14 = arith.mulf %mul3A, %get3A_13 : vector<10112x128xf32>
    %swap3A_15 = arith.constant 0 : index
    %swap3A_16 = arith.constant 0 : index
    %swap3A_17 = vector.load %arg3[%swap3A_15, %swap3A_16] : memref<10112x128xf32, #tpu.memory_space<vmem>>, vector<10112x128xf32>
    tpu.vector_store %arg3[%swap3A_15, %swap3A_16], %mul3A_14 {strides = array<i32>} : memref<10112x128xf32, #tpu.memory_space<vmem>>, vector<10112x128xf32>,
    return
  }
}

module attributes {stable_mosaic.version = 14 : i64} {
  func.func @_mm_kernel(%arg0: i32, %arg1: memref<1x2528x128xf32, #tpu.memory_space<vmem>>, %arg2: memref<1x2528x128xf32, #tpu.memory_space<vmem>>, %arg3: memref<2528x1xf32, #tpu.memory_space<vmem>>, %arg4: memref<128xf32, #tpu.memory_space<vmem>>, %arg5: memref<128x128xf32, #tpu.memory_space<vmem>>, %arg6: memref<128x128xf32, #tpu.memory_space<vmem>>, %arg7: memref<2528x128xf32, #tpu.memory_space<vmem>>) attributes {dimension_semantics = [#tpu.dimension_semantics<arbitrary>], iteration_bounds = array<i64: 4>, scalar_prefetch = 0 : i64, scratch_operands = 0 : i64, tpu.core_type = #tpu.core_type<tc>, window_params = [{transform_indices = @transform_0, window_bounds = array<i64: 1, 2528, 128>}, {transform_indices = @transform_1, window_bounds = array<i64: 1, 2528, 128>}, {transform_indices = @transform_2, window_bounds = array<i64: 2528, 1>}, {pipeline_mode = #tpu.pipeline_mode<synchronous>, transform_indices = @transform_3, window_bounds = array<i64: 128>}, {pipeline_mode = #tpu.pipeline_mode<synchronous>, transform_indices = @transform_4, window_bounds = array<i64: 128, 128>}, {pipeline_mode = #tpu.pipeline_mode<synchronous>, transform_indices = @transform_5, window_bounds = array<i64: 128, 128>}, {transform_indices = @transform_6, window_bounds = array<i64: 2528, 128>}]} {
    %get3A = arith.constant 0 : index
    %get3A_0 = arith.constant 0 : index
    %get3A_1 = vector.load %arg3[%get3A, %get3A_0] : memref<2528x1xf32, #tpu.memory_space<vmem>>, vector<2528x1xf32>
    %get3A_2 = arith.constant 0 : index
    %get3A_3 = arith.constant 0 : index
    %get3A_4 = arith.constant 0 : index
    %get3A_5 = vector.load %arg1[%get3A_2, %get3A_3, %get3A_4] : memref<1x2528x128xf32, #tpu.memory_space<vmem>>, vector<1x2528x128xf32>
    %get3A_6 = vector.shape_cast %get3A_5 : vector<1x2528x128xf32> to vector<2528x128xf32>
    %get3A_7 = arith.constant 0 : index
    %get3A_8 = arith.constant 0 : index
    %get3A_9 = arith.constant 0 : index
    %get3A_10 = vector.load %arg2[%get3A_7, %get3A_8, %get3A_9] : memref<1x2528x128xf32, #tpu.memory_space<vmem>>, vector<1x2528x128xf32>
    %get3A_11 = vector.shape_cast %get3A_10 : vector<1x2528x128xf32> to vector<2528x128xf32>
    %add3A = arith.addf %get3A_6, %get3A_11 : vector<2528x128xf32>
    %mul3A = vector.broadcast %get3A_1 : vector<2528x1xf32> to vector<2528x128xf32>
    %mul3A_12 = arith.mulf %mul3A, %add3A : vector<2528x128xf32>
    %get3A_13 = arith.constant 0 : index
    %get3A_14 = arith.constant 0 : index
    %get3A_15 = vector.load %arg5[%get3A_13, %get3A_14] : memref<128x128xf32, #tpu.memory_space<vmem>>, vector<128x128xf32>
    %dot_general3A = arith.constant dense<0.000000e+00> : vector<2528x128xf32>
    %dot_general3A_16 = tpu.matmul %mul3A_12, %get3A_15, %dot_general3A {dimension_numbers = #tpu.dot_dimension_numbers<[1], [0], [0], [1], [0, 0, 1, 1], [], []>, precision = #tpu.contract_precision<fp32>, transpose_lhs_hint = false} : vector<2528x128xf32>, vector<128x128xf32>, vector<2528x128xf32> -> vector<2528x128xf32>
    %get3A_17 = arith.constant 0 : index
    %get3A_18 = vector.load %arg4[%get3A_17] : memref<128xf32, #tpu.memory_space<vmem>>, vector<128xf32>
    %broadcast_in_dim3A = vector.shape_cast %get3A_18 : vector<128xf32> to vector<1x128xf32>
    %add3A_19 = vector.broadcast %broadcast_in_dim3A : vector<1x128xf32> to vector<2528x128xf32>
    %add3A_20 = arith.addf %dot_general3A_16, %add3A_19 : vector<2528x128xf32>
    %max3A = arith.constant 0.000000e+00 : f32
    %max3A_21 = vector.broadcast %max3A : f32 to vector<2528x128xf32>
    %max3A_22 = arith.maximumf %add3A_20, %max3A_21 : vector<2528x128xf32>
    %get3A_23 = arith.constant 0 : index
    %get3A_24 = arith.constant 0 : index
    %get3A_25 = vector.load %arg6[%get3A_23, %get3A_24] : memref<128x128xf32, #tpu.memory_space<vmem>>, vector<128x128xf32>
    %dot_general3A_26 = arith.constant dense<0.000000e+00> : vector<2528x128xf32>
    %dot_general3A_27 = tpu.matmul %max3A_22, %get3A_25, %dot_general3A_26 {dimension_numbers = #tpu.dot_dimension_numbers<[1], [0], [0], [1], [0, 0, 1, 1], [], []>, precision = #tpu.contract_precision<fp32>, transpose_lhs_hint = false} : vector<2528x128xf32>, vector<128x128xf32>, vector<2528x128xf32> -> vector<2528x128xf32>
    %mul3A_28 = vector.broadcast %get3A_1 : vector<2528x1xf32> to vector<2528x128xf32>
    %mul3A_29 = arith.mulf %mul3A_28, %dot_general3A_27 : vector<2528x128xf32>
    %swap3A = arith.constant 0 : index
    %swap3A_30 = arith.constant 0 : index
    %swap3A_31 = vector.load %arg7[%swap3A, %swap3A_30] : memref<2528x128xf32, #tpu.memory_space<vmem>>, vector<2528x128xf32>
    tpu.vector_store %arg7[%swap3A, %swap3A_30], %mul3A_29 {strides = array<i32>} : memref<2528x128xf32, #tpu.memory_space<vmem>>, vector<2528x128xf32>,
    return
  }
  func.func @transform_0(%arg0: i32) -> (i32, i32, i32) {
    %c0_i32 = arith.constant 0 : i32
    %c0_i32_0 = arith.constant 0 : i32
    %c0_i32_1 = arith.constant 0 : i32
    return %c0_i32, %arg0, %c0_i32_0 : i32, i32, i32
  }
  func.func @transform_1(%arg0: i32) -> (i32, i32, i32) {
    %c1_i32 = arith.constant 1 : i32
    %c0_i32 = arith.constant 0 : i32
    %c0_i32_0 = arith.constant 0 : i32
    return %c1_i32, %arg0, %c0_i32 : i32, i32, i32
  }
  func.func @transform_2(%arg0: i32) -> (i32, i32) {
    %c0_i32 = arith.constant 0 : i32
    %c0_i32_0 = arith.constant 0 : i32
    return %arg0, %c0_i32 : i32, i32
  }
  func.func @transform_3(%arg0: i32) -> i32 {
    %c0_i32 = arith.constant 0 : i32
    %c0_i32_0 = arith.constant 0 : i32
    return %c0_i32 : i32
  }
  func.func @transform_4(%arg0: i32) -> (i32, i32) {
    %c0_i32 = arith.constant 0 : i32
    %c0_i32_0 = arith.constant 0 : i32
    %c0_i32_1 = arith.constant 0 : i32
    return %c0_i32, %c0_i32_0 : i32, i32
  }
  func.func @transform_5(%arg0: i32) -> (i32, i32) {
    %c0_i32 = arith.constant 0 : i32
    %c0_i32_0 = arith.constant 0 : i32
    %c0_i32_1 = arith.constant 0 : i32
    return %c0_i32, %c0_i32_0 : i32, i32
  }
  func.func @transform_6(%arg0: i32) -> (i32, i32) {
    %c0_i32 = arith.constant 0 : i32
    %c0_i32_0 = arith.constant 0 : i32
    return %arg0, %c0_i32 : i32, i32
  }
}

module attributes {stable_mosaic.version = 14 : i64} {
  func.func @_mm128_kernel(%arg0: i32, %arg1: memref<1x2528x128xf32, #tpu.memory_space<vmem>>, %arg2: memref<1x2528x128xf32, #tpu.memory_space<vmem>>, %arg3: memref<2528x1xf32, #tpu.memory_space<vmem>>, %arg4: memref<128xf32, #tpu.memory_space<vmem>>, %arg5: memref<128x128xf32, #tpu.memory_space<vmem>>, %arg6: memref<2528x128xf32, #tpu.memory_space<vmem>>) attributes {dimension_semantics = [#tpu.dimension_semantics<arbitrary>], iteration_bounds = array<i64: 4>, scalar_prefetch = 0 : i64, scratch_operands = 0 : i64, tpu.core_type = #tpu.core_type<tc>, window_params = [{transform_indices = @transform_0, window_bounds = array<i64: 1, 2528, 128>}, {transform_indices = @transform_1, window_bounds = array<i64: 1, 2528, 128>}, {transform_indices = @transform_2, window_bounds = array<i64: 2528, 1>}, {pipeline_mode = #tpu.pipeline_mode<synchronous>, transform_indices = @transform_3, window_bounds = array<i64: 128>}, {pipeline_mode = #tpu.pipeline_mode<synchronous>, transform_indices = @transform_4, window_bounds = array<i64: 128, 128>}, {transform_indices = @transform_5, window_bounds = array<i64: 2528, 128>}]} {
    %get3A = arith.constant 0 : index
    %get3A_0 = arith.constant 0 : index
    %get3A_1 = vector.load %arg3[%get3A, %get3A_0] : memref<2528x1xf32, #tpu.memory_space<vmem>>, vector<2528x1xf32>
    %get3A_2 = arith.constant 0 : index
    %get3A_3 = arith.constant 0 : index
    %get3A_4 = arith.constant 0 : index
    %get3A_5 = vector.load %arg1[%get3A_2, %get3A_3, %get3A_4] : memref<1x2528x128xf32, #tpu.memory_space<vmem>>, vector<1x2528x128xf32>
    %get3A_6 = vector.shape_cast %get3A_5 : vector<1x2528x128xf32> to vector<2528x128xf32>
    %get3A_7 = arith.constant 0 : index
    %get3A_8 = arith.constant 0 : index
    %get3A_9 = arith.constant 0 : index
    %get3A_10 = vector.load %arg2[%get3A_7, %get3A_8, %get3A_9] : memref<1x2528x128xf32, #tpu.memory_space<vmem>>, vector<1x2528x128xf32>
    %get3A_11 = vector.shape_cast %get3A_10 : vector<1x2528x128xf32> to vector<2528x128xf32>
    %add3A = arith.addf %get3A_6, %get3A_11 : vector<2528x128xf32>
    %mul3A = vector.broadcast %get3A_1 : vector<2528x1xf32> to vector<2528x128xf32>
    %mul3A_12 = arith.mulf %mul3A, %add3A : vector<2528x128xf32>
    %get3A_13 = arith.constant 0 : index
    %get3A_14 = vector.load %arg4[%get3A_13] : memref<128xf32, #tpu.memory_space<vmem>>, vector<128xf32>
    %broadcast_in_dim3A = vector.shape_cast %get3A_14 : vector<128xf32> to vector<1x128xf32>
    %add3A_15 = vector.broadcast %broadcast_in_dim3A : vector<1x128xf32> to vector<2528x128xf32>
    %add3A_16 = arith.addf %mul3A_12, %add3A_15 : vector<2528x128xf32>
    %max3A = arith.constant 0.000000e+00 : f32
    %max3A_17 = vector.broadcast %max3A : f32 to vector<2528x128xf32>
    %max3A_18 = arith.maximumf %add3A_16, %max3A_17 : vector<2528x128xf32>
    %get3A_19 = arith.constant 0 : index
    %get3A_20 = arith.constant 0 : index
    %get3A_21 = vector.load %arg5[%get3A_19, %get3A_20] : memref<128x128xf32, #tpu.memory_space<vmem>>, vector<128x128xf32>
    %dot_general3A = arith.constant dense<0.000000e+00> : vector<2528x128xf32>
    %dot_general3A_22 = tpu.matmul %max3A_18, %get3A_21, %dot_general3A {dimension_numbers = #tpu.dot_dimension_numbers<[1], [0], [0], [1], [0, 0, 1, 1], [], []>, precision = #tpu.contract_precision<fp32>, transpose_lhs_hint = false} : vector<2528x128xf32>, vector<128x128xf32>, vector<2528x128xf32> -> vector<2528x128xf32>
    %mul3A_23 = vector.broadcast %get3A_1 : vector<2528x1xf32> to vector<2528x128xf32>
    %mul3A_24 = arith.mulf %mul3A_23, %dot_general3A_22 : vector<2528x128xf32>
    %swap3A = arith.constant 0 : index
    %swap3A_25 = arith.constant 0 : index
    %swap3A_26 = vector.load %arg6[%swap3A, %swap3A_25] : memref<2528x128xf32, #tpu.memory_space<vmem>>, vector<2528x128xf32>
    tpu.vector_store %arg6[%swap3A, %swap3A_25], %mul3A_24 {strides = array<i32>} : memref<2528x128xf32, #tpu.memory_space<vmem>>, vector<2528x128xf32>,
    return
  }
  func.func @transform_0(%arg0: i32) -> (i32, i32, i32) {
    %c0_i32 = arith.constant 0 : i32
    %c0_i32_0 = arith.constant 0 : i32
    %c0_i32_1 = arith.constant 0 : i32
    return %c0_i32, %arg0, %c0_i32_0 : i32, i32, i32
  }
  func.func @transform_1(%arg0: i32) -> (i32, i32, i32) {
    %c1_i32 = arith.constant 1 : i32
    %c0_i32 = arith.constant 0 : i32
    %c0_i32_0 = arith.constant 0 : i32
    return %c1_i32, %arg0, %c0_i32 : i32, i32, i32
  }
  func.func @transform_2(%arg0: i32) -> (i32, i32) {
    %c0_i32 = arith.constant 0 : i32
    %c0_i32_0 = arith.constant 0 : i32
    return %arg0, %c0_i32 : i32, i32
  }
  func.func @transform_3(%arg0: i32) -> i32 {
    %c0_i32 = arith.constant 0 : i32
    %c0_i32_0 = arith.constant 0 : i32
    return %c0_i32 : i32
  }
  func.func @transform_4(%arg0: i32) -> (i32, i32) {
    %c0_i32 = arith.constant 0 : i32
    %c0_i32_0 = arith.constant 0 : i32
    %c0_i32_1 = arith.constant 0 : i32
    return %c0_i32, %c0_i32_0 : i32, i32
  }
  func.func @transform_5(%arg0: i32) -> (i32, i32) {
    %c0_i32 = arith.constant 0 : i32
    %c0_i32_0 = arith.constant 0 : i32
    return %arg0, %c0_i32 : i32, i32
  }
}

module attributes {stable_mosaic.version = 14 : i64} {
  func.func @_head_kernel(%arg0: i32, %arg1: memref<1x2528x128xf32, #tpu.memory_space<vmem>>, %arg2: memref<1x2528x128xf32, #tpu.memory_space<vmem>>, %arg3: memref<2528x1xf32, #tpu.memory_space<vmem>>, %arg4: memref<128xf32, #tpu.memory_space<vmem>>, %arg5: memref<2528x1xi32, #tpu.memory_space<vmem>>, %arg6: memref<128x256xf32, #tpu.memory_space<vmem>>, %arg7: memref<256xf32, #tpu.memory_space<vmem>>, %arg8: memref<256x1xf32, #tpu.memory_space<vmem>>, %arg9: memref<1xf32, #tpu.memory_space<vmem>>, %arg10: memref<64x1xf32, #tpu.memory_space<vmem>>, %arg11: memref<64x128xf32, #tpu.memory_space<vmem>>, %arg12: memref<64x1xf32, #tpu.memory_space<vmem>>) attributes {dimension_semantics = [#tpu.dimension_semantics<arbitrary>], iteration_bounds = array<i64: 4>, scalar_prefetch = 0 : i64, scratch_operands = 2 : i64, tpu.core_type = #tpu.core_type<tc>, window_params = [{transform_indices = @transform_0, window_bounds = array<i64: 1, 2528, 128>}, {transform_indices = @transform_1, window_bounds = array<i64: 1, 2528, 128>}, {transform_indices = @transform_2, window_bounds = array<i64: 2528, 1>}, {pipeline_mode = #tpu.pipeline_mode<synchronous>, transform_indices = @transform_3, window_bounds = array<i64: 128>}, {transform_indices = @transform_4, window_bounds = array<i64: 2528, 1>}, {pipeline_mode = #tpu.pipeline_mode<synchronous>, transform_indices = @transform_5, window_bounds = array<i64: 128, 256>}, {pipeline_mode = #tpu.pipeline_mode<synchronous>, transform_indices = @transform_6, window_bounds = array<i64: 256>}, {pipeline_mode = #tpu.pipeline_mode<synchronous>, transform_indices = @transform_7, window_bounds = array<i64: 256, 1>}, {pipeline_mode = #tpu.pipeline_mode<synchronous>, transform_indices = @transform_8, window_bounds = array<i64: 1>}, {pipeline_mode = #tpu.pipeline_mode<synchronous>, transform_indices = @transform_9, window_bounds = array<i64: 64, 1>}]} {
    %eq3A = arith.constant 0 : i32
    %eq3A_0 = arith.cmpi eq, %arg0, %eq3A : i32
    %convert_element_type3A = arith.extui %eq3A_0 : i1 to i32
    %cond3A = arith.constant 0 : i32
    %cond3A_1 = arith.cmpi ne, %convert_element_type3A, %cond3A : i32
    scf.if %cond3A_1 {
      %broadcast_in_dim3A_51 = arith.constant 0.000000e+00 : f32
      %broadcast_in_dim3A_52 = vector.broadcast %broadcast_in_dim3A_51 : f32 to vector<64x128xf32>
      %swap3A_53 = arith.constant 0 : index
      %swap3A_54 = arith.constant 0 : index
      %swap3A_55 = vector.load %arg11[%swap3A_53, %swap3A_54] : memref<64x128xf32, #tpu.memory_space<vmem>>, vector<64x128xf32>
      tpu.vector_store %arg11[%swap3A_53, %swap3A_54], %broadcast_in_dim3A_52 {strides = array<i32>} : memref<64x128xf32, #tpu.memory_space<vmem>>, vector<64x128xf32>,
      %broadcast_in_dim3A_56 = arith.constant 0.000000e+00 : f32
      %broadcast_in_dim3A_57 = vector.broadcast %broadcast_in_dim3A_56 : f32 to vector<64x1xf32>
      %swap3A_58 = arith.constant 0 : index
      %swap3A_59 = arith.constant 0 : index
      %swap3A_60 = vector.load %arg12[%swap3A_58, %swap3A_59] : memref<64x1xf32, #tpu.memory_space<vmem>>, vector<64x1xf32>
      tpu.vector_store %arg12[%swap3A_58, %swap3A_59], %broadcast_in_dim3A_57 {strides = array<i32>} : memref<64x1xf32, #tpu.memory_space<vmem>>, vector<64x1xf32>,
    } else {
    }
    %get3A = arith.constant 0 : index
    %get3A_2 = arith.constant 0 : index
    %get3A_3 = vector.load %arg3[%get3A, %get3A_2] : memref<2528x1xf32, #tpu.memory_space<vmem>>, vector<2528x1xf32>
    %get3A_4 = arith.constant 0 : index
    %get3A_5 = arith.constant 0 : index
    %get3A_6 = arith.constant 0 : index
    %get3A_7 = vector.load %arg1[%get3A_4, %get3A_5, %get3A_6] : memref<1x2528x128xf32, #tpu.memory_space<vmem>>, vector<1x2528x128xf32>
    %get3A_8 = vector.shape_cast %get3A_7 : vector<1x2528x128xf32> to vector<2528x128xf32>
    %get3A_9 = arith.constant 0 : index
    %get3A_10 = arith.constant 0 : index
    %get3A_11 = arith.constant 0 : index
    %get3A_12 = vector.load %arg2[%get3A_9, %get3A_10, %get3A_11] : memref<1x2528x128xf32, #tpu.memory_space<vmem>>, vector<1x2528x128xf32>
    %get3A_13 = vector.shape_cast %get3A_12 : vector<1x2528x128xf32> to vector<2528x128xf32>
    %add3A = arith.addf %get3A_8, %get3A_13 : vector<2528x128xf32>
    %mul3A = vector.broadcast %get3A_3 : vector<2528x1xf32> to vector<2528x128xf32>
    %mul3A_14 = arith.mulf %mul3A, %add3A : vector<2528x128xf32>
    %get3A_15 = arith.constant 0 : index
    %get3A_16 = vector.load %arg4[%get3A_15] : memref<128xf32, #tpu.memory_space<vmem>>, vector<128xf32>
    %broadcast_in_dim3A = vector.shape_cast %get3A_16 : vector<128xf32> to vector<1x128xf32>
    %add3A_17 = vector.broadcast %broadcast_in_dim3A : vector<1x128xf32> to vector<2528x128xf32>
    %add3A_18 = arith.addf %mul3A_14, %add3A_17 : vector<2528x128xf32>
    %max3A = arith.constant 0.000000e+00 : f32
    %max3A_19 = vector.broadcast %max3A : f32 to vector<2528x128xf32>
    %max3A_20 = arith.maximumf %add3A_18, %max3A_19 : vector<2528x128xf32>
    %get3A_21 = arith.constant 0 : index
    %get3A_22 = arith.constant 0 : index
    %get3A_23 = vector.load %arg5[%get3A_21, %get3A_22] : memref<2528x1xi32, #tpu.memory_space<vmem>>, vector<2528x1xi32>
    %iota3A = tpu.iota {dimensions = array<i32: 1>} : vector<2528x64xi32>
    %eq3A_24 = vector.broadcast %get3A_23 : vector<2528x1xi32> to vector<2528x64xi32>
    %eq3A_25 = arith.cmpi eq, %iota3A, %eq3A_24 : vector<2528x64xi32>
    %convert_element_type3A_26 = arith.extui %eq3A_25 : vector<2528x64xi1> to vector<2528x64xi32>
    %convert_element_type3A_27 = arith.sitofp %convert_element_type3A_26 : vector<2528x64xi32> to vector<2528x64xf32>
    %get3A_28 = arith.constant 0 : index
    %get3A_29 = arith.constant 0 : index
    %get3A_30 = vector.load %arg11[%get3A_28, %get3A_29] : memref<64x128xf32, #tpu.memory_space<vmem>>, vector<64x128xf32>
    %dot_general3A = arith.constant dense<0.000000e+00> : vector<64x128xf32>
    %dot_general3A_31 = tpu.matmul %convert_element_type3A_27, %max3A_20, %dot_general3A {dimension_numbers = #tpu.dot_dimension_numbers<[0], [0], [1], [1], [0, 1, 1, 1], [], []>, precision = #tpu.contract_precision<fp32>, transpose_lhs_hint = false} : vector<2528x64xf32>, vector<2528x128xf32>, vector<64x128xf32> -> vector<64x128xf32>
    %add3A_32 = arith.addf %get3A_30, %dot_general3A_31 : vector<64x128xf32>
    %swap3A = arith.constant 0 : index
    %swap3A_33 = arith.constant 0 : index
    %swap3A_34 = vector.load %arg11[%swap3A, %swap3A_33] : memref<64x128xf32, #tpu.memory_space<vmem>>, vector<64x128xf32>
    tpu.vector_store %arg11[%swap3A, %swap3A_33], %add3A_32 {strides = array<i32>} : memref<64x128xf32, #tpu.memory_space<vmem>>, vector<64x128xf32>,
    %get3A_35 = arith.constant 0 : index
    %get3A_36 = arith.constant 0 : index
    %get3A_37 = vector.load %arg12[%get3A_35, %get3A_36] : memref<64x1xf32, #tpu.memory_space<vmem>>, vector<64x1xf32>
    %broadcast_in_dim3A_38 = arith.constant 1.000000e+00 : f32
    %broadcast_in_dim3A_39 = vector.broadcast %broadcast_in_dim3A_38 : f32 to vector<2528x1xf32>
    %dot_general3A_40 = arith.constant dense<0.000000e+00> : vector<64x1xf32>
    %dot_general3A_41 = tpu.matmul %convert_element_type3A_27, %broadcast_in_dim3A_39, %dot_general3A_40 {dimension_numbers = #tpu.dot_dimension_numbers<[0], [0], [1], [1], [0, 1, 1, 1], [], []>, precision = #tpu.contract_precision<fp32>, transpose_lhs_hint = false} : vector<2528x64xf32>, vector<2528x1xf32>, vector<64x1xf32> -> vector<64x1xf32>
    %add3A_42 = arith.addf %get3A_37, %dot_general3A_41 : vector<64x1xf32>
    %swap3A_43 = arith.constant 0 : index
    %swap3A_44 = arith.constant 0 : index
    %swap3A_45 = vector.load %arg12[%swap3A_43, %swap3A_44] : memref<64x1xf32, #tpu.memory_space<vmem>>, vector<64x1xf32>
    tpu.vector_store %arg12[%swap3A_43, %swap3A_44], %add3A_42 {strides = array<i32>} : memref<64x1xf32, #tpu.memory_space<vmem>>, vector<64x1xf32>,
    %eq3A_46 = arith.constant 3 : i32
    %eq3A_47 = arith.cmpi eq, %arg0, %eq3A_46 : i32
    %convert_element_type3A_48 = arith.extui %eq3A_47 : i1 to i32
    %cond3A_49 = arith.constant 0 : i32
    %cond3A_50 = arith.cmpi ne, %convert_element_type3A_48, %cond3A_49 : i32
    scf.if %cond3A_50 {
      %get3A_51 = arith.constant 0 : index
      %get3A_52 = arith.constant 0 : index
      %get3A_53 = vector.load %arg11[%get3A_51, %get3A_52] : memref<64x128xf32, #tpu.memory_space<vmem>>, vector<64x128xf32>
      %get3A_54 = arith.constant 0 : index
      %get3A_55 = arith.constant 0 : index
      %get3A_56 = vector.load %arg12[%get3A_54, %get3A_55] : memref<64x1xf32, #tpu.memory_space<vmem>>, vector<64x1xf32>
      %max3A_57 = arith.constant 1.000000e+00 : f32
      %max3A_58 = vector.broadcast %max3A_57 : f32 to vector<64x1xf32>
      %max3A_59 = arith.maximumf %get3A_56, %max3A_58 : vector<64x1xf32>
      %div3A = vector.broadcast %max3A_59 : vector<64x1xf32> to vector<64x128xf32>
      %div3A_60 = arith.divf %get3A_53, %div3A : vector<64x128xf32>
      %get3A_61 = arith.constant 0 : index
      %get3A_62 = arith.constant 0 : index
      %get3A_63 = vector.load %arg6[%get3A_61, %get3A_62] : memref<128x256xf32, #tpu.memory_space<vmem>>, vector<128x256xf32>
      %dot_general3A_64 = arith.constant dense<0.000000e+00> : vector<64x256xf32>
      %dot_general3A_65 = tpu.matmul %div3A_60, %get3A_63, %dot_general3A_64 {dimension_numbers = #tpu.dot_dimension_numbers<[1], [0], [0], [1], [0, 0, 1, 1], [], []>, precision = #tpu.contract_precision<fp32>, transpose_lhs_hint = false} : vector<64x128xf32>, vector<128x256xf32>, vector<64x256xf32> -> vector<64x256xf32>
      %get3A_66 = arith.constant 0 : index
      %get3A_67 = vector.load %arg7[%get3A_66] : memref<256xf32, #tpu.memory_space<vmem>>, vector<256xf32>
      %broadcast_in_dim3A_68 = vector.shape_cast %get3A_67 : vector<256xf32> to vector<1x256xf32>
      %add3A_69 = vector.broadcast %broadcast_in_dim3A_68 : vector<1x256xf32> to vector<64x256xf32>
      %add3A_70 = arith.addf %dot_general3A_65, %add3A_69 : vector<64x256xf32>
      %max3A_71 = arith.constant 0.000000e+00 : f32
      %max3A_72 = vector.broadcast %max3A_71 : f32 to vector<64x256xf32>
      %max3A_73 = arith.maximumf %add3A_70, %max3A_72 : vector<64x256xf32>
      %get3A_74 = arith.constant 0 : index
      %get3A_75 = arith.constant 0 : index
      %get3A_76 = vector.load %arg8[%get3A_74, %get3A_75] : memref<256x1xf32, #tpu.memory_space<vmem>>, vector<256x1xf32>
      %dot_general3A_77 = arith.constant dense<0.000000e+00> : vector<64x1xf32>
      %dot_general3A_78 = tpu.matmul %max3A_73, %get3A_76, %dot_general3A_77 {dimension_numbers = #tpu.dot_dimension_numbers<[1], [0], [0], [1], [0, 0, 1, 1], [], []>, precision = #tpu.contract_precision<fp32>, transpose_lhs_hint = false} : vector<64x256xf32>, vector<256x1xf32>, vector<64x1xf32> -> vector<64x1xf32>
      %get3A_79 = arith.constant 0 : index
      %get3A_80 = vector.load %arg9[%get3A_79] : memref<1xf32, #tpu.memory_space<vmem>>, vector<1xf32>
      %broadcast_in_dim3A_81 = vector.shape_cast %get3A_80 : vector<1xf32> to vector<1x1xf32>
      %add3A_82 = vector.broadcast %broadcast_in_dim3A_81 : vector<1x1xf32> to vector<64x1xf32>
      %add3A_83 = arith.addf %dot_general3A_78, %add3A_82 : vector<64x1xf32>
      %swap3A_84 = arith.constant 0 : index
      %swap3A_85 = arith.constant 0 : index
      %swap3A_86 = vector.load %arg10[%swap3A_84, %swap3A_85] : memref<64x1xf32, #tpu.memory_space<vmem>>, vector<64x1xf32>
      tpu.vector_store %arg10[%swap3A_84, %swap3A_85], %add3A_83 {strides = array<i32>} : memref<64x1xf32, #tpu.memory_space<vmem>>, vector<64x1xf32>,
    } else {
    }
    return
  }
  func.func @transform_0(%arg0: i32) -> (i32, i32, i32) {
    %c0_i32 = arith.constant 0 : i32
    %c0_i32_0 = arith.constant 0 : i32
    %c0_i32_1 = arith.constant 0 : i32
    return %c0_i32, %arg0, %c0_i32_0 : i32, i32, i32
  }
  func.func @transform_1(%arg0: i32) -> (i32, i32, i32) {
    %c1_i32 = arith.constant 1 : i32
    %c0_i32 = arith.constant 0 : i32
    %c0_i32_0 = arith.constant 0 : i32
    return %c1_i32, %arg0, %c0_i32 : i32, i32, i32
  }
  func.func @transform_2(%arg0: i32) -> (i32, i32) {
    %c0_i32 = arith.constant 0 : i32
    %c0_i32_0 = arith.constant 0 : i32
    return %arg0, %c0_i32 : i32, i32
  }
  func.func @transform_3(%arg0: i32) -> i32 {
    %c0_i32 = arith.constant 0 : i32
    %c0_i32_0 = arith.constant 0 : i32
    return %c0_i32 : i32
  }
  func.func @transform_4(%arg0: i32) -> (i32, i32) {
    %c0_i32 = arith.constant 0 : i32
    %c0_i32_0 = arith.constant 0 : i32
    return %arg0, %c0_i32 : i32, i32
  }
  func.func @transform_5(%arg0: i32) -> (i32, i32) {
    %c0_i32 = arith.constant 0 : i32
    %c0_i32_0 = arith.constant 0 : i32
    %c0_i32_1 = arith.constant 0 : i32
    return %c0_i32, %c0_i32_0 : i32, i32
  }
  func.func @transform_6(%arg0: i32) -> i32 {
    %c0_i32 = arith.constant 0 : i32
    %c0_i32_0 = arith.constant 0 : i32
    return %c0_i32 : i32
  }
  func.func @transform_7(%arg0: i32) -> (i32, i32) {
    %c0_i32 = arith.constant 0 : i32
    %c0_i32_0 = arith.constant 0 : i32
    %c0_i32_1 = arith.constant 0 : i32
    return %c0_i32, %c0_i32_0 : i32, i32
  }
  func.func @transform_8(%arg0: i32) -> i32 {
    %c0_i32 = arith.constant 0 : i32
    %c0_i32_0 = arith.constant 0 : i32
    return %c0_i32 : i32
  }
  func.func @transform_9(%arg0: i32) -> (i32, i32) {
    %c0_i32 = arith.constant 0 : i32
    %c0_i32_0 = arith.constant 0 : i32
    %c0_i32_1 = arith.constant 0 : i32
    return %c0_i32, %c0_i32_0 : i32, i32
  }
}

</mosaic_0001>

<sc_bundles>
// kernel: kernel.10.cloned.1.call-start
scs
__scs_entry_jumppad:
0x0: {  	(pc) =	sbr.rel $0x88, $3  }
0x1: {  	(tag) =	ssettag $0x0;
	lr =	simm.s32 $0x1  }
0x2: {  	[smem:$0x3F94] =	sst lr;
	_ =	strace $0xD0000000  }
0x3: {  	_ = 	snop  }
0x4: {  	_ = 	snop  }
0x5: {  	_ = 	snop  }
0x6: {  	_ = 	snop  }
0x7: {  	_ = 	snop  }
__scs_overlays_trampoline_lowered:
0x8: {  	[smem:$0x3FA3] =	sst s0  }
0x9: {  	[smem:$0x3FA4] =	sst s1  }
0xa: {  	[smem:$0x3FA5] =	sst s2  }
0xb: {  	[smem:$0x3FA6] =	sst s3  }
0xc: {  	[smem:$0x3FA7] =	sst s4  }
0xd: {  	[smem:$0x3FA8] =	sst s5  }
0xe: {  	[smem:$0x3FA9] =	sst s6  }
0xf: {  	[smem:$0x3FAA] =	sst s7  }
0x10: {  	[smem:$0x3FAB] =	sst s8  }
0x11: {  	[smem:$0x3FAC] =	sst s9;
	s0 =	simm.s32 @!p0 $0x0  }
0x12: {  	s1 =	sld [smem:$0x3F92];
	s0 =	simm.s32 @p0 $0x1  }
0x13: {  	[smem:$0x3FAD] =	sst s0;
	s0 =	simm.s32 @!p1 $0x0  }
0x14: {  	s2 =	sld [smem:$0x3F91];
	s0 =	simm.s32 @p1 $0x1  }
0x15: {  	[smem:$0x3FAE] =	sst s0;
	s0 =	simm.s32 @!p2 $0x0  }
0x16: {  	s3 =	sld [smem:$0x3FDB];
	s0 =	simm.s32 @p2 $0x1  }
0x17: {  	s4 =	simm.s32 $0x1BF5;
	[smem:$0x3FB0] =	sst s0  }
0x18: {  	s0 =	sld [smem:$0x3F93];
	_ =	swait.ge [sflag:s4], $0x0  }
0x19: {  	s7 =	sld [smem:$0x3F94]  }
0x1a: {  	s8 =	sadd.s32 $0xFFFFE003, lr  }
0x1b: {  	s9 =	sadd.s32 $0xFFFFFEF7, lr;
	s5 =	simm.s32 $0xFFFFFFFF;
	p2 =	slt.u32 s8, $0xFFFFF086  }
0x1c: {  	p1 =	slt.u32 s9, $0xF7A;
	s5 =	simm.s32 @!p2 $0x0  }
0x1d: {  	s5 =	simm.s32 @p1 $0x1;
	p0 =	seq.s32 s7, s2  }
0x1e: {  	s7 =	smul.u32 @!p0 $0xF7A, s2;
	p2 =	seq.s32 @!p0 s5, $0x0  }
0x1f: {  	s9 =	smul.u32 $0xF7A, s1;
	s8 =	simm.s32 @!p0 $0x1BF5;
	p2 =	por !p2, p0  }
0x20: {  	[sflag:s8] =	ssyncset.s32 @!p0 $0xFFFFF086;
	s6 =	sadd.s32 @!p0 s3, s7;
	s7 =	simm.s32 @!p0 $0x108  }
0x21: {  	s3 =	sadd.s32 s3, s9;
	s6 =	sadd.s32 @!p0 $0x88, s6;
	s7 =	simm.s32 @p2 $0x1082  }
0x22: {  	[simem:s7], [sflag:s8] =	dma.local @!p0 [hbm:s6], $0xF7A  }
0x23: {  	s9 =	sor.u32 $0xD0000000, s2;
	s6 =	simm.s32 $0x108;
	_ =	swait.ge @!p0 [sflag:s8], $0x0  }
0x24: {  	s3 =	sadd.s32 $0x88, s3;
	s6 =	simm.s32 @!p1 $0x1082;
	[sflag:s4] =	ssyncset.s32 $0xFFFFF086  }
0x25: {  	[simem:s6], [sflag:s4] =	dma.local [hbm:s3], $0xF7A  }
0x26: {  	[smem:$0x3F94] =	sst s1;
	(tag) =	ssettag s2;
	_ =	strace s9  }
0x27: {  	s1 =	sld [smem:$0x3FA4]  }
0x28: {  	s2 =	sld [smem:$0x3FA5]  }
0x29: {  	s4 =	sld [smem:$0x3FA7]  }
0x2a: {  	p0 =	seq.s32 s5, $0x0;
	s5 =	sld [smem:$0x3FA8]  }
0x2b: {  	s6 =	sld [smem:$0x3FA9]  }
0x2c: {  	s7 =	sld [smem:$0x3FAA]  }
0x2d: {  	s3 =	simm.s32 $0x108;
	s8 =	sld [smem:$0x3FAB]  }
0x2e: {  	s3 =	simm.s32 @!p0 $0x1082;
	s9 =	sld [smem:$0x3FAC]  }
0x2f: {  	lr =	sadd.s32 s0, s3;
	s0 =	sld [smem:$0x3FA3]  }
0x30: {  	s3 =	sld [smem:$0x3FA6]  }
0x31: {  	[smem:$0x3FAF] =	sst s10  }
0x32: {  	s10 =	sld [smem:$0x3FAD];
	_ =	sdelay $0x3  }
0x33: {  	p0 =	seq.s32 s10, $0x1;
	s10 =	sld [smem:$0x3FAF];
	_ =	sdelay $0x3  }
0x34: {  	[smem:$0x3FAF] =	sst s10  }
0x35: {  	s10 =	sld [smem:$0x3FAE];
	_ =	sdelay $0x3  }
0x36: {  	p1 =	seq.s32 s10, $0x1;
	s10 =	sld [smem:$0x3FAF];
	_ =	sdelay $0x3  }
0x37: {  	[smem:$0x3FAF] =	sst s10  }
0x38: {  	s10 =	sld [smem:$0x3FB0]  }
0x39: {  	_ = 	snop;
	(pc) =	sbr.ind lr, $3  }
0x3a: {  	_ = 	snop  }
0x3b: {  	_ = 	snop  }
0x3c: {  	p2 =	seq.s32 s10, $0x1;
	s10 =	sld [smem:$0x3FAF]  }
0x3d: {  	_ =	shalt  }
0x3e: {  	_ =	shalt  }
0x3f: {  	_ =	shalt  }
0x40: {  	_ =	shalt  }
0x41: {  	_ =	shalt  }
0x42: {  	_ =	shalt  }
0x43: {  	_ =	shalt  }
0x44: {  	_ =	shalt  }
0x45: {  	_ =	shalt  }
0x46: {  	_ =	shalt  }
0x47: {  	_ =	shalt  }
0x48: {  	_ =	shalt  }
0x49: {  	_ =	shalt  }
0x4a: {  	_ =	shalt  }
0x4b: {  	_ =	shalt  }
0x4c: {  	_ =	shalt  }
0x4d: {  	_ =	shalt  }
0x4e: {  	_ =	shalt  }
0x4f: {  	_ =	shalt  }
0x50: {  	_ =	shalt  }
0x51: {  	_ =	shalt  }
0x52: {  	_ =	shalt  }
0x53: {  	_ =	shalt  }
0x54: {  	_ =	shalt  }
0x55: {  	_ =	shalt  }
0x56: {  	_ =	shalt  }
0x57: {  	_ =	shalt  }
0x58: {  	_ =	shalt  }
0x59: {  	_ =	shalt  }
0x5a: {  	_ =	shalt  }
0x5b: {  	_ =	shalt  }
0x5c: {  	_ =	shalt  }
0x5d: {  	_ =	shalt  }
0x5e: {  	_ =	shalt  }
0x5f: {  	_ =	shalt  }
0x60: {  	_ =	shalt  }
0x61: {  	_ =	shalt  }
0x62: {  	_ =	shalt  }
0x63: {  	_ =	shalt  }
0x64: {  	_ =	shalt  }
0x65: {  	_ =	shalt  }
0x66: {  	_ =	shalt  }
0x67: {  	_ =	shalt  }
0x68: {  	_ =	shalt  }
0x69: {  	_ =	shalt  }
0x6a: {  	_ =	shalt  }
0x6b: {  	_ =	shalt  }
0x6c: {  	_ =	shalt  }
0x6d: {  	_ =	shalt  }
0x6e: {  	_ =	shalt  }
0x6f: {  	_ =	shalt  }
0x70: {  	_ =	shalt  }
0x71: {  	_ =	shalt  }
0x72: {  	_ =	shalt  }
0x73: {  	_ =	shalt  }
0x74: {  	_ =	shalt  }
0x75: {  	_ =	shalt  }
0x76: {  	_ =	shalt  }
0x77: {  	_ =	shalt  }
0x78: {  	_ =	shalt  }
0x79: {  	_ =	shalt  }
0x7a: {  	_ =	shalt  }
0x7b: {  	_ =	shalt  }
0x7c: {  	_ =	shalt  }
0x7d: {  	_ =	shalt  }
0x7e: {  	_ =	shalt  }
0x7f: {  	_ =	shalt  }
0x80: {  	_ =	shalt  }
0x81: {  	_ =	shalt  }
0x82: {  	_ =	shalt  }
0x83: {  	_ =	shalt  }
0x84: {  	_ =	shalt  }
0x85: {  	_ =	shalt  }
0x86: {  	_ =	shalt  }
0x87: {  	_ =	shalt  }
.Lfunc_end0:
.L_simem_size_0:
called_computation_lowered:
.L_overlay_start_0:
0x88: {  	s2 =	sld [smem:$0x3FD9]  }
0x89: {  	s3 =	sld [smem:$0x3FFE];
	_ =	sdelay $0x1  }
0x8a: {  	s1 =	srdreg.scid  }
0x8b: {  	s0 =	sand.u32 $0x1, s1  }
0x8c: {  	s16 =	sshll.u32 s0, $0xA;
	s2 =	sadd.s32 s3, s2  }
0x8d: {  	s2 =	sadd.s32 s2, s16  }
0x8e: {  	[smem:$0x3FBB] =	sst s2  }
0x8f: {  	_ = 	snop  }
0x90: {  	(tm) =	ssettm $0x1  }
0x91: {  	s17 =	sld [smem:$0x3FFB];
	_ =	sdelay $0x3  }
0x92: {  	_ =	strace s17  }
0x93: {  	s2 =	sld [smem:$0x3FFC];
	_ =	sdelay $0x3  }
0x94: {  	_ =	strace s2  }
0x95: {  	s2 =	sld [smem:$0x3FFD];
	_ =	sdelay $0x3  }
0x96: {  	_ =	strace s2  }
0x97: {  	_ =	strace $0x8FFFFFFF  }
0x98: {  	s18 =	sld [smem:$0x3FDB];
	_ =	sdelay $0x1  }
0x99: {  	s19 =	simm.s32 $_scs_section_size  }
0x9a: {  	s4 =	simm.s32 $_size__tile_overlayer_lowered;
	s5 =	simm.s32 $_tile_overlayer_lowered  }
0x9b: {  	s22 =	simm.s32 $0x1BFF;
	s21 =	sshll.u32 s5, $0x1;
	s2 =	sadd.s32 s19, s18  }
0x9c: {  	s6 =	simm.s32 $0x0;
	s20 =	sshll.u32 s4, $0x1;
	s4 =	sadd.s32 s21, s2  }
0x9d: {  	[timem:s6], [sflag:s22] =	dma.local [hbm:s4], s20  }
0x9e: {  	_ =	swait.ge [sflag:s22], s20  }
0x9f: {  	s3 =	ssub.s32 $0x0, s20;
	[sflag:s22] =	ssyncset.done $0x0  }
0xa0: {  	[sflag:s22] =	ssyncadd.s32 s3;
	_ =	sdelay $0x1  }
0xa1: {  	s23 =	simm.s32 $0x1B8B  }
0xa2: {  	_ =	swait.ge [sflag:s23], $0x1  }
0xa3: {  	[sflag:s23] =	ssyncset.done $0x0  }
0xa4: {  	s25 =	simm.s32 $0x1B8E;
	s24 =	sld [smem:$0x3FFE];
	[sflag:s23] =	ssyncadd.s32 $0xFFFFFFFF  }
0xa5: {  	s26 =	simm.s32 $execute0_lowered;
	[smem:$0x3FD2] =	sst s25  }
0xa6: {  	s4 =	sshll.u32 s26, $0x1;
	_ =	strace $0x80000046;
	[dreg:$0x1] =	wrdreg $0xFFFFFFFF  }
0xa7: {  	s28 =	simm.s32 $_size_execute0_lowered;
	s2 =	sadd.s32 s2, s4;
	[dreg:$0x0] =	wrdreg $0x0  }
0xa8: {  	s4 =	sshll.u32 s28, $0x1;
	[dreg:$0x2] =	wrdreg s2  }
0xa9: {  	[dreg:$0x3] =	wrdreg s4  }
0xaa: {  	[dreg:$0x4] =	wrdreg $0xC0  }
0xab: {  	_ =	task [dreg:s6], $0x5FFFF  }
0xac: {  	[dreg:$0x1] =	wrdreg $0xFFFFFFFF  }
0xad: {  	[dreg:$0x0] =	wrdreg $0x60  }
0xae: {  	[dreg:$0x2] =	wrdreg s24  }
0xaf: {  	[dreg:$0x3] =	wrdreg $0x78000  }
0xb0: {  	[dreg:$0x4] =	wrdreg $0x9  }
0xb1: {  	_ =	task.clear_ibuf [dreg:s6], $0x5FFFF;
	_ =	strace $0x90000046  }
0xb2: {  	s29 =	simm.s32 $0x9;
	_ =	strace $0x80000048  }
0xb3: {  	_ =	swait.ge [sflag:s29], $0x1  }
0xb4: {  	[sflag:s29] =	ssyncadd.s32 $0xFFFFFFFF  }
0xb5: {  	_ =	strace $0x90000048  }
0xb6: {  	_ =	sfence  }
0xb7: {  	s30 =	sld [smem:$0x0];
	_ =	sdelay $0x2  }
0xb8: {  	s31 =	sshll.u32 s1, $0xD;
	s1 =	sshrl.u32 s1, $0x2  }
0xb9: {  	s3 =	sand.u32 $0x4000, s31;
	s1 =	sadd.s32 s1, s30  }
0xba: {  	s0 =	sor.u32 s3, s0;
	s1 =	sshll.u32 s1, $0x11  }
0xbb: {  	s0 =	sor.u32 s1, s0  }
0xbc: {  	s0 =	sadd.s32 $0x8F2B, s0  }
0xbd: {  	[sflag:s0] =	ssyncadd.remote.s32 $0x1  }
0xbe: {  	_ =	sfence.sel $0xFFFF  }
0xbf: {  	[dreg:$0x0] =	wrdreg $0xFFFFFFFF;
	(pc) =	sbr.abs _section_cstart, $3  }
0xc0: {  	[dreg:$0x1] =	wrdreg $0xFFFFFFFF  }
0xc1: {  	_ =	task.clear_ibuf [dreg:s6], $0x2FFFF;
	_ =	strace $0x9FFFFFFF  }
0xc2: {  	(tm) =	ssettm $0x7FFFFFFF  }
0xc3: {  	_ =	shalt  }
tec
execute0_lowered:
.L_overlay_start_1:
0x0: {  	(tag) =	ssettag $0x1  }
0x1: {  	s5 =	rddreg [dreg:$0x0]  }
0x2: {  	s0 =	stileid.u32;
	s1 =	srdreg.scid  }
0x3: {  	s2 =	rddreg [dreg:$0x1];
	s3 =	simm.s32 $0x0;
	s8 =	smul.u32 $0x2780, s0  }
0x4: {  	s16 =	simm.s32 $0x80;
	s17 =	simm.s32 $0x3800;
	s6 =	smul.u32 $0x700, s0  }
0x5: {  	s18 =	simm.s32 $0x3;
	s21 =	simm.s32 $0x0;
	s9 =	smul.u32 $0x13C00, s0  }
0x6: {  	s10 =	sand.u32 $0x1, s1;
	s1 =	rddreg [dreg:$0x2];
	s28 =	smul.u32 $0x380, s0  }
0x7: {  	[smem:$0x7FF] =	sst s3;
	s4 =	sadd.s32 $0x34600, s5;
	s13 =	smul.u32 $0x4F000, s0  }
0x8: {  	s19 =	sshll.u32 s0, $0x6;
	s7 =	smul.u32 $0x13C000, s10;
	_ =	strace $0x80000047  }
0x9: {  	s29 =	ssub.s32 $0x2, s10;
	p0 =	sne.s32 s10, $0x0;
	s19 =	sor.u32 $0x1C03, s19  }
0xa: {  	s11 =	sadd.s32 s8, s5;
	s12 =	sadd.s32 s6, s5;
	s6 =	sadd.s32 s28, s5  }
0xb: {  	s30 =	sshrl.u32 s29, $0x1;
	s31 =	sshrl.u32 s13, $0x2;
	s8 =	sadd.s32 s4, s8  }
0xc: {  	s13 =	sshll.u32 @!p0 s0, $0x6;
	s7 =	sadd.s32 s9, s7;
	s15 =	ssub.s32 s29, s30  }
0xd: {  	s20 =	sadd.s32 s31, s2;
	s13 =	sor.u32 @!p0 $0x1C03, s13;
	s7 =	sshrl.u32 s7, $0x3  }
0xe: {  	s10 =	smax.u32 s15, $0x1;
	s15 =	simm.s32 $0x2;
	s14 =	sadd.s32 s7, s5  }
0xf: {  	s5 =	sadd.s32 $0x2600, s6;
	s6 =	sadd.s32 $0xCE00, s11;
	s7 =	sadd.s32 $0x5E00, s12  }
0x10: {  	s11 =	sshll.u32 @p0 s0, $0x6;
	s12 =	sshrl.u32 @p0 s20, $0x3;
	s9 =	sadd.s32 $0x5BE00, s14  }
0x11: {  	s11 =	sor.u32 @p0 $0x1C03, s11;
	s14 =	sshrl.u32 @!p0 s20, $0x3;
	s20 =	sshrl.u32 s20, $0x3  }
.LBB2_1:
0x12: {  	s22 =	simm.s32 @p0 $0x0  }
0x13: {  	[tilespmem:s22], [sflag:$0x1] =	stream.linear.gather @p0 [hbm4b:s5+s22], $0x1A00, $0x38;
	[tilespmem:$0x9F80] =	vst v63  }
0x14: {  	s23 =	simm.s32 @p0 $0x3800  }
0x15: {  	[tilespmem:s23], [sflag:$0x2] =	stream.linear.gather @p0 [hbm4b:s4+s22], $0x4000, $0x38;
	[tilespmem:$0x9F80] =	vst v63  }
0x16: {  	s22 =	simm.s32 @p0 $0x3  }
0x17: {  	[spmem:s12], [sflag:s11] =	dma.local @p0 [hbm:s6], $0x2780  }
0x18: {  	_ =	swait.ge @p0 [sflag:s22], $0x2780  }
0x19: {  	[sflag:s22] =	ssyncset.done @p0 $0x0  }
0x1a: {  	[sflag:s22] =	ssyncadd.s32 @p0 $0xFFFFD880;
	s22 =	simm.s32 @p0 $0x1  }
0x1b: {  	_ =	swait.ge @p0 [sflag:s22], $0x1A00  }
0x1c: {  	[sflag:s22] =	ssyncset.done @p0 $0x0  }
0x1d: {  	[sflag:s22] =	ssyncadd.s32 @p0 $0xFFFFE600;
	s22 =	simm.s32 @!p0 $0x0  }
0x1e: {  	[tilespmem:s22], [sflag:$0x1] =	stream.linear.gather @!p0 [hbm4b:s7+s22], $0x3500, $0x38;
	[tilespmem:$0x9F80] =	vst v63  }
0x1f: {  	s23 =	simm.s32 @!p0 $0x3800  }
0x20: {  	[tilespmem:s23], [sflag:$0x2] =	stream.linear.gather @!p0 [hbm4b:s4+s22], $0x4000, $0x38;
	[tilespmem:$0x9F80] =	vst v63  }
0x21: {  	s22 =	simm.s32 @!p0 $0x3  }
0x22: {  	[spmem:s14], [sflag:s13] =	dma.local @!p0 [hbm:s8], $0x2780  }
0x23: {  	_ =	swait.ge @!p0 [sflag:s22], $0x2780  }
0x24: {  	[sflag:s22] =	ssyncset.done @!p0 $0x0  }
0x25: {  	[sflag:s22] =	ssyncadd.s32 @!p0 $0xFFFFD880;
	s22 =	simm.s32 @!p0 $0x1  }
0x26: {  	_ =	swait.ge @!p0 [sflag:s22], $0x3500  }
0x27: {  	[sflag:s22] =	ssyncset.done @!p0 $0x0  }
0x28: {  	[sflag:s22] =	ssyncadd.s32 @!p0 $0xFFFFCB00;
	s22 =	simm.s32 @!p0 $0x6A  }
0x29: {  	_ =	swait.ge [sflag:s15], $0x4000;
	s22 =	simm.s32 @p0 $0x34  }
0x2a: {  	[sflag:s15] =	ssyncset.done $0x0;
	p1 =	sne.s32 s22, $0x1  }
.Ltmp0:
0x2b: {  	[sflag:s15] =	ssyncadd.s32 $0xFFFFC000;
	(pc) =	sbr.rel @!p1 .LBB2_3-.Ltmp0, $4  }
0x2c: {  	[bflag:$0x0] =	sbarrier.arrive $0xFFFF  }
0x2d: {  	[spmem:s2] =	stream.indirect.scatter.add.f32 [tilespmem:s17], [sflag:$0x3], $0x10, s3, s16, $0xb8;
	[tilespmem:$0x9F80] =	vst v63  }
0x2e: {  	_ =	swait.ge [sflag:s18], $0x800  }
0x2f: {  	s23 =	simm.s32 $0x0;
	s22 =	sadd.s32 $0xFFFFFFFF, s22;
	[sflag:s18] =	ssyncset.done $0x0  }
.LBB2_2:
0x30: {  	p1 =	sne.s32 s22, $0x1;
	[sflag:s18] =	ssyncadd.s32 $0xFFFFF800;
	s23 =	sadd.s32 $0x80, s23  }
.Ltmp1:
0x31: {  	s22 =	sadd.s32 $0xFFFFFFFF, s22;
	(pc) =	sbr.rel @p1 .LBB2_2-.Ltmp1, $4  }
0x32: {  	_ = 	snop  }
0x33: {  	[spmem:s2] =	stream.indirect.scatter.add.f32 [tilespmem:s17], [sflag:$0x3], $0x10, s23, s16, $0xb8;
	[tilespmem:$0x9F80] =	vst v63  }
0x34: {  	_ =	swait.ge [sflag:s18], $0x800  }
0x35: {  	[sflag:s18] =	ssyncset.done $0x0  }
.LBB2_3:
0x36: {  	s21 =	sadd.s32 $0x1, s21  }
0x37: {  	[sflag:s18] =	ssyncadd.s32 $0xFFFFF800;
	p1 =	sne.s32 s21, s10  }
.Ltmp2:
0x38: {  	[bflag:$0x0] =	sbarrier.arrive $0xFFFF;
	(pc) =	sbr.rel @p1 .LBB2_1-.Ltmp2, $4  }
0x39: {  	[hbm:s9], [sflag:s19] =	dma.local [spmem:s20], $0x2780  }
0x3a: {  	_ =	swait.ge [sflag:s18], $0x2780  }
0x3b: {  	[sflag:s18] =	ssyncset.done $0x0  }
0x3c: {  	[sflag:s18] =	ssyncadd.s32 $0xFFFFD880  }
0x3d: {  	_ =	sfence.sel $0x180000  }
0x3e: {  	[bflag:$0x0] =	sbarrier.arrive $0xFFFF  }
0x3f: {  	p0 =	sne.s32 s0, $0x0;
	_ =	strace $0x90000047  }
0x40: {  	s0 =	sadd.s32 @!p0 $0x100000, s1;
	[bflag:$0x2] =	sbarrier.arrive $0xFFFF  }
0x41: {  	[sflag:s0] =	ssyncadd.tile.s32 @!p0 $0x1;
	_ =	shalt  }
.Lfunc_end2:
_tile_overlayer_lowered:
.L_overlay_start_2:
0x42: {  	(tag) =	ssettag $0x2  }
0x43: {  	s0 =	rddreg [dreg:$0x0];
	s2 =	stileid.u32  }
0x44: {  	s1 =	rddreg [dreg:$0x1];
	p0 =	sne.s32 s2, $0x0  }
0x45: {  	s3 =	rddreg [dreg:$0x2];
	[bflag:$0x3] =	sbarrier.arrive $0xFFFF;
	s2 =	simm.s32 @!p0 $0x1C03  }
0x46: {  	[timem:s3], [sflag:s2] =	dma.local @!p0 [hbm:s0], s1  }
0x47: {  	s0 =	simm.s32 @!p0 $0x3  }
0x48: {  	_ =	swait.ge @!p0 [sflag:s0], s1  }
0x49: {  	s1 =	ssub.s32 @!p0 $0x0, s1;
	[sflag:s0] =	ssyncset.done @!p0 $0x0  }
0x4a: {  	[sflag:s0] =	ssyncadd.s32 @!p0 s1  }
0x4b: {  	[bflag:$0x3] =	sbarrier.arrive $0xFFFF  }
0x4c: {  	_ =	shalt  }

// kernel: kernel.13.cloned.1.call-start
scs
__scs_entry_jumppad:
0x0: {  	(pc) =	sbr.rel $0x88, $3  }
0x1: {  	(tag) =	ssettag $0x0;
	lr =	simm.s32 $0x1  }
0x2: {  	[smem:$0x3F94] =	sst lr;
	_ =	strace $0xD0000000  }
0x3: {  	_ = 	snop  }
0x4: {  	_ = 	snop  }
0x5: {  	_ = 	snop  }
0x6: {  	_ = 	snop  }
0x7: {  	_ = 	snop  }
__scs_overlays_trampoline_lowered:
0x8: {  	[smem:$0x3FA3] =	sst s0  }
0x9: {  	[smem:$0x3FA4] =	sst s1  }
0xa: {  	[smem:$0x3FA5] =	sst s2  }
0xb: {  	[smem:$0x3FA6] =	sst s3  }
0xc: {  	[smem:$0x3FA7] =	sst s4  }
0xd: {  	[smem:$0x3FA8] =	sst s5  }
0xe: {  	[smem:$0x3FA9] =	sst s6  }
0xf: {  	[smem:$0x3FAA] =	sst s7  }
0x10: {  	[smem:$0x3FAB] =	sst s8  }
0x11: {  	[smem:$0x3FAC] =	sst s9;
	s0 =	simm.s32 @!p0 $0x0  }
0x12: {  	s1 =	sld [smem:$0x3F92];
	s0 =	simm.s32 @p0 $0x1  }
0x13: {  	[smem:$0x3FAD] =	sst s0;
	s0 =	simm.s32 @!p1 $0x0  }
0x14: {  	s2 =	sld [smem:$0x3F91];
	s0 =	simm.s32 @p1 $0x1  }
0x15: {  	[smem:$0x3FAE] =	sst s0;
	s0 =	simm.s32 @!p2 $0x0  }
0x16: {  	s3 =	sld [smem:$0x3FDB];
	s0 =	simm.s32 @p2 $0x1  }
0x17: {  	s4 =	simm.s32 $0x1BF5;
	[smem:$0x3FB0] =	sst s0  }
0x18: {  	s0 =	sld [smem:$0x3F93];
	_ =	swait.ge [sflag:s4], $0x0  }
0x19: {  	s7 =	sld [smem:$0x3F94]  }
0x1a: {  	s8 =	sadd.s32 $0xFFFFE003, lr  }
0x1b: {  	s9 =	sadd.s32 $0xFFFFFEF7, lr;
	s5 =	simm.s32 $0xFFFFFFFF;
	p2 =	slt.u32 s8, $0xFFFFF086  }
0x1c: {  	p1 =	slt.u32 s9, $0xF7A;
	s5 =	simm.s32 @!p2 $0x0  }
0x1d: {  	s5 =	simm.s32 @p1 $0x1;
	p0 =	seq.s32 s7, s2  }
0x1e: {  	s7 =	smul.u32 @!p0 $0xF7A, s2;
	p2 =	seq.s32 @!p0 s5, $0x0  }
0x1f: {  	s9 =	smul.u32 $0xF7A, s1;
	s8 =	simm.s32 @!p0 $0x1BF5;
	p2 =	por !p2, p0  }
0x20: {  	[sflag:s8] =	ssyncset.s32 @!p0 $0xFFFFF086;
	s6 =	sadd.s32 @!p0 s3, s7;
	s7 =	simm.s32 @!p0 $0x108  }
0x21: {  	s3 =	sadd.s32 s3, s9;
	s6 =	sadd.s32 @!p0 $0x88, s6;
	s7 =	simm.s32 @p2 $0x1082  }
0x22: {  	[simem:s7], [sflag:s8] =	dma.local @!p0 [hbm:s6], $0xF7A  }
0x23: {  	s9 =	sor.u32 $0xD0000000, s2;
	s6 =	simm.s32 $0x108;
	_ =	swait.ge @!p0 [sflag:s8], $0x0  }
0x24: {  	s3 =	sadd.s32 $0x88, s3;
	s6 =	simm.s32 @!p1 $0x1082;
	[sflag:s4] =	ssyncset.s32 $0xFFFFF086  }
0x25: {  	[simem:s6], [sflag:s4] =	dma.local [hbm:s3], $0xF7A  }
0x26: {  	[smem:$0x3F94] =	sst s1;
	(tag) =	ssettag s2;
	_ =	strace s9  }
0x27: {  	s1 =	sld [smem:$0x3FA4]  }
0x28: {  	s2 =	sld [smem:$0x3FA5]  }
0x29: {  	s4 =	sld [smem:$0x3FA7]  }
0x2a: {  	p0 =	seq.s32 s5, $0x0;
	s5 =	sld [smem:$0x3FA8]  }
0x2b: {  	s6 =	sld [smem:$0x3FA9]  }
0x2c: {  	s7 =	sld [smem:$0x3FAA]  }
0x2d: {  	s3 =	simm.s32 $0x108;
	s8 =	sld [smem:$0x3FAB]  }
0x2e: {  	s3 =	simm.s32 @!p0 $0x1082;
	s9 =	sld [smem:$0x3FAC]  }
0x2f: {  	lr =	sadd.s32 s0, s3;
	s0 =	sld [smem:$0x3FA3]  }
0x30: {  	s3 =	sld [smem:$0x3FA6]  }
0x31: {  	[smem:$0x3FAF] =	sst s10  }
0x32: {  	s10 =	sld [smem:$0x3FAD];
	_ =	sdelay $0x3  }
0x33: {  	p0 =	seq.s32 s10, $0x1;
	s10 =	sld [smem:$0x3FAF];
	_ =	sdelay $0x3  }
0x34: {  	[smem:$0x3FAF] =	sst s10  }
0x35: {  	s10 =	sld [smem:$0x3FAE];
	_ =	sdelay $0x3  }
0x36: {  	p1 =	seq.s32 s10, $0x1;
	s10 =	sld [smem:$0x3FAF];
	_ =	sdelay $0x3  }
0x37: {  	[smem:$0x3FAF] =	sst s10  }
0x38: {  	s10 =	sld [smem:$0x3FB0]  }
0x39: {  	_ = 	snop;
	(pc) =	sbr.ind lr, $3  }
0x3a: {  	_ = 	snop  }
0x3b: {  	_ = 	snop  }
0x3c: {  	p2 =	seq.s32 s10, $0x1;
	s10 =	sld [smem:$0x3FAF]  }
0x3d: {  	_ =	shalt  }
0x3e: {  	_ =	shalt  }
0x3f: {  	_ =	shalt  }
0x40: {  	_ =	shalt  }
0x41: {  	_ =	shalt  }
0x42: {  	_ =	shalt  }
0x43: {  	_ =	shalt  }
0x44: {  	_ =	shalt  }
0x45: {  	_ =	shalt  }
0x46: {  	_ =	shalt  }
0x47: {  	_ =	shalt  }
0x48: {  	_ =	shalt  }
0x49: {  	_ =	shalt  }
0x4a: {  	_ =	shalt  }
0x4b: {  	_ =	shalt  }
0x4c: {  	_ =	shalt  }
0x4d: {  	_ =	shalt  }
0x4e: {  	_ =	shalt  }
0x4f: {  	_ =	shalt  }
0x50: {  	_ =	shalt  }
0x51: {  	_ =	shalt  }
0x52: {  	_ =	shalt  }
0x53: {  	_ =	shalt  }
0x54: {  	_ =	shalt  }
0x55: {  	_ =	shalt  }
0x56: {  	_ =	shalt  }
0x57: {  	_ =	shalt  }
0x58: {  	_ =	shalt  }
0x59: {  	_ =	shalt  }
0x5a: {  	_ =	shalt  }
0x5b: {  	_ =	shalt  }
0x5c: {  	_ =	shalt  }
0x5d: {  	_ =	shalt  }
0x5e: {  	_ =	shalt  }
0x5f: {  	_ =	shalt  }
0x60: {  	_ =	shalt  }
0x61: {  	_ =	shalt  }
0x62: {  	_ =	shalt  }
0x63: {  	_ =	shalt  }
0x64: {  	_ =	shalt  }
0x65: {  	_ =	shalt  }
0x66: {  	_ =	shalt  }
0x67: {  	_ =	shalt  }
0x68: {  	_ =	shalt  }
0x69: {  	_ =	shalt  }
0x6a: {  	_ =	shalt  }
0x6b: {  	_ =	shalt  }
0x6c: {  	_ =	shalt  }
0x6d: {  	_ =	shalt  }
0x6e: {  	_ =	shalt  }
0x6f: {  	_ =	shalt  }
0x70: {  	_ =	shalt  }
0x71: {  	_ =	shalt  }
0x72: {  	_ =	shalt  }
0x73: {  	_ =	shalt  }
0x74: {  	_ =	shalt  }
0x75: {  	_ =	shalt  }
0x76: {  	_ =	shalt  }
0x77: {  	_ =	shalt  }
0x78: {  	_ =	shalt  }
0x79: {  	_ =	shalt  }
0x7a: {  	_ =	shalt  }
0x7b: {  	_ =	shalt  }
0x7c: {  	_ =	shalt  }
0x7d: {  	_ =	shalt  }
0x7e: {  	_ =	shalt  }
0x7f: {  	_ =	shalt  }
0x80: {  	_ =	shalt  }
0x81: {  	_ =	shalt  }
0x82: {  	_ =	shalt  }
0x83: {  	_ =	shalt  }
0x84: {  	_ =	shalt  }
0x85: {  	_ =	shalt  }
0x86: {  	_ =	shalt  }
0x87: {  	_ =	shalt  }
.Lfunc_end0:
.L_simem_size_0:
called_computation.1_lowered:
.L_overlay_start_0:
0x88: {  	s2 =	sld [smem:$0x3FD9]  }
0x89: {  	s3 =	sld [smem:$0x3FFE];
	_ =	sdelay $0x1  }
0x8a: {  	s1 =	srdreg.scid  }
0x8b: {  	s0 =	sand.u32 $0x1, s1  }
0x8c: {  	s16 =	sshll.u32 s0, $0xA;
	s2 =	sadd.s32 s3, s2  }
0x8d: {  	s2 =	sadd.s32 s2, s16  }
0x8e: {  	[smem:$0x3FBB] =	sst s2  }
0x8f: {  	_ = 	snop  }
0x90: {  	(tm) =	ssettm $0x1  }
0x91: {  	s17 =	sld [smem:$0x3FFB];
	_ =	sdelay $0x3  }
0x92: {  	_ =	strace s17  }
0x93: {  	s2 =	sld [smem:$0x3FFC];
	_ =	sdelay $0x3  }
0x94: {  	_ =	strace s2  }
0x95: {  	s2 =	sld [smem:$0x3FFD];
	_ =	sdelay $0x3  }
0x96: {  	_ =	strace s2  }
0x97: {  	_ =	strace $0x8FFFFFFF  }
0x98: {  	s18 =	sld [smem:$0x3FDB];
	_ =	sdelay $0x1  }
0x99: {  	s19 =	simm.s32 $_scs_section_size  }
0x9a: {  	s4 =	simm.s32 $_size__tile_overlayer_lowered;
	s5 =	simm.s32 $_tile_overlayer_lowered  }
0x9b: {  	s22 =	simm.s32 $0x1BFF;
	s21 =	sshll.u32 s5, $0x1;
	s2 =	sadd.s32 s19, s18  }
0x9c: {  	s6 =	simm.s32 $0x0;
	s20 =	sshll.u32 s4, $0x1;
	s4 =	sadd.s32 s21, s2  }
0x9d: {  	[timem:s6], [sflag:s22] =	dma.local [hbm:s4], s20  }
0x9e: {  	_ =	swait.ge [sflag:s22], s20  }
0x9f: {  	s3 =	ssub.s32 $0x0, s20;
	[sflag:s22] =	ssyncset.done $0x0  }
0xa0: {  	[sflag:s22] =	ssyncadd.s32 s3;
	_ =	sdelay $0x1  }
0xa1: {  	s23 =	simm.s32 $0x1B8B  }
0xa2: {  	_ =	swait.ge [sflag:s23], $0x1  }
0xa3: {  	[sflag:s23] =	ssyncset.done $0x0  }
0xa4: {  	s25 =	simm.s32 $0x1B8E;
	s24 =	sld [smem:$0x3FFE];
	[sflag:s23] =	ssyncadd.s32 $0xFFFFFFFF  }
0xa5: {  	s26 =	simm.s32 $execute0_lowered;
	[smem:$0x3FD2] =	sst s25  }
0xa6: {  	s4 =	sshll.u32 s26, $0x1;
	_ =	strace $0x80000049;
	[dreg:$0x1] =	wrdreg $0xFFFFFFFF  }
0xa7: {  	s28 =	simm.s32 $_size_execute0_lowered;
	s2 =	sadd.s32 s2, s4;
	[dreg:$0x0] =	wrdreg $0x0  }
0xa8: {  	s4 =	sshll.u32 s28, $0x1;
	[dreg:$0x2] =	wrdreg s2  }
0xa9: {  	[dreg:$0x3] =	wrdreg s4  }
0xaa: {  	[dreg:$0x4] =	wrdreg $0xC0  }
0xab: {  	_ =	task [dreg:s6], $0x5FFFF  }
0xac: {  	[dreg:$0x1] =	wrdreg $0xFFFFFFFF  }
0xad: {  	[dreg:$0x0] =	wrdreg $0x60  }
0xae: {  	[dreg:$0x2] =	wrdreg s24  }
0xaf: {  	[dreg:$0x3] =	wrdreg $0xB0000  }
0xb0: {  	[dreg:$0x4] =	wrdreg $0x9  }
0xb1: {  	_ =	task.clear_ibuf [dreg:s6], $0x5FFFF;
	_ =	strace $0x90000049  }
0xb2: {  	s29 =	simm.s32 $0x9;
	_ =	strace $0x8000004B  }
0xb3: {  	_ =	swait.ge [sflag:s29], $0x1  }
0xb4: {  	[sflag:s29] =	ssyncadd.s32 $0xFFFFFFFF  }
0xb5: {  	_ =	strace $0x9000004B  }
0xb6: {  	_ =	sfence  }
0xb7: {  	s30 =	sld [smem:$0x0];
	_ =	sdelay $0x2  }
0xb8: {  	s31 =	sshll.u32 s1, $0xD;
	s1 =	sshrl.u32 s1, $0x2  }
0xb9: {  	s3 =	sand.u32 $0x4000, s31;
	s1 =	sadd.s32 s1, s30  }
0xba: {  	s0 =	sor.u32 s3, s0;
	s1 =	sshll.u32 s1, $0x11  }
0xbb: {  	s0 =	sor.u32 s1, s0  }
0xbc: {  	s0 =	sadd.s32 $0x8F2B, s0  }
0xbd: {  	[sflag:s0] =	ssyncadd.remote.s32 $0x1  }
0xbe: {  	_ =	sfence.sel $0xFFFF  }
0xbf: {  	[dreg:$0x0] =	wrdreg $0xFFFFFFFF;
	(pc) =	sbr.abs _section_cstart, $3  }
0xc0: {  	[dreg:$0x1] =	wrdreg $0xFFFFFFFF  }
0xc1: {  	_ =	task.clear_ibuf [dreg:s6], $0x2FFFF;
	_ =	strace $0x9FFFFFFF  }
0xc2: {  	(tm) =	ssettm $0x7FFFFFFF  }
0xc3: {  	_ =	shalt  }
tec
execute0_lowered:
.L_overlay_start_1:
0x0: {  	(tag) =	ssettag $0x1  }
0x1: {  	s5 =	rddreg [dreg:$0x0]  }
0x2: {  	s2 =	rddreg [dreg:$0x1];
	s1 =	stileid.u32  }
0x3: {  	s0 =	rddreg [dreg:$0x2];
	s11 =	smul.u32 $0x2780, s1  }
0x4: {  	s4 =	srdreg.scid;
	s3 =	simm.s32 $0x0;
	s6 =	smul.u32 $0x700, s1  }
0x5: {  	s18 =	simm.s32 $0x80;
	s19 =	simm.s32 $0x7000;
	s8 =	smul.u32 $0x13C00, s1  }
0x6: {  	s20 =	simm.s32 $0x3;
	s21 =	simm.s32 $0x4;
	s29 =	smul.u32 $0x380, s1  }
0x7: {  	s22 =	simm.s32 $0x0;
	s13 =	sand.u32 $0x1, s4;
	s12 =	smul.u32 $0x4F000, s1  }
0x8: {  	[smem:$0x7FF] =	sst s3;
	s4 =	sadd.s32 $0xCE00, s5;
	s7 =	smul.u32 $0x13C000, s13  }
0x9: {  	_ =	strace $0x8000004A;
	s30 =	ssub.s32 $0x2, s13;
	p0 =	sne.s32 s13, $0x0  }
0xa: {  	s9 =	sadd.s32 s11, s5;
	s10 =	sadd.s32 s6, s5;
	s6 =	sadd.s32 s29, s5  }
0xb: {  	s14 =	sshrl.u32 s30, $0x1;
	s31 =	sshrl.u32 s12, $0x2;
	s11 =	sadd.s32 s4, s11  }
0xc: {  	s16 =	sshll.u32 @!p0 s1, $0x6;
	s7 =	sadd.s32 s8, s7;
	s14 =	ssub.s32 s30, s14  }
0xd: {  	s8 =	sadd.s32 $0x34600, s9;
	s9 =	sadd.s32 $0xAE600, s10;
	s10 =	sadd.s32 $0x5E00, s10  }
0xe: {  	s16 =	sor.u32 @!p0 $0x1C04, s16;
	s7 =	sshrl.u32 s7, $0x3;
	s13 =	smax.u32 s14, $0x1  }
0xf: {  	s14 =	sshll.u32 @p0 s1, $0x6;
	s15 =	sadd.s32 s7, s5;
	s5 =	sadd.s32 $0xAAE00, s6  }
0x10: {  	s6 =	sadd.s32 $0x2600, s6;
	s7 =	sadd.s32 s31, s2;
	s14 =	sor.u32 @p0 $0x1C04, s14  }
0x11: {  	s12 =	sadd.s32 $0x5BE00, s15;
	s15 =	sshrl.u32 @p0 s7, $0x3;
	s17 =	sshrl.u32 @!p0 s7, $0x3  }
.LBB2_1:
0x12: {  	s23 =	simm.s32 @p0 $0x0  }
0x13: {  	[tilespmem:s23], [sflag:$0x1] =	stream.linear.gather @p0 [hbm4b:s5+s23], $0x1A00, $0x38;
	[tilespmem:$0x1EC00] =	vst v63  }
0x14: {  	s24 =	simm.s32 @p0 $0x3800  }
0x15: {  	[tilespmem:s24], [sflag:$0x2] =	stream.linear.gather @p0 [hbm4b:s6+s23], $0x1A00, $0x38;
	[tilespmem:$0x1EC00] =	vst v63  }
0x16: {  	s23 =	simm.s32 @p0 $0x4  }
0x17: {  	[spmem:s15], [sflag:s14] =	dma.local @p0 [hbm:s8], $0x2780  }
0x18: {  	_ =	swait.ge @p0 [sflag:s23], $0x2780  }
0x19: {  	[sflag:s23] =	ssyncset.done @p0 $0x0  }
0x1a: {  	[sflag:s23] =	ssyncadd.s32 @p0 $0xFFFFD880;
	s23 =	simm.s32 @p0 $0x1  }
0x1b: {  	_ =	swait.ge @p0 [sflag:s23], $0x1A00  }
0x1c: {  	[sflag:s23] =	ssyncset.done @p0 $0x0  }
0x1d: {  	[sflag:s23] =	ssyncadd.s32 @p0 $0xFFFFE600;
	s23 =	simm.s32 @p0 $0x2  }
0x1e: {  	_ =	swait.ge @p0 [sflag:s23], $0x1A00  }
0x1f: {  	[sflag:s23] =	ssyncset.done @p0 $0x0  }
0x20: {  	[sflag:s23] =	ssyncadd.s32 @p0 $0xFFFFE600;
	s23 =	simm.s32 @!p0 $0x0  }
0x21: {  	[tilespmem:s23], [sflag:$0x1] =	stream.linear.gather @!p0 [hbm4b:s9+s23], $0x3500, $0x38;
	[tilespmem:$0x1EC00] =	vst v63  }
0x22: {  	s24 =	simm.s32 @!p0 $0x3800  }
0x23: {  	[tilespmem:s24], [sflag:$0x2] =	stream.linear.gather @!p0 [hbm4b:s10+s23], $0x3500, $0x38;
	[tilespmem:$0x1EC00] =	vst v63  }
0x24: {  	s23 =	simm.s32 @!p0 $0x4  }
0x25: {  	[spmem:s17], [sflag:s16] =	dma.local @!p0 [hbm:s11], $0x2780  }
0x26: {  	_ =	swait.ge @!p0 [sflag:s23], $0x2780  }
0x27: {  	[sflag:s23] =	ssyncset.done @!p0 $0x0  }
0x28: {  	[sflag:s23] =	ssyncadd.s32 @!p0 $0xFFFFD880;
	s23 =	simm.s32 @!p0 $0x1  }
0x29: {  	_ =	swait.ge @!p0 [sflag:s23], $0x3500  }
0x2a: {  	[sflag:s23] =	ssyncset.done @!p0 $0x0  }
0x2b: {  	[sflag:s23] =	ssyncadd.s32 @!p0 $0xFFFFCB00;
	s23 =	simm.s32 @!p0 $0x2  }
0x2c: {  	_ =	swait.ge @!p0 [sflag:s23], $0x3500  }
0x2d: {  	[sflag:s23] =	ssyncset.done @!p0 $0x0  }
0x2e: {  	s24 =	simm.s32 @!p0 $0x6A;
	[sflag:s23] =	ssyncadd.s32 @!p0 $0xFFFFCB00  }
0x2f: {  	s24 =	simm.s32 @p0 $0x34;
	[bflag:$0x0] =	sbarrier.arrive $0xFFFF  }
0x30: {  	[tilespmem:s19], [sflag:$0x3] =	stream.indirect.gather [hbm4b:s4+s18], $0x80, s3, s18, $0xb8;
	[tilespmem:$0x1EC00] =	vst v63  }
0x31: {  	p1 =	sne.s32 s24, $0x1;
	_ =	swait.ge [sflag:s20], $0x4000  }
.Ltmp0:
0x32: {  	[sflag:s20] =	ssyncset.done $0x0;
	(pc) =	sbr.rel @!p1 .LBB2_3-.Ltmp0, $4  }
0x33: {  	s23 =	simm.s32 $0x3800;
	[sflag:s20] =	ssyncadd.s32 $0xFFFFC000  }
0x34: {  	[spmem:s2] =	stream.indirect.scatter.add.f32 [tilespmem:s19], [sflag:$0x4], $0x80, s23, s18, $0xb8;
	[tilespmem:$0x1EC00] =	vst v63  }
0x35: {  	_ =	swait.ge [sflag:s21], $0x4000  }
0x36: {  	s25 =	simm.s32 $0x0;
	s24 =	sadd.s32 $0xFFFFFFFF, s24;
	[sflag:s21] =	ssyncset.done $0x0  }
.LBB2_2:
0x37: {  	[sflag:s21] =	ssyncadd.s32 $0xFFFFC000;
	s25 =	sadd.s32 $0x80, s25;
	s23 =	sadd.s32 $0x80, s23  }
0x38: {  	[tilespmem:s19], [sflag:$0x3] =	stream.indirect.gather [hbm4b:s4+s18], $0x80, s25, s18, $0xb8;
	[tilespmem:$0x1EC00] =	vst v63  }
0x39: {  	p1 =	sne.s32 s24, $0x1;
	s24 =	sadd.s32 $0xFFFFFFFF, s24;
	_ =	swait.ge [sflag:s20], $0x4000  }
.Ltmp1:
0x3a: {  	[sflag:s20] =	ssyncset.done $0x0;
	(pc) =	sbr.rel @p1 .LBB2_2-.Ltmp1, $4  }
0x3b: {  	[sflag:s20] =	ssyncadd.s32 $0xFFFFC000  }
0x3c: {  	[spmem:s2] =	stream.indirect.scatter.add.f32 [tilespmem:s19], [sflag:$0x4], $0x80, s23, s18, $0xb8;
	[tilespmem:$0x1EC00] =	vst v63  }
0x3d: {  	_ =	swait.ge [sflag:s21], $0x4000  }
0x3e: {  	[sflag:s21] =	ssyncset.done $0x0  }
.LBB2_3:
0x3f: {  	[sflag:s21] =	ssyncadd.s32 $0xFFFFC000;
	s22 =	sadd.s32 $0x1, s22  }
0x40: {  	s23 =	sshll.u32 s1, $0x6;
	s24 =	sshrl.u32 s7, $0x3;
	p1 =	sne.s32 s22, s13  }
.Ltmp2:
0x41: {  	[bflag:$0x0] =	sbarrier.arrive $0xFFFF;
	s23 =	sor.u32 $0x1C04, s23;
	(pc) =	sbr.rel @p1 .LBB2_1-.Ltmp2, $4  }
0x42: {  	[hbm:s12], [sflag:s23] =	dma.local [spmem:s24], $0x2780  }
0x43: {  	_ =	swait.ge [sflag:s21], $0x2780  }
0x44: {  	[sflag:s21] =	ssyncset.done $0x0  }
0x45: {  	[sflag:s21] =	ssyncadd.s32 $0xFFFFD880  }
0x46: {  	_ =	sfence.sel $0x180000  }
0x47: {  	[bflag:$0x0] =	sbarrier.arrive $0xFFFF  }
0x48: {  	p0 =	sne.s32 s1, $0x0;
	_ =	strace $0x9000004A  }
0x49: {  	s0 =	sadd.s32 @!p0 $0x100000, s0;
	[bflag:$0x2] =	sbarrier.arrive $0xFFFF  }
0x4a: {  	[sflag:s0] =	ssyncadd.tile.s32 @!p0 $0x1;
	_ =	shalt  }
.Lfunc_end2:
_tile_overlayer_lowered:
.L_overlay_start_2:
0x4b: {  	(tag) =	ssettag $0x2  }
0x4c: {  	s0 =	rddreg [dreg:$0x0];
	s2 =	stileid.u32  }
0x4d: {  	s1 =	rddreg [dreg:$0x1];
	p0 =	sne.s32 s2, $0x0  }
0x4e: {  	s3 =	rddreg [dreg:$0x2];
	[bflag:$0x3] =	sbarrier.arrive $0xFFFF;
	s2 =	simm.s32 @!p0 $0x1C04  }
0x4f: {  	[timem:s3], [sflag:s2] =	dma.local @!p0 [hbm:s0], s1  }
0x50: {  	s0 =	simm.s32 @!p0 $0x4  }
0x51: {  	_ =	swait.ge @!p0 [sflag:s0], s1  }
0x52: {  	s1 =	ssub.s32 @!p0 $0x0, s1;
	[sflag:s0] =	ssyncset.done @!p0 $0x0  }
0x53: {  	[sflag:s0] =	ssyncadd.s32 @!p0 s1  }
0x54: {  	[bflag:$0x3] =	sbarrier.arrive $0xFFFF  }
0x55: {  	_ =	shalt  }

// kernel: kernel.16.cloned.1.call-start
scs
__scs_entry_jumppad:
0x0: {  	(pc) =	sbr.rel $0x88, $3  }
0x1: {  	(tag) =	ssettag $0x0;
	lr =	simm.s32 $0x1  }
0x2: {  	[smem:$0x3F94] =	sst lr;
	_ =	strace $0xD0000000  }
0x3: {  	_ = 	snop  }
0x4: {  	_ = 	snop  }
0x5: {  	_ = 	snop  }
0x6: {  	_ = 	snop  }
0x7: {  	_ = 	snop  }
__scs_overlays_trampoline_lowered:
0x8: {  	[smem:$0x3FA3] =	sst s0  }
0x9: {  	[smem:$0x3FA4] =	sst s1  }
0xa: {  	[smem:$0x3FA5] =	sst s2  }
0xb: {  	[smem:$0x3FA6] =	sst s3  }
0xc: {  	[smem:$0x3FA7] =	sst s4  }
0xd: {  	[smem:$0x3FA8] =	sst s5  }
0xe: {  	[smem:$0x3FA9] =	sst s6  }
0xf: {  	[smem:$0x3FAA] =	sst s7  }
0x10: {  	[smem:$0x3FAB] =	sst s8  }
0x11: {  	[smem:$0x3FAC] =	sst s9;
	s0 =	simm.s32 @!p0 $0x0  }
0x12: {  	s1 =	sld [smem:$0x3F92];
	s0 =	simm.s32 @p0 $0x1  }
0x13: {  	[smem:$0x3FAD] =	sst s0;
	s0 =	simm.s32 @!p1 $0x0  }
0x14: {  	s2 =	sld [smem:$0x3F91];
	s0 =	simm.s32 @p1 $0x1  }
0x15: {  	[smem:$0x3FAE] =	sst s0;
	s0 =	simm.s32 @!p2 $0x0  }
0x16: {  	s3 =	sld [smem:$0x3FDB];
	s0 =	simm.s32 @p2 $0x1  }
0x17: {  	s4 =	simm.s32 $0x1BF5;
	[smem:$0x3FB0] =	sst s0  }
0x18: {  	s0 =	sld [smem:$0x3F93];
	_ =	swait.ge [sflag:s4], $0x0  }
0x19: {  	s7 =	sld [smem:$0x3F94]  }
0x1a: {  	s8 =	sadd.s32 $0xFFFFE003, lr  }
0x1b: {  	s9 =	sadd.s32 $0xFFFFFEF7, lr;
	s5 =	simm.s32 $0xFFFFFFFF;
	p2 =	slt.u32 s8, $0xFFFFF086  }
0x1c: {  	p1 =	slt.u32 s9, $0xF7A;
	s5 =	simm.s32 @!p2 $0x0  }
0x1d: {  	s5 =	simm.s32 @p1 $0x1;
	p0 =	seq.s32 s7, s2  }
0x1e: {  	s7 =	smul.u32 @!p0 $0xF7A, s2;
	p2 =	seq.s32 @!p0 s5, $0x0  }
0x1f: {  	s9 =	smul.u32 $0xF7A, s1;
	s8 =	simm.s32 @!p0 $0x1BF5;
	p2 =	por !p2, p0  }
0x20: {  	[sflag:s8] =	ssyncset.s32 @!p0 $0xFFFFF086;
	s6 =	sadd.s32 @!p0 s3, s7;
	s7 =	simm.s32 @!p0 $0x108  }
0x21: {  	s3 =	sadd.s32 s3, s9;
	s6 =	sadd.s32 @!p0 $0x88, s6;
	s7 =	simm.s32 @p2 $0x1082  }
0x22: {  	[simem:s7], [sflag:s8] =	dma.local @!p0 [hbm:s6], $0xF7A  }
0x23: {  	s9 =	sor.u32 $0xD0000000, s2;
	s6 =	simm.s32 $0x108;
	_ =	swait.ge @!p0 [sflag:s8], $0x0  }
0x24: {  	s3 =	sadd.s32 $0x88, s3;
	s6 =	simm.s32 @!p1 $0x1082;
	[sflag:s4] =	ssyncset.s32 $0xFFFFF086  }
0x25: {  	[simem:s6], [sflag:s4] =	dma.local [hbm:s3], $0xF7A  }
0x26: {  	[smem:$0x3F94] =	sst s1;
	(tag) =	ssettag s2;
	_ =	strace s9  }
0x27: {  	s1 =	sld [smem:$0x3FA4]  }
0x28: {  	s2 =	sld [smem:$0x3FA5]  }
0x29: {  	s4 =	sld [smem:$0x3FA7]  }
0x2a: {  	p0 =	seq.s32 s5, $0x0;
	s5 =	sld [smem:$0x3FA8]  }
0x2b: {  	s6 =	sld [smem:$0x3FA9]  }
0x2c: {  	s7 =	sld [smem:$0x3FAA]  }
0x2d: {  	s3 =	simm.s32 $0x108;
	s8 =	sld [smem:$0x3FAB]  }
0x2e: {  	s3 =	simm.s32 @!p0 $0x1082;
	s9 =	sld [smem:$0x3FAC]  }
0x2f: {  	lr =	sadd.s32 s0, s3;
	s0 =	sld [smem:$0x3FA3]  }
0x30: {  	s3 =	sld [smem:$0x3FA6]  }
0x31: {  	[smem:$0x3FAF] =	sst s10  }
0x32: {  	s10 =	sld [smem:$0x3FAD];
	_ =	sdelay $0x3  }
0x33: {  	p0 =	seq.s32 s10, $0x1;
	s10 =	sld [smem:$0x3FAF];
	_ =	sdelay $0x3  }
0x34: {  	[smem:$0x3FAF] =	sst s10  }
0x35: {  	s10 =	sld [smem:$0x3FAE];
	_ =	sdelay $0x3  }
0x36: {  	p1 =	seq.s32 s10, $0x1;
	s10 =	sld [smem:$0x3FAF];
	_ =	sdelay $0x3  }
0x37: {  	[smem:$0x3FAF] =	sst s10  }
0x38: {  	s10 =	sld [smem:$0x3FB0]  }
0x39: {  	_ = 	snop;
	(pc) =	sbr.ind lr, $3  }
0x3a: {  	_ = 	snop  }
0x3b: {  	_ = 	snop  }
0x3c: {  	p2 =	seq.s32 s10, $0x1;
	s10 =	sld [smem:$0x3FAF]  }
0x3d: {  	_ =	shalt  }
0x3e: {  	_ =	shalt  }
0x3f: {  	_ =	shalt  }
0x40: {  	_ =	shalt  }
0x41: {  	_ =	shalt  }
0x42: {  	_ =	shalt  }
0x43: {  	_ =	shalt  }
0x44: {  	_ =	shalt  }
0x45: {  	_ =	shalt  }
0x46: {  	_ =	shalt  }
0x47: {  	_ =	shalt  }
0x48: {  	_ =	shalt  }
0x49: {  	_ =	shalt  }
0x4a: {  	_ =	shalt  }
0x4b: {  	_ =	shalt  }
0x4c: {  	_ =	shalt  }
0x4d: {  	_ =	shalt  }
0x4e: {  	_ =	shalt  }
0x4f: {  	_ =	shalt  }
0x50: {  	_ =	shalt  }
0x51: {  	_ =	shalt  }
0x52: {  	_ =	shalt  }
0x53: {  	_ =	shalt  }
0x54: {  	_ =	shalt  }
0x55: {  	_ =	shalt  }
0x56: {  	_ =	shalt  }
0x57: {  	_ =	shalt  }
0x58: {  	_ =	shalt  }
0x59: {  	_ =	shalt  }
0x5a: {  	_ =	shalt  }
0x5b: {  	_ =	shalt  }
0x5c: {  	_ =	shalt  }
0x5d: {  	_ =	shalt  }
0x5e: {  	_ =	shalt  }
0x5f: {  	_ =	shalt  }
0x60: {  	_ =	shalt  }
0x61: {  	_ =	shalt  }
0x62: {  	_ =	shalt  }
0x63: {  	_ =	shalt  }
0x64: {  	_ =	shalt  }
0x65: {  	_ =	shalt  }
0x66: {  	_ =	shalt  }
0x67: {  	_ =	shalt  }
0x68: {  	_ =	shalt  }
0x69: {  	_ =	shalt  }
0x6a: {  	_ =	shalt  }
0x6b: {  	_ =	shalt  }
0x6c: {  	_ =	shalt  }
0x6d: {  	_ =	shalt  }
0x6e: {  	_ =	shalt  }
0x6f: {  	_ =	shalt  }
0x70: {  	_ =	shalt  }
0x71: {  	_ =	shalt  }
0x72: {  	_ =	shalt  }
0x73: {  	_ =	shalt  }
0x74: {  	_ =	shalt  }
0x75: {  	_ =	shalt  }
0x76: {  	_ =	shalt  }
0x77: {  	_ =	shalt  }
0x78: {  	_ =	shalt  }
0x79: {  	_ =	shalt  }
0x7a: {  	_ =	shalt  }
0x7b: {  	_ =	shalt  }
0x7c: {  	_ =	shalt  }
0x7d: {  	_ =	shalt  }
0x7e: {  	_ =	shalt  }
0x7f: {  	_ =	shalt  }
0x80: {  	_ =	shalt  }
0x81: {  	_ =	shalt  }
0x82: {  	_ =	shalt  }
0x83: {  	_ =	shalt  }
0x84: {  	_ =	shalt  }
0x85: {  	_ =	shalt  }
0x86: {  	_ =	shalt  }
0x87: {  	_ =	shalt  }
.Lfunc_end0:
.L_simem_size_0:
called_computation.2_lowered:
.L_overlay_start_0:
0x88: {  	s2 =	sld [smem:$0x3FD9]  }
0x89: {  	s3 =	sld [smem:$0x3FFE];
	_ =	sdelay $0x1  }
0x8a: {  	s1 =	srdreg.scid  }
0x8b: {  	s0 =	sand.u32 $0x1, s1  }
0x8c: {  	s16 =	sshll.u32 s0, $0xA;
	s2 =	sadd.s32 s3, s2  }
0x8d: {  	s2 =	sadd.s32 s2, s16  }
0x8e: {  	[smem:$0x3FBB] =	sst s2  }
0x8f: {  	_ = 	snop  }
0x90: {  	(tm) =	ssettm $0x1  }
0x91: {  	s17 =	sld [smem:$0x3FFB];
	_ =	sdelay $0x3  }
0x92: {  	_ =	strace s17  }
0x93: {  	s2 =	sld [smem:$0x3FFC];
	_ =	sdelay $0x3  }
0x94: {  	_ =	strace s2  }
0x95: {  	s2 =	sld [smem:$0x3FFD];
	_ =	sdelay $0x3  }
0x96: {  	_ =	strace s2  }
0x97: {  	_ =	strace $0x8FFFFFFF  }
0x98: {  	s18 =	sld [smem:$0x3FDB];
	_ =	sdelay $0x1  }
0x99: {  	s19 =	simm.s32 $_scs_section_size  }
0x9a: {  	s4 =	simm.s32 $_size__tile_overlayer_lowered;
	s5 =	simm.s32 $_tile_overlayer_lowered  }
0x9b: {  	s22 =	simm.s32 $0x1BFF;
	s21 =	sshll.u32 s5, $0x1;
	s2 =	sadd.s32 s19, s18  }
0x9c: {  	s6 =	simm.s32 $0x0;
	s20 =	sshll.u32 s4, $0x1;
	s4 =	sadd.s32 s21, s2  }
0x9d: {  	[timem:s6], [sflag:s22] =	dma.local [hbm:s4], s20  }
0x9e: {  	_ =	swait.ge [sflag:s22], s20  }
0x9f: {  	s3 =	ssub.s32 $0x0, s20;
	[sflag:s22] =	ssyncset.done $0x0  }
0xa0: {  	[sflag:s22] =	ssyncadd.s32 s3;
	_ =	sdelay $0x1  }
0xa1: {  	s23 =	simm.s32 $0x1B8B  }
0xa2: {  	_ =	swait.ge [sflag:s23], $0x1  }
0xa3: {  	[sflag:s23] =	ssyncset.done $0x0  }
0xa4: {  	s25 =	simm.s32 $0x1B8E;
	s24 =	sld [smem:$0x3FFE];
	[sflag:s23] =	ssyncadd.s32 $0xFFFFFFFF  }
0xa5: {  	s26 =	simm.s32 $execute0_lowered;
	[smem:$0x3FD2] =	sst s25  }
0xa6: {  	s4 =	sshll.u32 s26, $0x1;
	_ =	strace $0x8000004C;
	[dreg:$0x1] =	wrdreg $0xFFFFFFFF  }
0xa7: {  	s28 =	simm.s32 $_size_execute0_lowered;
	s2 =	sadd.s32 s2, s4;
	[dreg:$0x0] =	wrdreg $0x0  }
0xa8: {  	s4 =	sshll.u32 s28, $0x1;
	[dreg:$0x2] =	wrdreg s2  }
0xa9: {  	[dreg:$0x3] =	wrdreg s4  }
0xaa: {  	[dreg:$0x4] =	wrdreg $0xC0  }
0xab: {  	_ =	task [dreg:s6], $0x5FFFF  }
0xac: {  	[dreg:$0x1] =	wrdreg $0xFFFFFFFF  }
0xad: {  	[dreg:$0x0] =	wrdreg $0x60  }
0xae: {  	[dreg:$0x2] =	wrdreg s24  }
0xaf: {  	[dreg:$0x3] =	wrdreg $0xB0000  }
0xb0: {  	[dreg:$0x4] =	wrdreg $0x9  }
0xb1: {  	_ =	task.clear_ibuf [dreg:s6], $0x5FFFF;
	_ =	strace $0x9000004C  }
0xb2: {  	s29 =	simm.s32 $0x9;
	_ =	strace $0x8000004E  }
0xb3: {  	_ =	swait.ge [sflag:s29], $0x1  }
0xb4: {  	[sflag:s29] =	ssyncadd.s32 $0xFFFFFFFF  }
0xb5: {  	_ =	strace $0x9000004E  }
0xb6: {  	_ =	sfence  }
0xb7: {  	s30 =	sld [smem:$0x0];
	_ =	sdelay $0x2  }
0xb8: {  	s31 =	sshll.u32 s1, $0xD;
	s1 =	sshrl.u32 s1, $0x2  }
0xb9: {  	s3 =	sand.u32 $0x4000, s31;
	s1 =	sadd.s32 s1, s30  }
0xba: {  	s0 =	sor.u32 s3, s0;
	s1 =	sshll.u32 s1, $0x11  }
0xbb: {  	s0 =	sor.u32 s1, s0  }
0xbc: {  	s0 =	sadd.s32 $0x8F2B, s0  }
0xbd: {  	[sflag:s0] =	ssyncadd.remote.s32 $0x1  }
0xbe: {  	_ =	sfence.sel $0xFFFF  }
0xbf: {  	[dreg:$0x0] =	wrdreg $0xFFFFFFFF;
	(pc) =	sbr.abs _section_cstart, $3  }
0xc0: {  	[dreg:$0x1] =	wrdreg $0xFFFFFFFF  }
0xc1: {  	_ =	task.clear_ibuf [dreg:s6], $0x2FFFF;
	_ =	strace $0x9FFFFFFF  }
0xc2: {  	(tm) =	ssettm $0x7FFFFFFF  }
0xc3: {  	_ =	shalt  }
tec
execute0_lowered:
.L_overlay_start_1:
0x0: {  	(tag) =	ssettag $0x1  }
0x1: {  	s5 =	rddreg [dreg:$0x0]  }
0x2: {  	s2 =	rddreg [dreg:$0x1];
	s1 =	stileid.u32  }
0x3: {  	s0 =	rddreg [dreg:$0x2];
	s11 =	smul.u32 $0x2780, s1  }
0x4: {  	s4 =	srdreg.scid;
	s3 =	simm.s32 $0x0;
	s6 =	smul.u32 $0x700, s1  }
0x5: {  	s18 =	simm.s32 $0x80;
	s19 =	simm.s32 $0x7000;
	s8 =	smul.u32 $0x13C00, s1  }
0x6: {  	s20 =	simm.s32 $0x3;
	s21 =	simm.s32 $0x4;
	s29 =	smul.u32 $0x380, s1  }
0x7: {  	s22 =	simm.s32 $0x0;
	s13 =	sand.u32 $0x1, s4;
	s12 =	smul.u32 $0x4F000, s1  }
0x8: {  	[smem:$0x7FF] =	sst s3;
	s4 =	sadd.s32 $0xCE00, s5;
	s7 =	smul.u32 $0x13C000, s13  }
0x9: {  	_ =	strace $0x8000004D;
	s30 =	ssub.s32 $0x2, s13;
	p0 =	sne.s32 s13, $0x0  }
0xa: {  	s9 =	sadd.s32 s11, s5;
	s10 =	sadd.s32 s6, s5;
	s6 =	sadd.s32 s29, s5  }
0xb: {  	s14 =	sshrl.u32 s30, $0x1;
	s31 =	sshrl.u32 s12, $0x2;
	s11 =	sadd.s32 s4, s11  }
0xc: {  	s16 =	sshll.u32 @!p0 s1, $0x6;
	s7 =	sadd.s32 s8, s7;
	s14 =	ssub.s32 s30, s14  }
0xd: {  	s8 =	sadd.s32 $0x34600, s9;
	s9 =	sadd.s32 $0xAE600, s10;
	s10 =	sadd.s32 $0x5E00, s10  }
0xe: {  	s16 =	sor.u32 @!p0 $0x1C04, s16;
	s7 =	sshrl.u32 s7, $0x3;
	s13 =	smax.u32 s14, $0x1  }
0xf: {  	s14 =	sshll.u32 @p0 s1, $0x6;
	s15 =	sadd.s32 s7, s5;
	s5 =	sadd.s32 $0xAAE00, s6  }
0x10: {  	s6 =	sadd.s32 $0x2600, s6;
	s7 =	sadd.s32 s31, s2;
	s14 =	sor.u32 @p0 $0x1C04, s14  }
0x11: {  	s12 =	sadd.s32 $0x5BE00, s15;
	s15 =	sshrl.u32 @p0 s7, $0x3;
	s17 =	sshrl.u32 @!p0 s7, $0x3  }
.LBB2_1:
0x12: {  	s23 =	simm.s32 @p0 $0x0  }
0x13: {  	[tilespmem:s23], [sflag:$0x1] =	stream.linear.gather @p0 [hbm4b:s5+s23], $0x1A00, $0x38;
	[tilespmem:$0x1EC00] =	vst v63  }
0x14: {  	s24 =	simm.s32 @p0 $0x3800  }
0x15: {  	[tilespmem:s24], [sflag:$0x2] =	stream.linear.gather @p0 [hbm4b:s6+s23], $0x1A00, $0x38;
	[tilespmem:$0x1EC00] =	vst v63  }
0x16: {  	s23 =	simm.s32 @p0 $0x4  }
0x17: {  	[spmem:s15], [sflag:s14] =	dma.local @p0 [hbm:s8], $0x2780  }
0x18: {  	_ =	swait.ge @p0 [sflag:s23], $0x2780  }
0x19: {  	[sflag:s23] =	ssyncset.done @p0 $0x0  }
0x1a: {  	[sflag:s23] =	ssyncadd.s32 @p0 $0xFFFFD880;
	s23 =	simm.s32 @p0 $0x1  }
0x1b: {  	_ =	swait.ge @p0 [sflag:s23], $0x1A00  }
0x1c: {  	[sflag:s23] =	ssyncset.done @p0 $0x0  }
0x1d: {  	[sflag:s23] =	ssyncadd.s32 @p0 $0xFFFFE600;
	s23 =	simm.s32 @p0 $0x2  }
0x1e: {  	_ =	swait.ge @p0 [sflag:s23], $0x1A00  }
0x1f: {  	[sflag:s23] =	ssyncset.done @p0 $0x0  }
0x20: {  	[sflag:s23] =	ssyncadd.s32 @p0 $0xFFFFE600;
	s23 =	simm.s32 @!p0 $0x0  }
0x21: {  	[tilespmem:s23], [sflag:$0x1] =	stream.linear.gather @!p0 [hbm4b:s9+s23], $0x3500, $0x38;
	[tilespmem:$0x1EC00] =	vst v63  }
0x22: {  	s24 =	simm.s32 @!p0 $0x3800  }
0x23: {  	[tilespmem:s24], [sflag:$0x2] =	stream.linear.gather @!p0 [hbm4b:s10+s23], $0x3500, $0x38;
	[tilespmem:$0x1EC00] =	vst v63  }
0x24: {  	s23 =	simm.s32 @!p0 $0x4  }
0x25: {  	[spmem:s17], [sflag:s16] =	dma.local @!p0 [hbm:s11], $0x2780  }
0x26: {  	_ =	swait.ge @!p0 [sflag:s23], $0x2780  }
0x27: {  	[sflag:s23] =	ssyncset.done @!p0 $0x0  }
0x28: {  	[sflag:s23] =	ssyncadd.s32 @!p0 $0xFFFFD880;
	s23 =	simm.s32 @!p0 $0x1  }
0x29: {  	_ =	swait.ge @!p0 [sflag:s23], $0x3500  }
0x2a: {  	[sflag:s23] =	ssyncset.done @!p0 $0x0  }
0x2b: {  	[sflag:s23] =	ssyncadd.s32 @!p0 $0xFFFFCB00;
	s23 =	simm.s32 @!p0 $0x2  }
0x2c: {  	_ =	swait.ge @!p0 [sflag:s23], $0x3500  }
0x2d: {  	[sflag:s23] =	ssyncset.done @!p0 $0x0  }
0x2e: {  	s24 =	simm.s32 @!p0 $0x6A;
	[sflag:s23] =	ssyncadd.s32 @!p0 $0xFFFFCB00  }
0x2f: {  	s24 =	simm.s32 @p0 $0x34;
	[bflag:$0x0] =	sbarrier.arrive $0xFFFF  }
0x30: {  	[tilespmem:s19], [sflag:$0x3] =	stream.indirect.gather [hbm4b:s4+s18], $0x80, s3, s18, $0xb8;
	[tilespmem:$0x1EC00] =	vst v63  }
0x31: {  	p1 =	sne.s32 s24, $0x1;
	_ =	swait.ge [sflag:s20], $0x4000  }
.Ltmp0:
0x32: {  	[sflag:s20] =	ssyncset.done $0x0;
	(pc) =	sbr.rel @!p1 .LBB2_3-.Ltmp0, $4  }
0x33: {  	s23 =	simm.s32 $0x3800;
	[sflag:s20] =	ssyncadd.s32 $0xFFFFC000  }
0x34: {  	[spmem:s2] =	stream.indirect.scatter.add.f32 [tilespmem:s19], [sflag:$0x4], $0x80, s23, s18, $0xb8;
	[tilespmem:$0x1EC00] =	vst v63  }
0x35: {  	_ =	swait.ge [sflag:s21], $0x4000  }
0x36: {  	s25 =	simm.s32 $0x0;
	s24 =	sadd.s32 $0xFFFFFFFF, s24;
	[sflag:s21] =	ssyncset.done $0x0  }
.LBB2_2:
0x37: {  	[sflag:s21] =	ssyncadd.s32 $0xFFFFC000;
	s25 =	sadd.s32 $0x80, s25;
	s23 =	sadd.s32 $0x80, s23  }
0x38: {  	[tilespmem:s19], [sflag:$0x3] =	stream.indirect.gather [hbm4b:s4+s18], $0x80, s25, s18, $0xb8;
	[tilespmem:$0x1EC00] =	vst v63  }
0x39: {  	p1 =	sne.s32 s24, $0x1;
	s24 =	sadd.s32 $0xFFFFFFFF, s24;
	_ =	swait.ge [sflag:s20], $0x4000  }
.Ltmp1:
0x3a: {  	[sflag:s20] =	ssyncset.done $0x0;
	(pc) =	sbr.rel @p1 .LBB2_2-.Ltmp1, $4  }
0x3b: {  	[sflag:s20] =	ssyncadd.s32 $0xFFFFC000  }
0x3c: {  	[spmem:s2] =	stream.indirect.scatter.add.f32 [tilespmem:s19], [sflag:$0x4], $0x80, s23, s18, $0xb8;
	[tilespmem:$0x1EC00] =	vst v63  }
0x3d: {  	_ =	swait.ge [sflag:s21], $0x4000  }
0x3e: {  	[sflag:s21] =	ssyncset.done $0x0  }
.LBB2_3:
0x3f: {  	[sflag:s21] =	ssyncadd.s32 $0xFFFFC000;
	s22 =	sadd.s32 $0x1, s22  }
0x40: {  	s23 =	sshll.u32 s1, $0x6;
	s24 =	sshrl.u32 s7, $0x3;
	p1 =	sne.s32 s22, s13  }
.Ltmp2:
0x41: {  	[bflag:$0x0] =	sbarrier.arrive $0xFFFF;
	s23 =	sor.u32 $0x1C04, s23;
	(pc) =	sbr.rel @p1 .LBB2_1-.Ltmp2, $4  }
0x42: {  	[hbm:s12], [sflag:s23] =	dma.local [spmem:s24], $0x2780  }
0x43: {  	_ =	swait.ge [sflag:s21], $0x2780  }
0x44: {  	[sflag:s21] =	ssyncset.done $0x0  }
0x45: {  	[sflag:s21] =	ssyncadd.s32 $0xFFFFD880  }
0x46: {  	_ =	sfence.sel $0x180000  }
0x47: {  	[bflag:$0x0] =	sbarrier.arrive $0xFFFF  }
0x48: {  	p0 =	sne.s32 s1, $0x0;
	_ =	strace $0x9000004D  }
0x49: {  	s0 =	sadd.s32 @!p0 $0x100000, s0;
	[bflag:$0x2] =	sbarrier.arrive $0xFFFF  }
0x4a: {  	[sflag:s0] =	ssyncadd.tile.s32 @!p0 $0x1;
	_ =	shalt  }
.Lfunc_end2:
_tile_overlayer_lowered:
.L_overlay_start_2:
0x4b: {  	(tag) =	ssettag $0x2  }
0x4c: {  	s0 =	rddreg [dreg:$0x0];
	s2 =	stileid.u32  }
0x4d: {  	s1 =	rddreg [dreg:$0x1];
	p0 =	sne.s32 s2, $0x0  }
0x4e: {  	s3 =	rddreg [dreg:$0x2];
	[bflag:$0x3] =	sbarrier.arrive $0xFFFF;
	s2 =	simm.s32 @!p0 $0x1C04  }
0x4f: {  	[timem:s3], [sflag:s2] =	dma.local @!p0 [hbm:s0], s1  }
0x50: {  	s0 =	simm.s32 @!p0 $0x4  }
0x51: {  	_ =	swait.ge @!p0 [sflag:s0], s1  }
0x52: {  	s1 =	ssub.s32 @!p0 $0x0, s1;
	[sflag:s0] =	ssyncset.done @!p0 $0x0  }
0x53: {  	[sflag:s0] =	ssyncadd.s32 @!p0 s1  }
0x54: {  	[bflag:$0x3] =	sbarrier.arrive $0xFFFF  }
0x55: {  	_ =	shalt  }

// kernel: kernel.19.cloned.1.call-start
scs
__scs_entry_jumppad:
0x0: {  	(pc) =	sbr.rel $0x88, $3  }
0x1: {  	(tag) =	ssettag $0x0;
	lr =	simm.s32 $0x1  }
0x2: {  	[smem:$0x3F94] =	sst lr;
	_ =	strace $0xD0000000  }
0x3: {  	_ = 	snop  }
0x4: {  	_ = 	snop  }
0x5: {  	_ = 	snop  }
0x6: {  	_ = 	snop  }
0x7: {  	_ = 	snop  }
__scs_overlays_trampoline_lowered:
0x8: {  	[smem:$0x3FA3] =	sst s0  }
0x9: {  	[smem:$0x3FA4] =	sst s1  }
0xa: {  	[smem:$0x3FA5] =	sst s2  }
0xb: {  	[smem:$0x3FA6] =	sst s3  }
0xc: {  	[smem:$0x3FA7] =	sst s4  }
0xd: {  	[smem:$0x3FA8] =	sst s5  }
0xe: {  	[smem:$0x3FA9] =	sst s6  }
0xf: {  	[smem:$0x3FAA] =	sst s7  }
0x10: {  	[smem:$0x3FAB] =	sst s8  }
0x11: {  	[smem:$0x3FAC] =	sst s9;
	s0 =	simm.s32 @!p0 $0x0  }
0x12: {  	s1 =	sld [smem:$0x3F92];
	s0 =	simm.s32 @p0 $0x1  }
0x13: {  	[smem:$0x3FAD] =	sst s0;
	s0 =	simm.s32 @!p1 $0x0  }
0x14: {  	s2 =	sld [smem:$0x3F91];
	s0 =	simm.s32 @p1 $0x1  }
0x15: {  	[smem:$0x3FAE] =	sst s0;
	s0 =	simm.s32 @!p2 $0x0  }
0x16: {  	s3 =	sld [smem:$0x3FDB];
	s0 =	simm.s32 @p2 $0x1  }
0x17: {  	s4 =	simm.s32 $0x1BF5;
	[smem:$0x3FB0] =	sst s0  }
0x18: {  	s0 =	sld [smem:$0x3F93];
	_ =	swait.ge [sflag:s4], $0x0  }
0x19: {  	s7 =	sld [smem:$0x3F94]  }
0x1a: {  	s8 =	sadd.s32 $0xFFFFE003, lr  }
0x1b: {  	s9 =	sadd.s32 $0xFFFFFEF7, lr;
	s5 =	simm.s32 $0xFFFFFFFF;
	p2 =	slt.u32 s8, $0xFFFFF086  }
0x1c: {  	p1 =	slt.u32 s9, $0xF7A;
	s5 =	simm.s32 @!p2 $0x0  }
0x1d: {  	s5 =	simm.s32 @p1 $0x1;
	p0 =	seq.s32 s7, s2  }
0x1e: {  	s7 =	smul.u32 @!p0 $0xF7A, s2;
	p2 =	seq.s32 @!p0 s5, $0x0  }
0x1f: {  	s9 =	smul.u32 $0xF7A, s1;
	s8 =	simm.s32 @!p0 $0x1BF5;
	p2 =	por !p2, p0  }
0x20: {  	[sflag:s8] =	ssyncset.s32 @!p0 $0xFFFFF086;
	s6 =	sadd.s32 @!p0 s3, s7;
	s7 =	simm.s32 @!p0 $0x108  }
0x21: {  	s3 =	sadd.s32 s3, s9;
	s6 =	sadd.s32 @!p0 $0x88, s6;
	s7 =	simm.s32 @p2 $0x1082  }
0x22: {  	[simem:s7], [sflag:s8] =	dma.local @!p0 [hbm:s6], $0xF7A  }
0x23: {  	s9 =	sor.u32 $0xD0000000, s2;
	s6 =	simm.s32 $0x108;
	_ =	swait.ge @!p0 [sflag:s8], $0x0  }
0x24: {  	s3 =	sadd.s32 $0x88, s3;
	s6 =	simm.s32 @!p1 $0x1082;
	[sflag:s4] =	ssyncset.s32 $0xFFFFF086  }
0x25: {  	[simem:s6], [sflag:s4] =	dma.local [hbm:s3], $0xF7A  }
0x26: {  	[smem:$0x3F94] =	sst s1;
	(tag) =	ssettag s2;
	_ =	strace s9  }
0x27: {  	s1 =	sld [smem:$0x3FA4]  }
0x28: {  	s2 =	sld [smem:$0x3FA5]  }
0x29: {  	s4 =	sld [smem:$0x3FA7]  }
0x2a: {  	p0 =	seq.s32 s5, $0x0;
	s5 =	sld [smem:$0x3FA8]  }
0x2b: {  	s6 =	sld [smem:$0x3FA9]  }
0x2c: {  	s7 =	sld [smem:$0x3FAA]  }
0x2d: {  	s3 =	simm.s32 $0x108;
	s8 =	sld [smem:$0x3FAB]  }
0x2e: {  	s3 =	simm.s32 @!p0 $0x1082;
	s9 =	sld [smem:$0x3FAC]  }
0x2f: {  	lr =	sadd.s32 s0, s3;
	s0 =	sld [smem:$0x3FA3]  }
0x30: {  	s3 =	sld [smem:$0x3FA6]  }
0x31: {  	[smem:$0x3FAF] =	sst s10  }
0x32: {  	s10 =	sld [smem:$0x3FAD];
	_ =	sdelay $0x3  }
0x33: {  	p0 =	seq.s32 s10, $0x1;
	s10 =	sld [smem:$0x3FAF];
	_ =	sdelay $0x3  }
0x34: {  	[smem:$0x3FAF] =	sst s10  }
0x35: {  	s10 =	sld [smem:$0x3FAE];
	_ =	sdelay $0x3  }
0x36: {  	p1 =	seq.s32 s10, $0x1;
	s10 =	sld [smem:$0x3FAF];
	_ =	sdelay $0x3  }
0x37: {  	[smem:$0x3FAF] =	sst s10  }
0x38: {  	s10 =	sld [smem:$0x3FB0]  }
0x39: {  	_ = 	snop;
	(pc) =	sbr.ind lr, $3  }
0x3a: {  	_ = 	snop  }
0x3b: {  	_ = 	snop  }
0x3c: {  	p2 =	seq.s32 s10, $0x1;
	s10 =	sld [smem:$0x3FAF]  }
0x3d: {  	_ =	shalt  }
0x3e: {  	_ =	shalt  }
0x3f: {  	_ =	shalt  }
0x40: {  	_ =	shalt  }
0x41: {  	_ =	shalt  }
0x42: {  	_ =	shalt  }
0x43: {  	_ =	shalt  }
0x44: {  	_ =	shalt  }
0x45: {  	_ =	shalt  }
0x46: {  	_ =	shalt  }
0x47: {  	_ =	shalt  }
0x48: {  	_ =	shalt  }
0x49: {  	_ =	shalt  }
0x4a: {  	_ =	shalt  }
0x4b: {  	_ =	shalt  }
0x4c: {  	_ =	shalt  }
0x4d: {  	_ =	shalt  }
0x4e: {  	_ =	shalt  }
0x4f: {  	_ =	shalt  }
0x50: {  	_ =	shalt  }
0x51: {  	_ =	shalt  }
0x52: {  	_ =	shalt  }
0x53: {  	_ =	shalt  }
0x54: {  	_ =	shalt  }
0x55: {  	_ =	shalt  }
0x56: {  	_ =	shalt  }
0x57: {  	_ =	shalt  }
0x58: {  	_ =	shalt  }
0x59: {  	_ =	shalt  }
0x5a: {  	_ =	shalt  }
0x5b: {  	_ =	shalt  }
0x5c: {  	_ =	shalt  }
0x5d: {  	_ =	shalt  }
0x5e: {  	_ =	shalt  }
0x5f: {  	_ =	shalt  }
0x60: {  	_ =	shalt  }
0x61: {  	_ =	shalt  }
0x62: {  	_ =	shalt  }
0x63: {  	_ =	shalt  }
0x64: {  	_ =	shalt  }
0x65: {  	_ =	shalt  }
0x66: {  	_ =	shalt  }
0x67: {  	_ =	shalt  }
0x68: {  	_ =	shalt  }
0x69: {  	_ =	shalt  }
0x6a: {  	_ =	shalt  }
0x6b: {  	_ =	shalt  }
0x6c: {  	_ =	shalt  }
0x6d: {  	_ =	shalt  }
0x6e: {  	_ =	shalt  }
0x6f: {  	_ =	shalt  }
0x70: {  	_ =	shalt  }
0x71: {  	_ =	shalt  }
0x72: {  	_ =	shalt  }
0x73: {  	_ =	shalt  }
0x74: {  	_ =	shalt  }
0x75: {  	_ =	shalt  }
0x76: {  	_ =	shalt  }
0x77: {  	_ =	shalt  }
0x78: {  	_ =	shalt  }
0x79: {  	_ =	shalt  }
0x7a: {  	_ =	shalt  }
0x7b: {  	_ =	shalt  }
0x7c: {  	_ =	shalt  }
0x7d: {  	_ =	shalt  }
0x7e: {  	_ =	shalt  }
0x7f: {  	_ =	shalt  }
0x80: {  	_ =	shalt  }
0x81: {  	_ =	shalt  }
0x82: {  	_ =	shalt  }
0x83: {  	_ =	shalt  }
0x84: {  	_ =	shalt  }
0x85: {  	_ =	shalt  }
0x86: {  	_ =	shalt  }
0x87: {  	_ =	shalt  }
.Lfunc_end0:
.L_simem_size_0:
called_computation.3_lowered:
.L_overlay_start_0:
0x88: {  	s2 =	sld [smem:$0x3FD9]  }
0x89: {  	s3 =	sld [smem:$0x3FFE];
	_ =	sdelay $0x1  }
0x8a: {  	s1 =	srdreg.scid  }
0x8b: {  	s0 =	sand.u32 $0x1, s1  }
0x8c: {  	s16 =	sshll.u32 s0, $0xA;
	s2 =	sadd.s32 s3, s2  }
0x8d: {  	s2 =	sadd.s32 s2, s16  }
0x8e: {  	[smem:$0x3FBB] =	sst s2  }
0x8f: {  	_ = 	snop  }
0x90: {  	(tm) =	ssettm $0x1  }
0x91: {  	s17 =	sld [smem:$0x3FFB];
	_ =	sdelay $0x3  }
0x92: {  	_ =	strace s17  }
0x93: {  	s2 =	sld [smem:$0x3FFC];
	_ =	sdelay $0x3  }
0x94: {  	_ =	strace s2  }
0x95: {  	s2 =	sld [smem:$0x3FFD];
	_ =	sdelay $0x3  }
0x96: {  	_ =	strace s2  }
0x97: {  	_ =	strace $0x8FFFFFFF  }
0x98: {  	s18 =	sld [smem:$0x3FDB];
	_ =	sdelay $0x1  }
0x99: {  	s19 =	simm.s32 $_scs_section_size  }
0x9a: {  	s4 =	simm.s32 $_size__tile_overlayer_lowered;
	s5 =	simm.s32 $_tile_overlayer_lowered  }
0x9b: {  	s22 =	simm.s32 $0x1BFF;
	s21 =	sshll.u32 s5, $0x1;
	s2 =	sadd.s32 s19, s18  }
0x9c: {  	s6 =	simm.s32 $0x0;
	s20 =	sshll.u32 s4, $0x1;
	s4 =	sadd.s32 s21, s2  }
0x9d: {  	[timem:s6], [sflag:s22] =	dma.local [hbm:s4], s20  }
0x9e: {  	_ =	swait.ge [sflag:s22], s20  }
0x9f: {  	s3 =	ssub.s32 $0x0, s20;
	[sflag:s22] =	ssyncset.done $0x0  }
0xa0: {  	[sflag:s22] =	ssyncadd.s32 s3;
	_ =	sdelay $0x1  }
0xa1: {  	s23 =	simm.s32 $0x1B8B  }
0xa2: {  	_ =	swait.ge [sflag:s23], $0x1  }
0xa3: {  	[sflag:s23] =	ssyncset.done $0x0  }
0xa4: {  	s25 =	simm.s32 $0x1B8E;
	s24 =	sld [smem:$0x3FFE];
	[sflag:s23] =	ssyncadd.s32 $0xFFFFFFFF  }
0xa5: {  	s26 =	simm.s32 $execute0_lowered;
	[smem:$0x3FD2] =	sst s25  }
0xa6: {  	s4 =	sshll.u32 s26, $0x1;
	_ =	strace $0x8000004F;
	[dreg:$0x1] =	wrdreg $0xFFFFFFFF  }
0xa7: {  	s28 =	simm.s32 $_size_execute0_lowered;
	s2 =	sadd.s32 s2, s4;
	[dreg:$0x0] =	wrdreg $0x0  }
0xa8: {  	s4 =	sshll.u32 s28, $0x1;
	[dreg:$0x2] =	wrdreg s2  }
0xa9: {  	[dreg:$0x3] =	wrdreg s4  }
0xaa: {  	[dreg:$0x4] =	wrdreg $0xC0  }
0xab: {  	_ =	task [dreg:s6], $0x5FFFF  }
0xac: {  	[dreg:$0x1] =	wrdreg $0xFFFFFFFF  }
0xad: {  	[dreg:$0x0] =	wrdreg $0x60  }
0xae: {  	[dreg:$0x2] =	wrdreg s24  }
0xaf: {  	[dreg:$0x3] =	wrdreg $0xB0000  }
0xb0: {  	[dreg:$0x4] =	wrdreg $0x9  }
0xb1: {  	_ =	task.clear_ibuf [dreg:s6], $0x5FFFF;
	_ =	strace $0x9000004F  }
0xb2: {  	s29 =	simm.s32 $0x9;
	_ =	strace $0x80000051  }
0xb3: {  	_ =	swait.ge [sflag:s29], $0x1  }
0xb4: {  	[sflag:s29] =	ssyncadd.s32 $0xFFFFFFFF  }
0xb5: {  	_ =	strace $0x90000051  }
0xb6: {  	_ =	sfence  }
0xb7: {  	s30 =	sld [smem:$0x0];
	_ =	sdelay $0x2  }
0xb8: {  	s31 =	sshll.u32 s1, $0xD;
	s1 =	sshrl.u32 s1, $0x2  }
0xb9: {  	s3 =	sand.u32 $0x4000, s31;
	s1 =	sadd.s32 s1, s30  }
0xba: {  	s0 =	sor.u32 s3, s0;
	s1 =	sshll.u32 s1, $0x11  }
0xbb: {  	s0 =	sor.u32 s1, s0  }
0xbc: {  	s0 =	sadd.s32 $0x8F2B, s0  }
0xbd: {  	[sflag:s0] =	ssyncadd.remote.s32 $0x1  }
0xbe: {  	_ =	sfence.sel $0xFFFF  }
0xbf: {  	[dreg:$0x0] =	wrdreg $0xFFFFFFFF;
	(pc) =	sbr.abs _section_cstart, $3  }
0xc0: {  	[dreg:$0x1] =	wrdreg $0xFFFFFFFF  }
0xc1: {  	_ =	task.clear_ibuf [dreg:s6], $0x2FFFF;
	_ =	strace $0x9FFFFFFF  }
0xc2: {  	(tm) =	ssettm $0x7FFFFFFF  }
0xc3: {  	_ =	shalt  }
tec
execute0_lowered:
.L_overlay_start_1:
0x0: {  	(tag) =	ssettag $0x1  }
0x1: {  	s5 =	rddreg [dreg:$0x0]  }
0x2: {  	s2 =	rddreg [dreg:$0x1];
	s1 =	stileid.u32  }
0x3: {  	s0 =	rddreg [dreg:$0x2];
	s11 =	smul.u32 $0x2780, s1  }
0x4: {  	s4 =	srdreg.scid;
	s3 =	simm.s32 $0x0;
	s6 =	smul.u32 $0x700, s1  }
0x5: {  	s18 =	simm.s32 $0x80;
	s19 =	simm.s32 $0x7000;
	s8 =	smul.u32 $0x13C00, s1  }
0x6: {  	s20 =	simm.s32 $0x3;
	s21 =	simm.s32 $0x4;
	s29 =	smul.u32 $0x380, s1  }
0x7: {  	s22 =	simm.s32 $0x0;
	s13 =	sand.u32 $0x1, s4;
	s12 =	smul.u32 $0x4F000, s1  }
0x8: {  	[smem:$0x7FF] =	sst s3;
	s4 =	sadd.s32 $0xCE00, s5;
	s7 =	smul.u32 $0x13C000, s13  }
0x9: {  	_ =	strace $0x80000050;
	s30 =	ssub.s32 $0x2, s13;
	p0 =	sne.s32 s13, $0x0  }
0xa: {  	s9 =	sadd.s32 s11, s5;
	s10 =	sadd.s32 s6, s5;
	s6 =	sadd.s32 s29, s5  }
0xb: {  	s14 =	sshrl.u32 s30, $0x1;
	s31 =	sshrl.u32 s12, $0x2;
	s11 =	sadd.s32 s4, s11  }
0xc: {  	s16 =	sshll.u32 @!p0 s1, $0x6;
	s7 =	sadd.s32 s8, s7;
	s14 =	ssub.s32 s30, s14  }
0xd: {  	s8 =	sadd.s32 $0x34600, s9;
	s9 =	sadd.s32 $0xAE600, s10;
	s10 =	sadd.s32 $0x5E00, s10  }
0xe: {  	s16 =	sor.u32 @!p0 $0x1C04, s16;
	s7 =	sshrl.u32 s7, $0x3;
	s13 =	smax.u32 s14, $0x1  }
0xf: {  	s14 =	sshll.u32 @p0 s1, $0x6;
	s15 =	sadd.s32 s7, s5;
	s5 =	sadd.s32 $0xAAE00, s6  }
0x10: {  	s6 =	sadd.s32 $0x2600, s6;
	s7 =	sadd.s32 s31, s2;
	s14 =	sor.u32 @p0 $0x1C04, s14  }
0x11: {  	s12 =	sadd.s32 $0x5BE00, s15;
	s15 =	sshrl.u32 @p0 s7, $0x3;
	s17 =	sshrl.u32 @!p0 s7, $0x3  }
.LBB2_1:
0x12: {  	s23 =	simm.s32 @p0 $0x0  }
0x13: {  	[tilespmem:s23], [sflag:$0x1] =	stream.linear.gather @p0 [hbm4b:s5+s23], $0x1A00, $0x38;
	[tilespmem:$0x1EC00] =	vst v63  }
0x14: {  	s24 =	simm.s32 @p0 $0x3800  }
0x15: {  	[tilespmem:s24], [sflag:$0x2] =	stream.linear.gather @p0 [hbm4b:s6+s23], $0x1A00, $0x38;
	[tilespmem:$0x1EC00] =	vst v63  }
0x16: {  	s23 =	simm.s32 @p0 $0x4  }
0x17: {  	[spmem:s15], [sflag:s14] =	dma.local @p0 [hbm:s8], $0x2780  }
0x18: {  	_ =	swait.ge @p0 [sflag:s23], $0x2780  }
0x19: {  	[sflag:s23] =	ssyncset.done @p0 $0x0  }
0x1a: {  	[sflag:s23] =	ssyncadd.s32 @p0 $0xFFFFD880;
	s23 =	simm.s32 @p0 $0x1  }
0x1b: {  	_ =	swait.ge @p0 [sflag:s23], $0x1A00  }
0x1c: {  	[sflag:s23] =	ssyncset.done @p0 $0x0  }
0x1d: {  	[sflag:s23] =	ssyncadd.s32 @p0 $0xFFFFE600;
	s23 =	simm.s32 @p0 $0x2  }
0x1e: {  	_ =	swait.ge @p0 [sflag:s23], $0x1A00  }
0x1f: {  	[sflag:s23] =	ssyncset.done @p0 $0x0  }
0x20: {  	[sflag:s23] =	ssyncadd.s32 @p0 $0xFFFFE600;
	s23 =	simm.s32 @!p0 $0x0  }
0x21: {  	[tilespmem:s23], [sflag:$0x1] =	stream.linear.gather @!p0 [hbm4b:s9+s23], $0x3500, $0x38;
	[tilespmem:$0x1EC00] =	vst v63  }
0x22: {  	s24 =	simm.s32 @!p0 $0x3800  }
0x23: {  	[tilespmem:s24], [sflag:$0x2] =	stream.linear.gather @!p0 [hbm4b:s10+s23], $0x3500, $0x38;
	[tilespmem:$0x1EC00] =	vst v63  }
0x24: {  	s23 =	simm.s32 @!p0 $0x4  }
0x25: {  	[spmem:s17], [sflag:s16] =	dma.local @!p0 [hbm:s11], $0x2780  }
0x26: {  	_ =	swait.ge @!p0 [sflag:s23], $0x2780  }
0x27: {  	[sflag:s23] =	ssyncset.done @!p0 $0x0  }
0x28: {  	[sflag:s23] =	ssyncadd.s32 @!p0 $0xFFFFD880;
	s23 =	simm.s32 @!p0 $0x1  }
0x29: {  	_ =	swait.ge @!p0 [sflag:s23], $0x3500  }
0x2a: {  	[sflag:s23] =	ssyncset.done @!p0 $0x0  }
0x2b: {  	[sflag:s23] =	ssyncadd.s32 @!p0 $0xFFFFCB00;
	s23 =	simm.s32 @!p0 $0x2  }
0x2c: {  	_ =	swait.ge @!p0 [sflag:s23], $0x3500  }
0x2d: {  	[sflag:s23] =	ssyncset.done @!p0 $0x0  }
0x2e: {  	s24 =	simm.s32 @!p0 $0x6A;
	[sflag:s23] =	ssyncadd.s32 @!p0 $0xFFFFCB00  }
0x2f: {  	s24 =	simm.s32 @p0 $0x34;
	[bflag:$0x0] =	sbarrier.arrive $0xFFFF  }
0x30: {  	[tilespmem:s19], [sflag:$0x3] =	stream.indirect.gather [hbm4b:s4+s18], $0x80, s3, s18, $0xb8;
	[tilespmem:$0x1EC00] =	vst v63  }
0x31: {  	p1 =	sne.s32 s24, $0x1;
	_ =	swait.ge [sflag:s20], $0x4000  }
.Ltmp0:
0x32: {  	[sflag:s20] =	ssyncset.done $0x0;
	(pc) =	sbr.rel @!p1 .LBB2_3-.Ltmp0, $4  }
0x33: {  	s23 =	simm.s32 $0x3800;
	[sflag:s20] =	ssyncadd.s32 $0xFFFFC000  }
0x34: {  	[spmem:s2] =	stream.indirect.scatter.add.f32 [tilespmem:s19], [sflag:$0x4], $0x80, s23, s18, $0xb8;
	[tilespmem:$0x1EC00] =	vst v63  }
0x35: {  	_ =	swait.ge [sflag:s21], $0x4000  }
0x36: {  	s25 =	simm.s32 $0x0;
	s24 =	sadd.s32 $0xFFFFFFFF, s24;
	[sflag:s21] =	ssyncset.done $0x0  }
.LBB2_2:
0x37: {  	[sflag:s21] =	ssyncadd.s32 $0xFFFFC000;
	s25 =	sadd.s32 $0x80, s25;
	s23 =	sadd.s32 $0x80, s23  }
0x38: {  	[tilespmem:s19], [sflag:$0x3] =	stream.indirect.gather [hbm4b:s4+s18], $0x80, s25, s18, $0xb8;
	[tilespmem:$0x1EC00] =	vst v63  }
0x39: {  	p1 =	sne.s32 s24, $0x1;
	s24 =	sadd.s32 $0xFFFFFFFF, s24;
	_ =	swait.ge [sflag:s20], $0x4000  }
.Ltmp1:
0x3a: {  	[sflag:s20] =	ssyncset.done $0x0;
	(pc) =	sbr.rel @p1 .LBB2_2-.Ltmp1, $4  }
0x3b: {  	[sflag:s20] =	ssyncadd.s32 $0xFFFFC000  }
0x3c: {  	[spmem:s2] =	stream.indirect.scatter.add.f32 [tilespmem:s19], [sflag:$0x4], $0x80, s23, s18, $0xb8;
	[tilespmem:$0x1EC00] =	vst v63  }
0x3d: {  	_ =	swait.ge [sflag:s21], $0x4000  }
0x3e: {  	[sflag:s21] =	ssyncset.done $0x0  }
.LBB2_3:
0x3f: {  	[sflag:s21] =	ssyncadd.s32 $0xFFFFC000;
	s22 =	sadd.s32 $0x1, s22  }
0x40: {  	s23 =	sshll.u32 s1, $0x6;
	s24 =	sshrl.u32 s7, $0x3;
	p1 =	sne.s32 s22, s13  }
.Ltmp2:
0x41: {  	[bflag:$0x0] =	sbarrier.arrive $0xFFFF;
	s23 =	sor.u32 $0x1C04, s23;
	(pc) =	sbr.rel @p1 .LBB2_1-.Ltmp2, $4  }
0x42: {  	[hbm:s12], [sflag:s23] =	dma.local [spmem:s24], $0x2780  }
0x43: {  	_ =	swait.ge [sflag:s21], $0x2780  }
0x44: {  	[sflag:s21] =	ssyncset.done $0x0  }
0x45: {  	[sflag:s21] =	ssyncadd.s32 $0xFFFFD880  }
0x46: {  	_ =	sfence.sel $0x180000  }
0x47: {  	[bflag:$0x0] =	sbarrier.arrive $0xFFFF  }
0x48: {  	p0 =	sne.s32 s1, $0x0;
	_ =	strace $0x90000050  }
0x49: {  	s0 =	sadd.s32 @!p0 $0x100000, s0;
	[bflag:$0x2] =	sbarrier.arrive $0xFFFF  }
0x4a: {  	[sflag:s0] =	ssyncadd.tile.s32 @!p0 $0x1;
	_ =	shalt  }
.Lfunc_end2:
_tile_overlayer_lowered:
.L_overlay_start_2:
0x4b: {  	(tag) =	ssettag $0x2  }
0x4c: {  	s0 =	rddreg [dreg:$0x0];
	s2 =	stileid.u32  }
0x4d: {  	s1 =	rddreg [dreg:$0x1];
	p0 =	sne.s32 s2, $0x0  }
0x4e: {  	s3 =	rddreg [dreg:$0x2];
	[bflag:$0x3] =	sbarrier.arrive $0xFFFF;
	s2 =	simm.s32 @!p0 $0x1C04  }
0x4f: {  	[timem:s3], [sflag:s2] =	dma.local @!p0 [hbm:s0], s1  }
0x50: {  	s0 =	simm.s32 @!p0 $0x4  }
0x51: {  	_ =	swait.ge @!p0 [sflag:s0], s1  }
0x52: {  	s1 =	ssub.s32 @!p0 $0x0, s1;
	[sflag:s0] =	ssyncset.done @!p0 $0x0  }
0x53: {  	[sflag:s0] =	ssyncadd.s32 @!p0 s1  }
0x54: {  	[bflag:$0x3] =	sbarrier.arrive $0xFFFF  }
0x55: {  	_ =	shalt  }

</sc_bundles>
